<compile_context>
chip_gen: v7x
topology: tpu7x:2x2x1
jax: 0.10.2.dev20260603
libtpu: 0.0.44.dev20260713+nightly
codegen_flags: <defaults>
</compile_context>

<pallas_src>
import functools

import jax
import jax.numpy as jnp
from jax import lax
from jax.experimental import pallas as pl
from jax.experimental.pallas import tpu as pltpu
from jax.experimental.pallas import tpu_sc as plsc

_N = 10000
_NP = 10240
_E = 320000
_EP = 331776
_G = 64
_NW = 32
_EPW = _EP // _NW
_CH = 128
_NCH = _EPW // _CH
_BM = 1024
_NBLK = _NP // _BM

_sc_mesh = plsc.VectorSubcoreMesh(core_axis_name="c", subcore_axis_name="s")
_sc_params = pltpu.CompilerParams(needs_layout_passes=False)


def _wid():
    return lax.axis_index("s") * 2 + lax.axis_index("c")


@functools.partial(
    pl.kernel,
    out_type=jax.ShapeDtypeStruct((_NW, 80, 128), jnp.float32),
    mesh=_sc_mesh,
    compiler_params=_sc_params,
    scratch_types=[
        pltpu.VMEM((80, 128), jnp.float32),
        pltpu.VMEM((_CH,), jnp.int32),
        pltpu.VMEM((_CH,), jnp.float32),
    ],
)
def _deg_kernel(dst_hbm, ew_hbm, degp_hbm, acc, dstb, ewb):
    w = _wid()

    def zbody(i, _):
        acc[i // 8, pl.ds((i % 8) * 16, 16)] = jnp.zeros((16,), jnp.float32)
        return 0

    lax.fori_loop(0, 80 * 8, zbody, 0)

    def cbody(c, _):
        b = w * _EPW + c * _CH
        pltpu.sync_copy(dst_hbm.at[pl.ds(b, _CH)], dstb)
        pltpu.sync_copy(ew_hbm.at[pl.ds(b, _CH)], ewb)

        def ibody(i, _):
            idx = dstb[pl.ds(i * 16, 16)]
            val = ewb[pl.ds(i * 16, 16)]
            plsc.addupdate_scatter(
                acc, [jnp.right_shift(idx, 7), jnp.bitwise_and(idx, 127)],
                val)
            return 0

        lax.fori_loop(0, _CH // 16, ibody, 0)
        return 0

    lax.fori_loop(0, _NCH, cbody, 0)
    pltpu.sync_copy(acc, degp_hbm.at[w])


def _dinv_body(degp_ref, dinv_ref):
    deg = jnp.sum(degp_ref[...], axis=0)
    dinv_ref[...] = jnp.where(deg > 0, lax.rsqrt(deg), 0.0)


def _dinv_call(degp):
    return pl.pallas_call(
        _dinv_body,
        out_shape=jax.ShapeDtypeStruct((80, 128), jnp.float32),
    )(degp)


@functools.partial(
    pl.kernel,
    out_type=jax.ShapeDtypeStruct((_EP,), jnp.float32),
    mesh=_sc_mesh,
    compiler_params=_sc_params,
    scratch_types=[
        pltpu.VMEM((80, 128), jnp.float32),
        pltpu.VMEM((_CH,), jnp.int32),
        pltpu.VMEM((_CH,), jnp.int32),
        pltpu.VMEM((_CH,), jnp.float32),
        pltpu.VMEM((_CH,), jnp.float32),
    ],
)
def _norm_kernel(src_hbm, dst_hbm, ew_hbm, dinv_hbm, norm_hbm,
                 dinv_v, srcb, dstb, ewb, normb):
    w = _wid()
    pltpu.sync_copy(dinv_hbm, dinv_v)

    def cbody(c, _):
        b = w * _EPW + c * _CH
        pltpu.sync_copy(src_hbm.at[pl.ds(b, _CH)], srcb)
        pltpu.sync_copy(dst_hbm.at[pl.ds(b, _CH)], dstb)
        pltpu.sync_copy(ew_hbm.at[pl.ds(b, _CH)], ewb)

        def ibody(i, _):
            s = srcb[pl.ds(i * 16, 16)]
            d = dstb[pl.ds(i * 16, 16)]
            e = ewb[pl.ds(i * 16, 16)]
            ds_ = plsc.load_gather(
                dinv_v, [jnp.right_shift(s, 7), jnp.bitwise_and(s, 127)])
            dd = plsc.load_gather(
                dinv_v, [jnp.right_shift(d, 7), jnp.bitwise_and(d, 127)])
            normb[pl.ds(i * 16, 16)] = ds_ * e * dd
            return 0

        lax.fori_loop(0, _CH // 16, ibody, 0)
        pltpu.sync_copy(normb, norm_hbm.at[pl.ds(b, _CH)])
        return 0

    lax.fori_loop(0, _NCH, cbody, 0)


_ROWS_PER_TILE = _NP // 16
_ZR = 64


@functools.partial(
    pl.kernel,
    out_type=jax.ShapeDtypeStruct((2, _NP, 128), jnp.float32),
    mesh=_sc_mesh,
    compiler_params=_sc_params,
    scratch_types=[
        pltpu.VMEM_SHARED((_NP, 128), jnp.float32),
        pltpu.VMEM((_CH,), jnp.int32),
        pltpu.VMEM((_CH,), jnp.int32),
        pltpu.VMEM((_CH,), jnp.float32),
        pltpu.VMEM((_CH, 128), jnp.float32),
        pltpu.VMEM((_ZR, 128), jnp.float32),
        pltpu.SemaphoreType.DMA,
    ],
)
def _agg_kernel(hw_hbm, src_hbm, dst_hbm, norm_hbm, outp_hbm,
                acc_sh, srcb, dstb, normb, rows, zbuf, sem):
    cid = lax.axis_index("c")
    sid = lax.axis_index("s")
    w = sid * 2 + cid

    def zb(i, _):
        zbuf[i // 8, pl.ds((i % 8) * 16, 16)] = jnp.zeros((16,), jnp.float32)
        return 0

    lax.fori_loop(0, _ZR * 8, zb, 0)

    def zc(k, _):
        pltpu.sync_copy(zbuf, acc_sh.at[pl.ds(sid * _ROWS_PER_TILE
                                              + k * _ZR, _ZR)])
        return 0

    lax.fori_loop(0, _ROWS_PER_TILE // _ZR, zc, 0)
    plsc.subcore_barrier()

    def cbody(c, _):
        b = w * _EPW + c * _CH
        pltpu.sync_copy(src_hbm.at[pl.ds(b, _CH)], srcb)
        pltpu.sync_copy(dst_hbm.at[pl.ds(b, _CH)], dstb)
        pltpu.sync_copy(norm_hbm.at[pl.ds(b, _CH)], normb)
        pltpu.async_copy(hw_hbm.at[srcb], rows, sem).wait()

        def rbody(r, _):
            ridx = jnp.zeros((16,), jnp.int32) + r
            nv = plsc.load_gather(normb, [ridx])
            for c8 in range(8):
                sl = rows[r, pl.ds(c8 * 16, 16)]
                rows[r, pl.ds(c8 * 16, 16)] = sl * nv
            return 0

        lax.fori_loop(0, _CH, rbody, 0)
        pltpu.sync_copy(rows, acc_sh.at[dstb], add=True)
        return 0

    lax.fori_loop(0, _NCH, cbody, 0)
    plsc.subcore_barrier()
    pltpu.sync_copy(
        acc_sh.at[pl.ds(sid * _ROWS_PER_TILE, _ROWS_PER_TILE)],
        outp_hbm.at[cid, pl.ds(sid * _ROWS_PER_TILE, _ROWS_PER_TILE)])


def _mm_body(x_ref, w_ref, o_ref):
    o_ref[...] = jnp.dot(x_ref[...], w_ref[...],
                         preferred_element_type=jnp.float32)


def _mm(x, w):
    n = w.shape[1]
    return pl.pallas_call(
        _mm_body,
        grid=(_NBLK,),
        in_specs=[pl.BlockSpec((_BM, 128), lambda i: (i, 0)),
                  pl.BlockSpec((128, n), lambda i: (0, 0))],
        out_specs=pl.BlockSpec((_BM, n), lambda i: (i, 0)),
        out_shape=jax.ShapeDtypeStruct((_NP, n), jnp.float32),
    )(x, w)


def _mmbn_body(h_ref, st_ref, g_ref, be_ref, w_ref, o_ref):
    s = st_ref[0:1, :]
    ss = st_ref[1:2, :]
    mean = s * (1.0 / _N)
    var = ss * (1.0 / _N) - mean * mean
    scale = lax.rsqrt(var + 1e-5) * g_ref[...]
    shift = be_ref[...] - mean * scale
    hn = h_ref[...] * scale + shift
    o_ref[...] = jnp.dot(hn, w_ref[...], preferred_element_type=jnp.float32)


def _mmbn(h, st, g, be, w):
    n = w.shape[1]
    return pl.pallas_call(
        _mmbn_body,
        grid=(_NBLK,),
        in_specs=[pl.BlockSpec((_BM, 128), lambda i: (i, 0)),
                  pl.BlockSpec((8, 128), lambda i: (0, 0)),
                  pl.BlockSpec((128,), lambda i: (0,)),
                  pl.BlockSpec((128,), lambda i: (0,)),
                  pl.BlockSpec((128, n), lambda i: (0, 0))],
        out_specs=pl.BlockSpec((_BM, n), lambda i: (i, 0)),
        out_shape=jax.ShapeDtypeStruct((_NP, n), jnp.float32),
    )(h, st, g, be, w)


def _comb_body(outp_ref, b_ref, o_ref, st_ref, acc_ref):
    i = pl.program_id(0)
    v = outp_ref[0] + outp_ref[1] + b_ref[...]
    row = i * _BM + lax.broadcasted_iota(jnp.int32, (_BM, 1), 0)
    v = jnp.where(row < _N, v, 0.0)
    o_ref[...] = v

    @pl.when(i == 0)
    def _():
        acc_ref[...] = jnp.zeros_like(acc_ref)

    acc_ref[0:1, :] += jnp.sum(v, axis=0, keepdims=True)
    acc_ref[1:2, :] += jnp.sum(v * v, axis=0, keepdims=True)

    @pl.when(i == _NBLK - 1)
    def _():
        st_ref[...] = acc_ref[...]


def _comb(outp, b):
    return pl.pallas_call(
        _comb_body,
        grid=(_NBLK,),
        in_specs=[pl.BlockSpec((2, _BM, 128), lambda i: (0, i, 0)),
                  pl.BlockSpec((128,), lambda i: (0,))],
        out_specs=(pl.BlockSpec((_BM, 128), lambda i: (i, 0)),
                   pl.BlockSpec((8, 128), lambda i: (0, 0))),
        out_shape=(jax.ShapeDtypeStruct((_NP, 128), jnp.float32),
                   jax.ShapeDtypeStruct((8, 128), jnp.float32)),
        scratch_shapes=[pltpu.VMEM((8, 128), jnp.float32)],
    )(outp, b)


def _pool_body(outp_ref, b_ref, batch_ref, f1w_ref, f1b_ref, f2w_ref,
               f2b_ref, o_ref, pacc_ref):
    i = pl.program_id(0)
    v = outp_ref[0] + outp_ref[1] + b_ref[...]
    v = jnp.maximum(v, 0.0)
    row = i * _BM + lax.broadcasted_iota(jnp.int32, (_BM, 1), 0)
    v = jnp.where(row < _N, v, -jnp.inf)
    bt = batch_ref[...]

    @pl.when(i == 0)
    def _():
        pacc_ref[...] = jnp.full_like(pacc_ref, -jnp.inf)

    giota = lax.broadcasted_iota(jnp.int32, (_G, 1), 0)

    def gbody(g, _):
        m = bt == g
        mx = jnp.max(jnp.where(m, v, -jnp.inf), axis=0, keepdims=True)
        pacc_ref[...] = jnp.where(giota == g,
                                  jnp.maximum(pacc_ref[...], mx),
                                  pacc_ref[...])
        return 0

    lax.fori_loop(0, _G, gbody, 0)

    @pl.when(i == _NBLK - 1)
    def _():
        pooled = pacc_ref[...][:, :64]
        pooled = jnp.where(jnp.isfinite(pooled), pooled, 0.0)
        z = jnp.maximum(
            jnp.dot(pooled, f1w_ref[...],
                    preferred_element_type=jnp.float32) + f1b_ref[...], 0.0)
        o_ref[...] = jnp.dot(z, f2w_ref[...],
                             preferred_element_type=jnp.float32) + f2b_ref[...]


def _pool(outp, b, batch2, f1w, f1b, f2w, f2b):
    return pl.pallas_call(
        _pool_body,
        grid=(_NBLK,),
        in_specs=[pl.BlockSpec((2, _BM, 128), lambda i: (0, i, 0)),
                  pl.BlockSpec((128,), lambda i: (0,)),
                  pl.BlockSpec((_BM, 1), lambda i: (i, 0)),
                  pl.BlockSpec((64, 32), lambda i: (0, 0)),
                  pl.BlockSpec((32,), lambda i: (0,)),
                  pl.BlockSpec((32, 1), lambda i: (0, 0)),
                  pl.BlockSpec((1,), lambda i: (0,))],
        out_specs=pl.BlockSpec((_G, 1), lambda i: (0, 0)),
        out_shape=jax.ShapeDtypeStruct((_G, 1), jnp.float32),
        scratch_shapes=[pltpu.VMEM((_G, 128), jnp.float32)],
    )(outp, b, batch2, f1w, f1b, f2w, f2b)


def kernel(x, edge_index, edge_weights, batch, W1, b1, g1, be1, W2, b2, g2,
           be2, W3, b3, fc1_W, fc1_b, fc2_W, fc2_b):
    loop = jnp.arange(_NP, dtype=jnp.int32)
    epad = _EP - _E - _NP
    src = jnp.concatenate([edge_index[0], loop,
                           jnp.zeros((epad,), jnp.int32)])
    dst = jnp.concatenate([edge_index[1], loop,
                           jnp.zeros((epad,), jnp.int32)])
    ew = jnp.concatenate([edge_weights, jnp.ones((_NP,), jnp.float32),
                          jnp.zeros((epad,), jnp.float32)])
    xp = jnp.concatenate([x, jnp.zeros((_NP - _N, 128), jnp.float32)])
    batch2 = jnp.concatenate(
        [batch, jnp.full((_NP - _N,), _G - 1, jnp.int32)])[:, None]

    degp = _deg_kernel(dst, ew)
    dinv = _dinv_call(degp)
    norm = _norm_kernel(src, dst, ew, dinv)

    hw1 = _mm(xp, W1)
    p1 = _agg_kernel(hw1, src, dst, norm)
    h1, st1 = _comb(p1, b1)

    hw2 = _mmbn(h1, st1, g1, be1, W2)
    p2 = _agg_kernel(hw2, src, dst, norm)
    h2, st2 = _comb(p2, b2)

    W3p = jnp.concatenate([W3, jnp.zeros((128, 64), jnp.float32)], axis=1)
    b3p = jnp.concatenate([b3, jnp.zeros((64,), jnp.float32)])
    hw3 = _mmbn(h2, st2, g2, be2, W3p)
    p3 = _agg_kernel(hw3, src, dst, norm)
    out = _pool(p3, b3p, batch2, fc1_W, fc1_b, fc2_W, fc2_b)
    return out.reshape(-1)

# --- scband reference (transcript-rebuilt; emitter-appended) ---
"""Pipeline reference for scband-gcnnet-42142219108853 (READ-ONLY COPY).

The authoritative reference and input builder live on the scoring server;
editing this copy changes nothing except your own understanding.
"""

import jax, jax.numpy as jnp
import numpy as np

N = 10000
E = 320000
F_IN = 128
NUM_GRAPHS = 64

def setup_inputs(seed: int = 0):
    key = jax.random.key(seed)
    ks = jax.random.split(key, 16)
    s = 0.05
    inp = {}
    inp['x'] = jax.random.normal(ks[0], (N, F_IN), dtype=jnp.float32)
    inp['edge_index'] = jax.random.randint(ks[1], (2, E), 0, N, dtype=jnp.int32)
    inp['edge_weights'] = jax.random.uniform(ks[2], (E,), dtype=jnp.float32)
    inp['batch'] = jnp.sort(jax.random.randint(ks[3], (N,), 0, NUM_GRAPHS, dtype=jnp.int32))
    inp['W1'] = jax.random.normal(ks[4], (F_IN, 128), dtype=jnp.float32) * s
    inp['b1'] = jnp.zeros((128,), dtype=jnp.float32)
    inp['g1'] = jnp.ones((128,), dtype=jnp.float32)
    inp['be1'] = jnp.zeros((128,), dtype=jnp.float32)
    inp['W2'] = jax.random.normal(ks[5], (128, 128), dtype=jnp.float32) * s
    inp['b2'] = jnp.zeros((128,), dtype=jnp.float32)
    inp['g2'] = jnp.ones((128,), dtype=jnp.float32)
    inp['be2'] = jnp.zeros((128,), dtype=jnp.float32)
    inp['W3'] = jax.random.normal(ks[6], (128, 64), dtype=jnp.float32) * s
    inp['b3'] = jnp.zeros((64,), dtype=jnp.float32)
    inp['fc1_W'] = jax.random.normal(ks[7], (64, 32), dtype=jnp.float32) * s
    inp['fc1_b'] = jnp.zeros((32,), dtype=jnp.float32)
    inp['fc2_W'] = jax.random.normal(ks[8], (32, 1), dtype=jnp.float32) * s
    inp['fc2_b'] = jnp.zeros((1,), dtype=jnp.float32)
    return inp

def _gcn_conv(x, edge_index, edge_weight, W, b):
    # Faithful PyG GCNConv: linear, add self-loops (weight 1), symmetric norm, scatter-add
    n = x.shape[0]
    src = edge_index[0]
    dst = edge_index[1]
    loop = jnp.arange(n, dtype=src.dtype)
    src2 = jnp.concatenate([src, loop])
    dst2 = jnp.concatenate([dst, loop])
    ew2 = jnp.concatenate([edge_weight, jnp.ones((n,), dtype=edge_weight.dtype)])
    deg = jax.ops.segment_sum(ew2, dst2, num_segments=n)
    dinv = jnp.where(deg > 0, jax.lax.rsqrt(deg), 0.0)
    norm = dinv[src2] * ew2 * dinv[dst2]
    h = x @ W
    msg = jnp.take(h, src2, axis=0) * norm[:, None]
    out = jax.ops.segment_sum(msg, dst2, num_segments=n)
    return out + b

def _batch_norm(x, g, beta, eps=1e-5):
    mean = jnp.mean(x, axis=0)
    var = jnp.var(x, axis=0)
    return (x - mean) * jax.lax.rsqrt(var + eps) * g + beta

def reference(x, edge_index, edge_weights, batch, W1, b1, g1, be1, W2, b2, g2, be2, W3, b3, fc1_W, fc1_b, fc2_W, fc2_b):
    h = _gcn_conv(x, edge_index, edge_weights, W1, b1)
    h = _batch_norm(h, g1, be1)
    h = _gcn_conv(h, edge_index, edge_weights, W2, b2)
    h = _batch_norm(h, g2, be2)
    h = _gcn_conv(h, edge_index, edge_weights, W3, b3)
    h = jax.nn.relu(h)
    pooled = jax.ops.segment_max(h, batch, num_segments=NUM_GRAPHS)
    pooled = jnp.where(jnp.isfinite(pooled), pooled, 0.0)
    z = jax.nn.relu(pooled @ fc1_W + fc1_b)
    # dropout is identity in eval / deterministic reference
    out = z @ fc2_W + fc2_b
    return out.reshape(-1)

if __name__ == "__main__":
    import jax
    _d = setup_inputs()
    print(jax.jit(kernel)(*tuple(_d.values())))

</pallas_src>

<mosaic_0001>
#map = affine_map<(d0, d1) -> (0)>
#map1 = affine_map<(d0, d1) -> (0, 0, 0)>
module attributes {stable_mosaic.version = 14 : i64} {
  func.func @_deg_kernel(%arg0: i32, %arg1: i32, %arg2: memref<331776xi32, #tpu.memory_space<hbm>>, %arg3: memref<331776xf32, #tpu.memory_space<hbm>>, %arg4: memref<32x80x128xf32, #tpu.memory_space<hbm>>, %arg5: memref<80x128xf32, #tpu.memory_space<vmem>>, %arg6: memref<128xi32, #tpu.memory_space<vmem>>, %arg7: memref<128xf32, #tpu.memory_space<vmem>>) attributes {dimension_semantics = [#tpu.dimension_semantics<core_parallel>, #tpu.dimension_semantics<subcore_parallel>], iteration_bounds = array<i64: 2, 16>, scalar_prefetch = 0 : i64, scratch_operands = 3 : i64, tpu.core_type = #tpu.core_type<sc_vector_subcore>, window_params = [{transform_indices = #map}, {transform_indices = #map}, {transform_indices = #map1}]} {
    %mul3A = arith.constant 2 : i32
    %mul3A_0 = arith.muli %arg1, %mul3A : i32
    %add3A = arith.addi %mul3A_0, %arg0 : i32
    %scan3A = arith.constant 0 : i32
    %scan3A_1 = arith.constant 0 : i32
    %scan3A_2 = arith.constant 640 : i32
    %scan3A_3 = arith.addi %scan3A_1, %scan3A_2 : i32
    %scan3A_4 = arith.constant 1 : i32
    %scan3A_5 = scf.for %scan3A_14 = %scan3A_1 to %scan3A_3 step %scan3A_4 iter_args(%scan3A_15 = %scan3A) -> (i32)  : i32 {
      %broadcast_in_dim3A = arith.constant 0.000000e+00 : f32
      %broadcast_in_dim3A_16 = vector.broadcast %broadcast_in_dim3A : f32 to vector<16xf32>
      %jit3A = arith.constant 8 : i32
      %div3A = arith.divsi %scan3A_14, %jit3A : i32
      %sign3A = arith.constant 0 : i32
      %sign3A_17 = arith.cmpi sgt, %scan3A_14, %sign3A : i32
      %sign3A_18 = arith.extui %sign3A_17 : i1 to i32
      %sign3A_19 = arith.constant 0 : i32
      %sign3A_20 = arith.cmpi slt, %scan3A_14, %sign3A_19 : i32
      %sign3A_21 = arith.extui %sign3A_20 : i1 to i32
      %sign3A_22 = arith.subi %sign3A_18, %sign3A_21 : i32
      %sign3A_23 = arith.constant 0 : i32
      %sign3A_24 = arith.cmpi sgt, %jit3A, %sign3A_23 : i32
      %sign3A_25 = arith.extui %sign3A_24 : i1 to i32
      %sign3A_26 = arith.constant 0 : i32
      %sign3A_27 = arith.cmpi slt, %jit3A, %sign3A_26 : i32
      %sign3A_28 = arith.extui %sign3A_27 : i1 to i32
      %sign3A_29 = arith.subi %sign3A_25, %sign3A_28 : i32
      %ne3A = arith.cmpi ne, %sign3A_22, %sign3A_29 : i32
      %rem3A = arith.remsi %scan3A_14, %jit3A : i32
      %ne3A_30 = arith.constant 0 : i32
      %ne3A_31 = arith.cmpi ne, %rem3A, %ne3A_30 : i32
      %and3A = arith.andi %ne3A, %ne3A_31 : i1
      %sub3A = arith.constant 1 : i32
      %sub3A_32 = arith.subi %div3A, %sub3A : i32
      %select_n3A = arith.select %and3A, %sub3A_32, %div3A : i32
      %jit3A_33 = arith.constant 8 : i32
      %eq3A = arith.constant 0 : i32
      %eq3A_34 = arith.cmpi eq, %jit3A_33, %eq3A : i32
      %jit3A_35 = arith.constant 1 : i32
      %select_n3A_36 = arith.select %eq3A_34, %jit3A_35, %jit3A_33 : i32
      %rem3A_37 = arith.remsi %scan3A_14, %select_n3A_36 : i32
      %ne3A_38 = arith.constant 0 : i32
      %ne3A_39 = arith.cmpi ne, %rem3A_37, %ne3A_38 : i32
      %lt3A = arith.constant 0 : i32
      %lt3A_40 = arith.cmpi slt, %rem3A_37, %lt3A : i32
      %lt3A_41 = arith.constant 0 : i32
      %lt3A_42 = arith.cmpi slt, %select_n3A_36, %lt3A_41 : i32
      %ne3A_43 = arith.xori %lt3A_40, %lt3A_42 : i1
      %and3A_44 = arith.andi %ne3A_43, %ne3A_39 : i1
      %add3A_45 = arith.addi %rem3A_37, %select_n3A_36 : i32
      %select_n3A_46 = arith.select %and3A_44, %add3A_45, %rem3A_37 : i32
      %mul3A_47 = arith.constant 16 : i32
      %mul3A_48 = arith.muli %select_n3A_46, %mul3A_47 : i32
      %swap3A = arith.index_cast %select_n3A : i32 to index
      %swap3A_49 = arith.index_cast %mul3A_48 : i32 to index
      %swap3A_50 = tpu.vector_load %arg5[%swap3A, %swap3A_49] {strides = array<i32>} : memref<80x128xf32, #tpu.memory_space<vmem>>, vector<16xf32>,
      tpu.vector_store %arg5[%swap3A, %swap3A_49], %broadcast_in_dim3A_16 {strides = array<i32>} : memref<80x128xf32, #tpu.memory_space<vmem>>, vector<16xf32>,
      %scan3A_51 = arith.constant 0 : i32
      scf.yield %scan3A_51 : i32
    }
    %scan3A_6 = arith.constant 640 : i32
    %scan3A_7 = arith.constant 0 : i32
    %scan3A_8 = arith.constant 0 : i32
    %scan3A_9 = arith.constant 81 : i32
    %scan3A_10 = arith.addi %scan3A_8, %scan3A_9 : i32
    %scan3A_11 = arith.constant 1 : i32
    %scan3A_12 = scf.for %scan3A_14 = %scan3A_8 to %scan3A_10 step %scan3A_11 iter_args(%scan3A_15 = %scan3A_7) -> (i32)  : i32 {
      %mul3A_16 = arith.constant 10368 : i32
      %mul3A_17 = arith.muli %add3A, %mul3A_16 : i32
      %mul3A_18 = arith.constant 128 : i32
      %mul3A_19 = arith.muli %scan3A_14, %mul3A_18 : i32
      %add3A_20 = arith.addi %mul3A_17, %mul3A_19 : i32
      "tpu.region"() ({
        %run_scoped3A = tpu.sem_alloc : memref<!tpu.dma_semaphore, #tpu.memory_space<semaphore_mem>>
        %dma_start3A = tpu.memref_slice %arg2[%add3A_20] : memref<331776xi32, #tpu.memory_space<hbm>> -> memref<128xi32, #tpu.memory_space<hbm>>
        %dma_start3A_29 = tpu.memref_slice %arg2[%add3A_20] : memref<331776xi32, #tpu.memory_space<hbm>> -> memref<128xi32, #tpu.memory_space<hbm>>
        tpu.enqueue_dma source(%dma_start3A_29 : memref<128xi32, #tpu.memory_space<hbm>>) target(%arg6 : memref<128xi32, #tpu.memory_space<vmem>>) target_semaphore(%run_scoped3A : memref<!tpu.dma_semaphore, #tpu.memory_space<semaphore_mem>>)
        %dma_wait3A = tpu.memref_slice %arg2[%add3A_20] : memref<331776xi32, #tpu.memory_space<hbm>> -> memref<128xi32, #tpu.memory_space<hbm>>
        %dma_wait3A_30 = tpu.memref_slice %arg2[%add3A_20] : memref<331776xi32, #tpu.memory_space<hbm>> -> memref<128xi32, #tpu.memory_space<hbm>>
        tpu.wait_dma2 semaphore(%run_scoped3A : memref<!tpu.dma_semaphore, #tpu.memory_space<semaphore_mem>>) src(%dma_wait3A_30 : memref<128xi32, #tpu.memory_space<hbm>>) dst(%arg6 : memref<128xi32, #tpu.memory_space<vmem>>)
        tpu.yield
      }) : () -> ()
      "tpu.region"() ({
        %run_scoped3A = tpu.sem_alloc : memref<!tpu.dma_semaphore, #tpu.memory_space<semaphore_mem>>
        %dma_start3A = tpu.memref_slice %arg3[%add3A_20] : memref<331776xf32, #tpu.memory_space<hbm>> -> memref<128xf32, #tpu.memory_space<hbm>>
        %dma_start3A_29 = tpu.memref_slice %arg3[%add3A_20] : memref<331776xf32, #tpu.memory_space<hbm>> -> memref<128xf32, #tpu.memory_space<hbm>>
        tpu.enqueue_dma source(%dma_start3A_29 : memref<128xf32, #tpu.memory_space<hbm>>) target(%arg7 : memref<128xf32, #tpu.memory_space<vmem>>) target_semaphore(%run_scoped3A : memref<!tpu.dma_semaphore, #tpu.memory_space<semaphore_mem>>)
        %dma_wait3A = tpu.memref_slice %arg3[%add3A_20] : memref<331776xf32, #tpu.memory_space<hbm>> -> memref<128xf32, #tpu.memory_space<hbm>>
        %dma_wait3A_30 = tpu.memref_slice %arg3[%add3A_20] : memref<331776xf32, #tpu.memory_space<hbm>> -> memref<128xf32, #tpu.memory_space<hbm>>
        tpu.wait_dma2 semaphore(%run_scoped3A : memref<!tpu.dma_semaphore, #tpu.memory_space<semaphore_mem>>) src(%dma_wait3A_30 : memref<128xf32, #tpu.memory_space<hbm>>) dst(%arg7 : memref<128xf32, #tpu.memory_space<vmem>>)
        tpu.yield
      }) : () -> ()
      %scan3A_21 = arith.constant 0 : i32
      %scan3A_22 = arith.constant 0 : i32
      %scan3A_23 = arith.constant 8 : i32
      %scan3A_24 = arith.addi %scan3A_22, %scan3A_23 : i32
      %scan3A_25 = arith.constant 1 : i32
      %scan3A_26 = scf.for %scan3A_29 = %scan3A_22 to %scan3A_24 step %scan3A_25 iter_args(%scan3A_30 = %scan3A_21) -> (i32)  : i32 {
        %mul3A_31 = arith.constant 16 : i32
        %mul3A_32 = arith.muli %scan3A_29, %mul3A_31 : i32
        %get3A = arith.index_cast %mul3A_32 : i32 to index
        %get3A_33 = tpu.vector_load %arg6[%get3A] {strides = array<i32>} : memref<128xi32, #tpu.memory_space<vmem>>, vector<16xi32>,
        %mul3A_34 = arith.constant 16 : i32
        %mul3A_35 = arith.muli %scan3A_29, %mul3A_34 : i32
        %get3A_36 = arith.index_cast %mul3A_35 : i32 to index
        %get3A_37 = tpu.vector_load %arg7[%get3A_36] {strides = array<i32>} : memref<128xf32, #tpu.memory_space<vmem>>, vector<16xf32>,
        %shift_right_arithmetic3A = arith.constant 7 : i32
        %shift_right_arithmetic3A_38 = vector.broadcast %shift_right_arithmetic3A : i32 to vector<16xi32>
        %shift_right_arithmetic3A_39 = arith.shrsi %get3A_33, %shift_right_arithmetic3A_38 : vector<16xi32>
        %and3A = arith.constant 127 : i32
        %and3A_40 = vector.broadcast %and3A : i32 to vector<16xi32>
        %and3A_41 = arith.andi %get3A_33, %and3A_40 : vector<16xi32>
        tpu.vector_store_idx %arg5[%shift_right_arithmetic3A_39, %and3A_41], %get3A_37 {add = true} : memref<80x128xf32, #tpu.memory_space<vmem>>[vector<16xi32>, vector<16xi32>], vector<16xf32>,
        %scan3A_42 = arith.constant 0 : i32
        scf.yield %scan3A_42 : i32
      }
      %scan3A_27 = arith.constant 8 : i32
      %scan3A_28 = arith.constant 0 : i32
      scf.yield %scan3A_28 : i32
    }
    %scan3A_13 = arith.constant 81 : i32
    "tpu.region"() ({
      %run_scoped3A = tpu.sem_alloc : memref<!tpu.dma_semaphore, #tpu.memory_space<semaphore_mem>>
      %dma_start3A = arith.constant 0 : i32
      %dma_start3A_14 = arith.constant 0 : i32
      %dma_start3A_15 = tpu.memref_slice %arg4[%add3A, %dma_start3A, %dma_start3A_14] : memref<32x80x128xf32, #tpu.memory_space<hbm>> -> memref<1x80x128xf32, #tpu.memory_space<hbm>>
      %dma_start3A_16 = tpu.memref_squeeze %dma_start3A_15 : memref<1x80x128xf32, #tpu.memory_space<hbm>> -> memref<80x128xf32, #tpu.memory_space<hbm>>
      %dma_start3A_17 = arith.constant 0 : i32
      %dma_start3A_18 = arith.constant 0 : i32
      %dma_start3A_19 = tpu.memref_slice %arg4[%add3A, %dma_start3A_17, %dma_start3A_18] : memref<32x80x128xf32, #tpu.memory_space<hbm>> -> memref<1x80x128xf32, #tpu.memory_space<hbm>>
      %dma_start3A_20 = tpu.memref_squeeze %dma_start3A_19 : memref<1x80x128xf32, #tpu.memory_space<hbm>> -> memref<80x128xf32, #tpu.memory_space<hbm>>
      tpu.enqueue_dma source(%arg5 : memref<80x128xf32, #tpu.memory_space<vmem>>) target(%dma_start3A_20 : memref<80x128xf32, #tpu.memory_space<hbm>>) target_semaphore(%run_scoped3A : memref<!tpu.dma_semaphore, #tpu.memory_space<semaphore_mem>>)
      %dma_wait3A = arith.constant 0 : i32
      %dma_wait3A_21 = arith.constant 0 : i32
      %dma_wait3A_22 = tpu.memref_slice %arg4[%add3A, %dma_wait3A, %dma_wait3A_21] : memref<32x80x128xf32, #tpu.memory_space<hbm>> -> memref<1x80x128xf32, #tpu.memory_space<hbm>>
      %dma_wait3A_23 = tpu.memref_squeeze %dma_wait3A_22 : memref<1x80x128xf32, #tpu.memory_space<hbm>> -> memref<80x128xf32, #tpu.memory_space<hbm>>
      %dma_wait3A_24 = arith.constant 0 : i32
      %dma_wait3A_25 = arith.constant 0 : i32
      %dma_wait3A_26 = tpu.memref_slice %arg4[%add3A, %dma_wait3A_24, %dma_wait3A_25] : memref<32x80x128xf32, #tpu.memory_space<hbm>> -> memref<1x80x128xf32, #tpu.memory_space<hbm>>
      %dma_wait3A_27 = tpu.memref_squeeze %dma_wait3A_26 : memref<1x80x128xf32, #tpu.memory_space<hbm>> -> memref<80x128xf32, #tpu.memory_space<hbm>>
      tpu.wait_dma2 semaphore(%run_scoped3A : memref<!tpu.dma_semaphore, #tpu.memory_space<semaphore_mem>>) src(%arg5 : memref<80x128xf32, #tpu.memory_space<vmem>>) dst(%dma_wait3A_27 : memref<80x128xf32, #tpu.memory_space<hbm>>)
      tpu.yield
    }) : () -> ()
    return
  }
}

#map = affine_map<(d0, d1) -> (0, 0)>
#map1 = affine_map<(d0, d1) -> (0)>
#map2 = affine_map<(d0, d1) -> (0, 0, 0)>
module attributes {stable_mosaic.version = 14 : i64} {
  func.func @_agg_kernel(%arg0: i32, %arg1: i32, %arg2: memref<10240x128xf32, #tpu.memory_space<hbm>>, %arg3: memref<331776xi32, #tpu.memory_space<hbm>>, %arg4: memref<331776xi32, #tpu.memory_space<hbm>>, %arg5: memref<331776xf32, #tpu.memory_space<hbm>>, %arg6: memref<2x10240x128xf32, #tpu.memory_space<hbm>>, %arg7: memref<10240x128xf32, #tpu.memory_space<vmem_shared>>, %arg8: memref<128xi32, #tpu.memory_space<vmem>>, %arg9: memref<128xi32, #tpu.memory_space<vmem>>, %arg10: memref<128xf32, #tpu.memory_space<vmem>>, %arg11: memref<128x128xf32, #tpu.memory_space<vmem>>, %arg12: memref<64x128xf32, #tpu.memory_space<vmem>>, %arg13: memref<!tpu.dma_semaphore, #tpu.memory_space<semaphore_mem>>) attributes {dimension_semantics = [#tpu.dimension_semantics<core_parallel>, #tpu.dimension_semantics<subcore_parallel>], iteration_bounds = array<i64: 2, 16>, scalar_prefetch = 0 : i64, scratch_operands = 7 : i64, tpu.core_type = #tpu.core_type<sc_vector_subcore>, window_params = [{transform_indices = #map}, {transform_indices = #map1}, {transform_indices = #map1}, {transform_indices = #map1}, {transform_indices = #map2}]} {
    %mul3A = arith.constant 2 : i32
    %mul3A_0 = arith.muli %arg1, %mul3A : i32
    %add3A = arith.addi %mul3A_0, %arg0 : i32
    %scan3A = arith.constant 0 : i32
    %scan3A_1 = arith.constant 0 : i32
    %scan3A_2 = arith.constant 512 : i32
    %scan3A_3 = arith.addi %scan3A_1, %scan3A_2 : i32
    %scan3A_4 = arith.constant 1 : i32
    %scan3A_5 = scf.for %scan3A_26 = %scan3A_1 to %scan3A_3 step %scan3A_4 iter_args(%scan3A_27 = %scan3A) -> (i32)  : i32 {
      %broadcast_in_dim3A = arith.constant 0.000000e+00 : f32
      %broadcast_in_dim3A_28 = vector.broadcast %broadcast_in_dim3A : f32 to vector<16xf32>
      %jit3A = arith.constant 8 : i32
      %div3A = arith.divsi %scan3A_26, %jit3A : i32
      %sign3A = arith.constant 0 : i32
      %sign3A_29 = arith.cmpi sgt, %scan3A_26, %sign3A : i32
      %sign3A_30 = arith.extui %sign3A_29 : i1 to i32
      %sign3A_31 = arith.constant 0 : i32
      %sign3A_32 = arith.cmpi slt, %scan3A_26, %sign3A_31 : i32
      %sign3A_33 = arith.extui %sign3A_32 : i1 to i32
      %sign3A_34 = arith.subi %sign3A_30, %sign3A_33 : i32
      %sign3A_35 = arith.constant 0 : i32
      %sign3A_36 = arith.cmpi sgt, %jit3A, %sign3A_35 : i32
      %sign3A_37 = arith.extui %sign3A_36 : i1 to i32
      %sign3A_38 = arith.constant 0 : i32
      %sign3A_39 = arith.cmpi slt, %jit3A, %sign3A_38 : i32
      %sign3A_40 = arith.extui %sign3A_39 : i1 to i32
      %sign3A_41 = arith.subi %sign3A_37, %sign3A_40 : i32
      %ne3A = arith.cmpi ne, %sign3A_34, %sign3A_41 : i32
      %rem3A = arith.remsi %scan3A_26, %jit3A : i32
      %ne3A_42 = arith.constant 0 : i32
      %ne3A_43 = arith.cmpi ne, %rem3A, %ne3A_42 : i32
      %and3A = arith.andi %ne3A, %ne3A_43 : i1
      %sub3A = arith.constant 1 : i32
      %sub3A_44 = arith.subi %div3A, %sub3A : i32
      %select_n3A = arith.select %and3A, %sub3A_44, %div3A : i32
      %jit3A_45 = arith.constant 8 : i32
      %eq3A = arith.constant 0 : i32
      %eq3A_46 = arith.cmpi eq, %jit3A_45, %eq3A : i32
      %jit3A_47 = arith.constant 1 : i32
      %select_n3A_48 = arith.select %eq3A_46, %jit3A_47, %jit3A_45 : i32
      %rem3A_49 = arith.remsi %scan3A_26, %select_n3A_48 : i32
      %ne3A_50 = arith.constant 0 : i32
      %ne3A_51 = arith.cmpi ne, %rem3A_49, %ne3A_50 : i32
      %lt3A = arith.constant 0 : i32
      %lt3A_52 = arith.cmpi slt, %rem3A_49, %lt3A : i32
      %lt3A_53 = arith.constant 0 : i32
      %lt3A_54 = arith.cmpi slt, %select_n3A_48, %lt3A_53 : i32
      %ne3A_55 = arith.xori %lt3A_52, %lt3A_54 : i1
      %and3A_56 = arith.andi %ne3A_55, %ne3A_51 : i1
      %add3A_57 = arith.addi %rem3A_49, %select_n3A_48 : i32
      %select_n3A_58 = arith.select %and3A_56, %add3A_57, %rem3A_49 : i32
      %mul3A_59 = arith.constant 16 : i32
      %mul3A_60 = arith.muli %select_n3A_58, %mul3A_59 : i32
      %swap3A = arith.index_cast %select_n3A : i32 to index
      %swap3A_61 = arith.index_cast %mul3A_60 : i32 to index
      %swap3A_62 = tpu.vector_load %arg12[%swap3A, %swap3A_61] {strides = array<i32>} : memref<64x128xf32, #tpu.memory_space<vmem>>, vector<16xf32>,
      tpu.vector_store %arg12[%swap3A, %swap3A_61], %broadcast_in_dim3A_28 {strides = array<i32>} : memref<64x128xf32, #tpu.memory_space<vmem>>, vector<16xf32>,
      %scan3A_63 = arith.constant 0 : i32
      scf.yield %scan3A_63 : i32
    }
    %scan3A_6 = arith.constant 512 : i32
    %scan3A_7 = arith.constant 0 : i32
    %scan3A_8 = arith.constant 0 : i32
    %scan3A_9 = arith.constant 10 : i32
    %scan3A_10 = arith.addi %scan3A_8, %scan3A_9 : i32
    %scan3A_11 = arith.constant 1 : i32
    %scan3A_12 = scf.for %scan3A_26 = %scan3A_8 to %scan3A_10 step %scan3A_11 iter_args(%scan3A_27 = %scan3A_7) -> (i32)  : i32 {
      %mul3A_28 = arith.constant 640 : i32
      %mul3A_29 = arith.muli %arg1, %mul3A_28 : i32
      %mul3A_30 = arith.constant 64 : i32
      %mul3A_31 = arith.muli %scan3A_26, %mul3A_30 : i32
      %add3A_32 = arith.addi %mul3A_29, %mul3A_31 : i32
      "tpu.region"() ({
        %run_scoped3A = tpu.sem_alloc : memref<!tpu.dma_semaphore, #tpu.memory_space<semaphore_mem>>
        %dma_start3A = arith.constant 0 : i32
        %dma_start3A_34 = tpu.memref_slice %arg7[%add3A_32, %dma_start3A] : memref<10240x128xf32, #tpu.memory_space<vmem_shared>> -> memref<64x128xf32, #tpu.memory_space<vmem_shared>>
        %dma_start3A_35 = arith.constant 0 : i32
        %dma_start3A_36 = tpu.memref_slice %arg7[%add3A_32, %dma_start3A_35] : memref<10240x128xf32, #tpu.memory_space<vmem_shared>> -> memref<64x128xf32, #tpu.memory_space<vmem_shared>>
        tpu.enqueue_dma source(%arg12 : memref<64x128xf32, #tpu.memory_space<vmem>>) target(%dma_start3A_36 : memref<64x128xf32, #tpu.memory_space<vmem_shared>>) target_semaphore(%run_scoped3A : memref<!tpu.dma_semaphore, #tpu.memory_space<semaphore_mem>>)
        %dma_wait3A = arith.constant 0 : i32
        %dma_wait3A_37 = tpu.memref_slice %arg7[%add3A_32, %dma_wait3A] : memref<10240x128xf32, #tpu.memory_space<vmem_shared>> -> memref<64x128xf32, #tpu.memory_space<vmem_shared>>
        %dma_wait3A_38 = arith.constant 0 : i32
        %dma_wait3A_39 = tpu.memref_slice %arg7[%add3A_32, %dma_wait3A_38] : memref<10240x128xf32, #tpu.memory_space<vmem_shared>> -> memref<64x128xf32, #tpu.memory_space<vmem_shared>>
        tpu.wait_dma2 semaphore(%run_scoped3A : memref<!tpu.dma_semaphore, #tpu.memory_space<semaphore_mem>>) src(%arg12 : memref<64x128xf32, #tpu.memory_space<vmem>>) dst(%dma_wait3A_39 : memref<64x128xf32, #tpu.memory_space<vmem_shared>>)
        tpu.yield
      }) : () -> ()
      %scan3A_33 = arith.constant 0 : i32
      scf.yield %scan3A_33 : i32
    }
    %scan3A_13 = arith.constant 10 : i32
    %barrier3A = arith.constant 0 : index
    tpu.barrier barrier_id(%barrier3A)
    %scan3A_14 = arith.constant 0 : i32
    %scan3A_15 = arith.constant 0 : i32
    %scan3A_16 = arith.constant 81 : i32
    %scan3A_17 = arith.addi %scan3A_15, %scan3A_16 : i32
    %scan3A_18 = arith.constant 1 : i32
    %scan3A_19 = scf.for %scan3A_26 = %scan3A_15 to %scan3A_17 step %scan3A_18 iter_args(%scan3A_27 = %scan3A_14) -> (i32)  : i32 {
      %mul3A_28 = arith.constant 10368 : i32
      %mul3A_29 = arith.muli %add3A, %mul3A_28 : i32
      %mul3A_30 = arith.constant 128 : i32
      %mul3A_31 = arith.muli %scan3A_26, %mul3A_30 : i32
      %add3A_32 = arith.addi %mul3A_29, %mul3A_31 : i32
      "tpu.region"() ({
        %run_scoped3A = tpu.sem_alloc : memref<!tpu.dma_semaphore, #tpu.memory_space<semaphore_mem>>
        %dma_start3A_45 = tpu.memref_slice %arg3[%add3A_32] : memref<331776xi32, #tpu.memory_space<hbm>> -> memref<128xi32, #tpu.memory_space<hbm>>
        %dma_start3A_46 = tpu.memref_slice %arg3[%add3A_32] : memref<331776xi32, #tpu.memory_space<hbm>> -> memref<128xi32, #tpu.memory_space<hbm>>
        tpu.enqueue_dma source(%dma_start3A_46 : memref<128xi32, #tpu.memory_space<hbm>>) target(%arg8 : memref<128xi32, #tpu.memory_space<vmem>>) target_semaphore(%run_scoped3A : memref<!tpu.dma_semaphore, #tpu.memory_space<semaphore_mem>>)
        %dma_wait3A_47 = tpu.memref_slice %arg3[%add3A_32] : memref<331776xi32, #tpu.memory_space<hbm>> -> memref<128xi32, #tpu.memory_space<hbm>>
        %dma_wait3A_48 = tpu.memref_slice %arg3[%add3A_32] : memref<331776xi32, #tpu.memory_space<hbm>> -> memref<128xi32, #tpu.memory_space<hbm>>
        tpu.wait_dma2 semaphore(%run_scoped3A : memref<!tpu.dma_semaphore, #tpu.memory_space<semaphore_mem>>) src(%dma_wait3A_48 : memref<128xi32, #tpu.memory_space<hbm>>) dst(%arg8 : memref<128xi32, #tpu.memory_space<vmem>>)
        tpu.yield
      }) : () -> ()
      "tpu.region"() ({
        %run_scoped3A = tpu.sem_alloc : memref<!tpu.dma_semaphore, #tpu.memory_space<semaphore_mem>>
        %dma_start3A_45 = tpu.memref_slice %arg4[%add3A_32] : memref<331776xi32, #tpu.memory_space<hbm>> -> memref<128xi32, #tpu.memory_space<hbm>>
        %dma_start3A_46 = tpu.memref_slice %arg4[%add3A_32] : memref<331776xi32, #tpu.memory_space<hbm>> -> memref<128xi32, #tpu.memory_space<hbm>>
        tpu.enqueue_dma source(%dma_start3A_46 : memref<128xi32, #tpu.memory_space<hbm>>) target(%arg9 : memref<128xi32, #tpu.memory_space<vmem>>) target_semaphore(%run_scoped3A : memref<!tpu.dma_semaphore, #tpu.memory_space<semaphore_mem>>)
        %dma_wait3A_47 = tpu.memref_slice %arg4[%add3A_32] : memref<331776xi32, #tpu.memory_space<hbm>> -> memref<128xi32, #tpu.memory_space<hbm>>
        %dma_wait3A_48 = tpu.memref_slice %arg4[%add3A_32] : memref<331776xi32, #tpu.memory_space<hbm>> -> memref<128xi32, #tpu.memory_space<hbm>>
        tpu.wait_dma2 semaphore(%run_scoped3A : memref<!tpu.dma_semaphore, #tpu.memory_space<semaphore_mem>>) src(%dma_wait3A_48 : memref<128xi32, #tpu.memory_space<hbm>>) dst(%arg9 : memref<128xi32, #tpu.memory_space<vmem>>)
        tpu.yield
      }) : () -> ()
      "tpu.region"() ({
        %run_scoped3A = tpu.sem_alloc : memref<!tpu.dma_semaphore, #tpu.memory_space<semaphore_mem>>
        %dma_start3A_45 = tpu.memref_slice %arg5[%add3A_32] : memref<331776xf32, #tpu.memory_space<hbm>> -> memref<128xf32, #tpu.memory_space<hbm>>
        %dma_start3A_46 = tpu.memref_slice %arg5[%add3A_32] : memref<331776xf32, #tpu.memory_space<hbm>> -> memref<128xf32, #tpu.memory_space<hbm>>
        tpu.enqueue_dma source(%dma_start3A_46 : memref<128xf32, #tpu.memory_space<hbm>>) target(%arg10 : memref<128xf32, #tpu.memory_space<vmem>>) target_semaphore(%run_scoped3A : memref<!tpu.dma_semaphore, #tpu.memory_space<semaphore_mem>>)
        %dma_wait3A_47 = tpu.memref_slice %arg5[%add3A_32] : memref<331776xf32, #tpu.memory_space<hbm>> -> memref<128xf32, #tpu.memory_space<hbm>>
        %dma_wait3A_48 = tpu.memref_slice %arg5[%add3A_32] : memref<331776xf32, #tpu.memory_space<hbm>> -> memref<128xf32, #tpu.memory_space<hbm>>
        tpu.wait_dma2 semaphore(%run_scoped3A : memref<!tpu.dma_semaphore, #tpu.memory_space<semaphore_mem>>) src(%dma_wait3A_48 : memref<128xf32, #tpu.memory_space<hbm>>) dst(%arg10 : memref<128xf32, #tpu.memory_space<vmem>>)
        tpu.yield
      }) : () -> ()
      %dma_start3A = arith.constant 0 : i32
      %dma_start3A_33 = arith.constant 0 : i32
      %dma_start3A_34 = tpu.memref_slice %arg2[%dma_start3A, %dma_start3A_33] : memref<10240x128xf32, #tpu.memory_space<hbm>> -> memref<10240x128xf32, #tpu.memory_space<hbm>>
      tpu.enqueue_indirect_dma source(%dma_start3A_34 : memref<10240x128xf32, #tpu.memory_space<hbm>>) target(%arg11 : memref<128x128xf32, #tpu.memory_space<vmem>>) offsets(%arg8 : memref<128xi32, #tpu.memory_space<vmem>>) semaphore(%arg13 : memref<!tpu.dma_semaphore, #tpu.memory_space<semaphore_mem>>)
      %dma_wait3A = arith.constant 0 : i32
      %dma_wait3A_35 = arith.constant 0 : i32
      %dma_wait3A_36 = tpu.memref_slice %arg2[%dma_wait3A, %dma_wait3A_35] : memref<10240x128xf32, #tpu.memory_space<hbm>> -> memref<10240x128xf32, #tpu.memory_space<hbm>>
      tpu.wait_indirect_dma semaphore(%arg13 : memref<!tpu.dma_semaphore, #tpu.memory_space<semaphore_mem>>) src(%dma_wait3A_36 : memref<10240x128xf32, #tpu.memory_space<hbm>>) dst(%arg11 : memref<128x128xf32, #tpu.memory_space<vmem>>)
      %scan3A_37 = arith.constant 0 : i32
      %scan3A_38 = arith.constant 0 : i32
      %scan3A_39 = arith.constant 128 : i32
      %scan3A_40 = arith.addi %scan3A_38, %scan3A_39 : i32
      %scan3A_41 = arith.constant 1 : i32
      %scan3A_42 = scf.for %scan3A_45 = %scan3A_38 to %scan3A_40 step %scan3A_41 iter_args(%scan3A_46 = %scan3A_37) -> (i32)  : i32 {
        %broadcast_in_dim3A = arith.constant 0 : i32
        %broadcast_in_dim3A_47 = vector.broadcast %broadcast_in_dim3A : i32 to vector<16xi32>
        %add3A_48 = vector.broadcast %scan3A_45 : i32 to vector<16xi32>
        %add3A_49 = arith.addi %broadcast_in_dim3A_47, %add3A_48 : vector<16xi32>
        %gather3A = tpu.vector_load_idx %arg10[%add3A_49] : memref<128xf32, #tpu.memory_space<vmem>>[vector<16xi32>], vector<16xf32>,
        %get3A = arith.index_cast %scan3A_45 : i32 to index
        %get3A_50 = arith.constant 0 : index
        %get3A_51 = tpu.vector_load %arg11[%get3A, %get3A_50] {strides = array<i32>} : memref<128x128xf32, #tpu.memory_space<vmem>>, vector<16xf32>,
        %mul3A_52 = arith.mulf %get3A_51, %gather3A : vector<16xf32>
        %swap3A = arith.index_cast %scan3A_45 : i32 to index
        %swap3A_53 = arith.constant 0 : index
        %swap3A_54 = tpu.vector_load %arg11[%swap3A, %swap3A_53] {strides = array<i32>} : memref<128x128xf32, #tpu.memory_space<vmem>>, vector<16xf32>,
        tpu.vector_store %arg11[%swap3A, %swap3A_53], %mul3A_52 {strides = array<i32>} : memref<128x128xf32, #tpu.memory_space<vmem>>, vector<16xf32>,
        %get3A_55 = arith.index_cast %scan3A_45 : i32 to index
        %get3A_56 = arith.constant 16 : index
        %get3A_57 = tpu.vector_load %arg11[%get3A_55, %get3A_56] {strides = array<i32>} : memref<128x128xf32, #tpu.memory_space<vmem>>, vector<16xf32>,
        %mul3A_58 = arith.mulf %get3A_57, %gather3A : vector<16xf32>
        %swap3A_59 = arith.index_cast %scan3A_45 : i32 to index
        %swap3A_60 = arith.constant 16 : index
        %swap3A_61 = tpu.vector_load %arg11[%swap3A_59, %swap3A_60] {strides = array<i32>} : memref<128x128xf32, #tpu.memory_space<vmem>>, vector<16xf32>,
        tpu.vector_store %arg11[%swap3A_59, %swap3A_60], %mul3A_58 {strides = array<i32>} : memref<128x128xf32, #tpu.memory_space<vmem>>, vector<16xf32>,
        %get3A_62 = arith.index_cast %scan3A_45 : i32 to index
        %get3A_63 = arith.constant 32 : index
        %get3A_64 = tpu.vector_load %arg11[%get3A_62, %get3A_63] {strides = array<i32>} : memref<128x128xf32, #tpu.memory_space<vmem>>, vector<16xf32>,
        %mul3A_65 = arith.mulf %get3A_64, %gather3A : vector<16xf32>
        %swap3A_66 = arith.index_cast %scan3A_45 : i32 to index
        %swap3A_67 = arith.constant 32 : index
        %swap3A_68 = tpu.vector_load %arg11[%swap3A_66, %swap3A_67] {strides = array<i32>} : memref<128x128xf32, #tpu.memory_space<vmem>>, vector<16xf32>,
        tpu.vector_store %arg11[%swap3A_66, %swap3A_67], %mul3A_65 {strides = array<i32>} : memref<128x128xf32, #tpu.memory_space<vmem>>, vector<16xf32>,
        %get3A_69 = arith.index_cast %scan3A_45 : i32 to index
        %get3A_70 = arith.constant 48 : index
        %get3A_71 = tpu.vector_load %arg11[%get3A_69, %get3A_70] {strides = array<i32>} : memref<128x128xf32, #tpu.memory_space<vmem>>, vector<16xf32>,
        %mul3A_72 = arith.mulf %get3A_71, %gather3A : vector<16xf32>
        %swap3A_73 = arith.index_cast %scan3A_45 : i32 to index
        %swap3A_74 = arith.constant 48 : index
        %swap3A_75 = tpu.vector_load %arg11[%swap3A_73, %swap3A_74] {strides = array<i32>} : memref<128x128xf32, #tpu.memory_space<vmem>>, vector<16xf32>,
        tpu.vector_store %arg11[%swap3A_73, %swap3A_74], %mul3A_72 {strides = array<i32>} : memref<128x128xf32, #tpu.memory_space<vmem>>, vector<16xf32>,
        %get3A_76 = arith.index_cast %scan3A_45 : i32 to index
        %get3A_77 = arith.constant 64 : index
        %get3A_78 = tpu.vector_load %arg11[%get3A_76, %get3A_77] {strides = array<i32>} : memref<128x128xf32, #tpu.memory_space<vmem>>, vector<16xf32>,
        %mul3A_79 = arith.mulf %get3A_78, %gather3A : vector<16xf32>
        %swap3A_80 = arith.index_cast %scan3A_45 : i32 to index
        %swap3A_81 = arith.constant 64 : index
        %swap3A_82 = tpu.vector_load %arg11[%swap3A_80, %swap3A_81] {strides = array<i32>} : memref<128x128xf32, #tpu.memory_space<vmem>>, vector<16xf32>,
        tpu.vector_store %arg11[%swap3A_80, %swap3A_81], %mul3A_79 {strides = array<i32>} : memref<128x128xf32, #tpu.memory_space<vmem>>, vector<16xf32>,
        %get3A_83 = arith.index_cast %scan3A_45 : i32 to index
        %get3A_84 = arith.constant 80 : index
        %get3A_85 = tpu.vector_load %arg11[%get3A_83, %get3A_84] {strides = array<i32>} : memref<128x128xf32, #tpu.memory_space<vmem>>, vector<16xf32>,
        %mul3A_86 = arith.mulf %get3A_85, %gather3A : vector<16xf32>
        %swap3A_87 = arith.index_cast %scan3A_45 : i32 to index
        %swap3A_88 = arith.constant 80 : index
        %swap3A_89 = tpu.vector_load %arg11[%swap3A_87, %swap3A_88] {strides = array<i32>} : memref<128x128xf32, #tpu.memory_space<vmem>>, vector<16xf32>,
        tpu.vector_store %arg11[%swap3A_87, %swap3A_88], %mul3A_86 {strides = array<i32>} : memref<128x128xf32, #tpu.memory_space<vmem>>, vector<16xf32>,
        %get3A_90 = arith.index_cast %scan3A_45 : i32 to index
        %get3A_91 = arith.constant 96 : index
        %get3A_92 = tpu.vector_load %arg11[%get3A_90, %get3A_91] {strides = array<i32>} : memref<128x128xf32, #tpu.memory_space<vmem>>, vector<16xf32>,
        %mul3A_93 = arith.mulf %get3A_92, %gather3A : vector<16xf32>
        %swap3A_94 = arith.index_cast %scan3A_45 : i32 to index
        %swap3A_95 = arith.constant 96 : index
        %swap3A_96 = tpu.vector_load %arg11[%swap3A_94, %swap3A_95] {strides = array<i32>} : memref<128x128xf32, #tpu.memory_space<vmem>>, vector<16xf32>,
        tpu.vector_store %arg11[%swap3A_94, %swap3A_95], %mul3A_93 {strides = array<i32>} : memref<128x128xf32, #tpu.memory_space<vmem>>, vector<16xf32>,
        %get3A_97 = arith.index_cast %scan3A_45 : i32 to index
        %get3A_98 = arith.constant 112 : index
        %get3A_99 = tpu.vector_load %arg11[%get3A_97, %get3A_98] {strides = array<i32>} : memref<128x128xf32, #tpu.memory_space<vmem>>, vector<16xf32>,
        %mul3A_100 = arith.mulf %get3A_99, %gather3A : vector<16xf32>
        %swap3A_101 = arith.index_cast %scan3A_45 : i32 to index
        %swap3A_102 = arith.constant 112 : index
        %swap3A_103 = tpu.vector_load %arg11[%swap3A_101, %swap3A_102] {strides = array<i32>} : memref<128x128xf32, #tpu.memory_space<vmem>>, vector<16xf32>,
        tpu.vector_store %arg11[%swap3A_101, %swap3A_102], %mul3A_100 {strides = array<i32>} : memref<128x128xf32, #tpu.memory_space<vmem>>, vector<16xf32>,
        %scan3A_104 = arith.constant 0 : i32
        scf.yield %scan3A_104 : i32
      }
      %scan3A_43 = arith.constant 128 : i32
      "tpu.region"() ({
        %run_scoped3A = tpu.sem_alloc : memref<!tpu.dma_semaphore, #tpu.memory_space<semaphore_mem>>
        %dma_start3A_45 = arith.constant 0 : i32
        %dma_start3A_46 = arith.constant 0 : i32
        %dma_start3A_47 = tpu.memref_slice %arg7[%dma_start3A_45, %dma_start3A_46] : memref<10240x128xf32, #tpu.memory_space<vmem_shared>> -> memref<10240x128xf32, #tpu.memory_space<vmem_shared>>
        tpu.enqueue_indirect_dma source(%arg11 : memref<128x128xf32, #tpu.memory_space<vmem>>) target(%dma_start3A_47 : memref<10240x128xf32, #tpu.memory_space<vmem_shared>>) offsets(%arg9 : memref<128xi32, #tpu.memory_space<vmem>>) semaphore(%run_scoped3A : memref<!tpu.dma_semaphore, #tpu.memory_space<semaphore_mem>>) {add = true}
        %dma_wait3A_48 = arith.constant 0 : i32
        %dma_wait3A_49 = arith.constant 0 : i32
        %dma_wait3A_50 = tpu.memref_slice %arg7[%dma_wait3A_48, %dma_wait3A_49] : memref<10240x128xf32, #tpu.memory_space<vmem_shared>> -> memref<10240x128xf32, #tpu.memory_space<vmem_shared>>
        tpu.wait_indirect_dma semaphore(%run_scoped3A : memref<!tpu.dma_semaphore, #tpu.memory_space<semaphore_mem>>) src(%arg11 : memref<128x128xf32, #tpu.memory_space<vmem>>) dst(%dma_wait3A_50 : memref<10240x128xf32, #tpu.memory_space<vmem_shared>>)
        tpu.yield
      }) : () -> ()
      %scan3A_44 = arith.constant 0 : i32
      scf.yield %scan3A_44 : i32
    }
    %scan3A_20 = arith.constant 81 : i32
    %barrier3A_21 = arith.constant 0 : index
    tpu.barrier barrier_id(%barrier3A_21)
    %mul3A_22 = arith.constant 640 : i32
    %mul3A_23 = arith.muli %arg1, %mul3A_22 : i32
    %mul3A_24 = arith.constant 640 : i32
    %mul3A_25 = arith.muli %arg1, %mul3A_24 : i32
    "tpu.region"() ({
      %run_scoped3A = tpu.sem_alloc : memref<!tpu.dma_semaphore, #tpu.memory_space<semaphore_mem>>
      %dma_start3A = arith.constant 0 : i32
      %dma_start3A_26 = tpu.memref_slice %arg6[%arg0, %mul3A_25, %dma_start3A] : memref<2x10240x128xf32, #tpu.memory_space<hbm>> -> memref<1x640x128xf32, #tpu.memory_space<hbm>>
      %dma_start3A_27 = tpu.memref_squeeze %dma_start3A_26 : memref<1x640x128xf32, #tpu.memory_space<hbm>> -> memref<640x128xf32, #tpu.memory_space<hbm>>
      %dma_start3A_28 = arith.constant 0 : i32
      %dma_start3A_29 = tpu.memref_slice %arg7[%mul3A_23, %dma_start3A_28] : memref<10240x128xf32, #tpu.memory_space<vmem_shared>> -> memref<640x128xf32, #tpu.memory_space<vmem_shared>>
      tpu.enqueue_dma source(%dma_start3A_29 : memref<640x128xf32, #tpu.memory_space<vmem_shared>>) target(%dma_start3A_27 : memref<640x128xf32, #tpu.memory_space<hbm>>) target_semaphore(%run_scoped3A : memref<!tpu.dma_semaphore, #tpu.memory_space<semaphore_mem>>)
      %dma_wait3A = arith.constant 0 : i32
      %dma_wait3A_30 = tpu.memref_slice %arg6[%arg0, %mul3A_25, %dma_wait3A] : memref<2x10240x128xf32, #tpu.memory_space<hbm>> -> memref<1x640x128xf32, #tpu.memory_space<hbm>>
      %dma_wait3A_31 = tpu.memref_squeeze %dma_wait3A_30 : memref<1x640x128xf32, #tpu.memory_space<hbm>> -> memref<640x128xf32, #tpu.memory_space<hbm>>
      %dma_wait3A_32 = arith.constant 0 : i32
      %dma_wait3A_33 = tpu.memref_slice %arg7[%mul3A_23, %dma_wait3A_32] : memref<10240x128xf32, #tpu.memory_space<vmem_shared>> -> memref<640x128xf32, #tpu.memory_space<vmem_shared>>
      tpu.wait_dma2 semaphore(%run_scoped3A : memref<!tpu.dma_semaphore, #tpu.memory_space<semaphore_mem>>) src(%dma_wait3A_33 : memref<640x128xf32, #tpu.memory_space<vmem_shared>>) dst(%dma_wait3A_31 : memref<640x128xf32, #tpu.memory_space<hbm>>)
      tpu.yield
    }) : () -> ()
    return
  }
}

#map = affine_map<(d0, d1) -> (0)>
#map1 = affine_map<(d0, d1) -> (0, 0)>
module attributes {stable_mosaic.version = 14 : i64} {
  func.func @_norm_kernel(%arg0: i32, %arg1: i32, %arg2: memref<331776xi32, #tpu.memory_space<hbm>>, %arg3: memref<331776xi32, #tpu.memory_space<hbm>>, %arg4: memref<331776xf32, #tpu.memory_space<hbm>>, %arg5: memref<80x128xf32, #tpu.memory_space<hbm>>, %arg6: memref<331776xf32, #tpu.memory_space<hbm>>, %arg7: memref<80x128xf32, #tpu.memory_space<vmem>>, %arg8: memref<128xi32, #tpu.memory_space<vmem>>, %arg9: memref<128xi32, #tpu.memory_space<vmem>>, %arg10: memref<128xf32, #tpu.memory_space<vmem>>, %arg11: memref<128xf32, #tpu.memory_space<vmem>>) attributes {dimension_semantics = [#tpu.dimension_semantics<core_parallel>, #tpu.dimension_semantics<subcore_parallel>], iteration_bounds = array<i64: 2, 16>, scalar_prefetch = 0 : i64, scratch_operands = 5 : i64, tpu.core_type = #tpu.core_type<sc_vector_subcore>, window_params = [{transform_indices = #map}, {transform_indices = #map}, {transform_indices = #map}, {transform_indices = #map1}, {transform_indices = #map}]} {
    %mul3A = arith.constant 2 : i32
    %mul3A_0 = arith.muli %arg1, %mul3A : i32
    %add3A = arith.addi %mul3A_0, %arg0 : i32
    "tpu.region"() ({
      %run_scoped3A = tpu.sem_alloc : memref<!tpu.dma_semaphore, #tpu.memory_space<semaphore_mem>>
      tpu.enqueue_dma source(%arg5 : memref<80x128xf32, #tpu.memory_space<hbm>>) target(%arg7 : memref<80x128xf32, #tpu.memory_space<vmem>>) target_semaphore(%run_scoped3A : memref<!tpu.dma_semaphore, #tpu.memory_space<semaphore_mem>>)
      tpu.wait_dma2 semaphore(%run_scoped3A : memref<!tpu.dma_semaphore, #tpu.memory_space<semaphore_mem>>) src(%arg5 : memref<80x128xf32, #tpu.memory_space<hbm>>) dst(%arg7 : memref<80x128xf32, #tpu.memory_space<vmem>>)
      tpu.yield
    }) : () -> ()
    %scan3A = arith.constant 0 : i32
    %scan3A_1 = arith.constant 0 : i32
    %scan3A_2 = arith.constant 81 : i32
    %scan3A_3 = arith.addi %scan3A_1, %scan3A_2 : i32
    %scan3A_4 = arith.constant 1 : i32
    %scan3A_5 = scf.for %scan3A_7 = %scan3A_1 to %scan3A_3 step %scan3A_4 iter_args(%scan3A_8 = %scan3A) -> (i32)  : i32 {
      %mul3A_9 = arith.constant 10368 : i32
      %mul3A_10 = arith.muli %add3A, %mul3A_9 : i32
      %mul3A_11 = arith.constant 128 : i32
      %mul3A_12 = arith.muli %scan3A_7, %mul3A_11 : i32
      %add3A_13 = arith.addi %mul3A_10, %mul3A_12 : i32
      "tpu.region"() ({
        %run_scoped3A = tpu.sem_alloc : memref<!tpu.dma_semaphore, #tpu.memory_space<semaphore_mem>>
        %dma_start3A = tpu.memref_slice %arg2[%add3A_13] : memref<331776xi32, #tpu.memory_space<hbm>> -> memref<128xi32, #tpu.memory_space<hbm>>
        %dma_start3A_22 = tpu.memref_slice %arg2[%add3A_13] : memref<331776xi32, #tpu.memory_space<hbm>> -> memref<128xi32, #tpu.memory_space<hbm>>
        tpu.enqueue_dma source(%dma_start3A_22 : memref<128xi32, #tpu.memory_space<hbm>>) target(%arg8 : memref<128xi32, #tpu.memory_space<vmem>>) target_semaphore(%run_scoped3A : memref<!tpu.dma_semaphore, #tpu.memory_space<semaphore_mem>>)
        %dma_wait3A = tpu.memref_slice %arg2[%add3A_13] : memref<331776xi32, #tpu.memory_space<hbm>> -> memref<128xi32, #tpu.memory_space<hbm>>
        %dma_wait3A_23 = tpu.memref_slice %arg2[%add3A_13] : memref<331776xi32, #tpu.memory_space<hbm>> -> memref<128xi32, #tpu.memory_space<hbm>>
        tpu.wait_dma2 semaphore(%run_scoped3A : memref<!tpu.dma_semaphore, #tpu.memory_space<semaphore_mem>>) src(%dma_wait3A_23 : memref<128xi32, #tpu.memory_space<hbm>>) dst(%arg8 : memref<128xi32, #tpu.memory_space<vmem>>)
        tpu.yield
      }) : () -> ()
      "tpu.region"() ({
        %run_scoped3A = tpu.sem_alloc : memref<!tpu.dma_semaphore, #tpu.memory_space<semaphore_mem>>
        %dma_start3A = tpu.memref_slice %arg3[%add3A_13] : memref<331776xi32, #tpu.memory_space<hbm>> -> memref<128xi32, #tpu.memory_space<hbm>>
        %dma_start3A_22 = tpu.memref_slice %arg3[%add3A_13] : memref<331776xi32, #tpu.memory_space<hbm>> -> memref<128xi32, #tpu.memory_space<hbm>>
        tpu.enqueue_dma source(%dma_start3A_22 : memref<128xi32, #tpu.memory_space<hbm>>) target(%arg9 : memref<128xi32, #tpu.memory_space<vmem>>) target_semaphore(%run_scoped3A : memref<!tpu.dma_semaphore, #tpu.memory_space<semaphore_mem>>)
        %dma_wait3A = tpu.memref_slice %arg3[%add3A_13] : memref<331776xi32, #tpu.memory_space<hbm>> -> memref<128xi32, #tpu.memory_space<hbm>>
        %dma_wait3A_23 = tpu.memref_slice %arg3[%add3A_13] : memref<331776xi32, #tpu.memory_space<hbm>> -> memref<128xi32, #tpu.memory_space<hbm>>
        tpu.wait_dma2 semaphore(%run_scoped3A : memref<!tpu.dma_semaphore, #tpu.memory_space<semaphore_mem>>) src(%dma_wait3A_23 : memref<128xi32, #tpu.memory_space<hbm>>) dst(%arg9 : memref<128xi32, #tpu.memory_space<vmem>>)
        tpu.yield
      }) : () -> ()
      "tpu.region"() ({
        %run_scoped3A = tpu.sem_alloc : memref<!tpu.dma_semaphore, #tpu.memory_space<semaphore_mem>>
        %dma_start3A = tpu.memref_slice %arg4[%add3A_13] : memref<331776xf32, #tpu.memory_space<hbm>> -> memref<128xf32, #tpu.memory_space<hbm>>
        %dma_start3A_22 = tpu.memref_slice %arg4[%add3A_13] : memref<331776xf32, #tpu.memory_space<hbm>> -> memref<128xf32, #tpu.memory_space<hbm>>
        tpu.enqueue_dma source(%dma_start3A_22 : memref<128xf32, #tpu.memory_space<hbm>>) target(%arg10 : memref<128xf32, #tpu.memory_space<vmem>>) target_semaphore(%run_scoped3A : memref<!tpu.dma_semaphore, #tpu.memory_space<semaphore_mem>>)
        %dma_wait3A = tpu.memref_slice %arg4[%add3A_13] : memref<331776xf32, #tpu.memory_space<hbm>> -> memref<128xf32, #tpu.memory_space<hbm>>
        %dma_wait3A_23 = tpu.memref_slice %arg4[%add3A_13] : memref<331776xf32, #tpu.memory_space<hbm>> -> memref<128xf32, #tpu.memory_space<hbm>>
        tpu.wait_dma2 semaphore(%run_scoped3A : memref<!tpu.dma_semaphore, #tpu.memory_space<semaphore_mem>>) src(%dma_wait3A_23 : memref<128xf32, #tpu.memory_space<hbm>>) dst(%arg10 : memref<128xf32, #tpu.memory_space<vmem>>)
        tpu.yield
      }) : () -> ()
      %scan3A_14 = arith.constant 0 : i32
      %scan3A_15 = arith.constant 0 : i32
      %scan3A_16 = arith.constant 8 : i32
      %scan3A_17 = arith.addi %scan3A_15, %scan3A_16 : i32
      %scan3A_18 = arith.constant 1 : i32
      %scan3A_19 = scf.for %scan3A_22 = %scan3A_15 to %scan3A_17 step %scan3A_18 iter_args(%scan3A_23 = %scan3A_14) -> (i32)  : i32 {
        %mul3A_24 = arith.constant 16 : i32
        %mul3A_25 = arith.muli %scan3A_22, %mul3A_24 : i32
        %get3A = arith.index_cast %mul3A_25 : i32 to index
        %get3A_26 = tpu.vector_load %arg8[%get3A] {strides = array<i32>} : memref<128xi32, #tpu.memory_space<vmem>>, vector<16xi32>,
        %mul3A_27 = arith.constant 16 : i32
        %mul3A_28 = arith.muli %scan3A_22, %mul3A_27 : i32
        %get3A_29 = arith.index_cast %mul3A_28 : i32 to index
        %get3A_30 = tpu.vector_load %arg9[%get3A_29] {strides = array<i32>} : memref<128xi32, #tpu.memory_space<vmem>>, vector<16xi32>,
        %mul3A_31 = arith.constant 16 : i32
        %mul3A_32 = arith.muli %scan3A_22, %mul3A_31 : i32
        %get3A_33 = arith.index_cast %mul3A_32 : i32 to index
        %get3A_34 = tpu.vector_load %arg10[%get3A_33] {strides = array<i32>} : memref<128xf32, #tpu.memory_space<vmem>>, vector<16xf32>,
        %shift_right_arithmetic3A = arith.constant 7 : i32
        %shift_right_arithmetic3A_35 = vector.broadcast %shift_right_arithmetic3A : i32 to vector<16xi32>
        %shift_right_arithmetic3A_36 = arith.shrsi %get3A_26, %shift_right_arithmetic3A_35 : vector<16xi32>
        %and3A = arith.constant 127 : i32
        %and3A_37 = vector.broadcast %and3A : i32 to vector<16xi32>
        %and3A_38 = arith.andi %get3A_26, %and3A_37 : vector<16xi32>
        %gather3A = tpu.vector_load_idx %arg7[%shift_right_arithmetic3A_36, %and3A_38] : memref<80x128xf32, #tpu.memory_space<vmem>>[vector<16xi32>, vector<16xi32>], vector<16xf32>,
        %shift_right_arithmetic3A_39 = arith.constant 7 : i32
        %shift_right_arithmetic3A_40 = vector.broadcast %shift_right_arithmetic3A_39 : i32 to vector<16xi32>
        %shift_right_arithmetic3A_41 = arith.shrsi %get3A_30, %shift_right_arithmetic3A_40 : vector<16xi32>
        %and3A_42 = arith.constant 127 : i32
        %and3A_43 = vector.broadcast %and3A_42 : i32 to vector<16xi32>
        %and3A_44 = arith.andi %get3A_30, %and3A_43 : vector<16xi32>
        %gather3A_45 = tpu.vector_load_idx %arg7[%shift_right_arithmetic3A_41, %and3A_44] : memref<80x128xf32, #tpu.memory_space<vmem>>[vector<16xi32>, vector<16xi32>], vector<16xf32>,
        %mul3A_46 = arith.mulf %gather3A, %get3A_34 : vector<16xf32>
        %mul3A_47 = arith.mulf %mul3A_46, %gather3A_45 : vector<16xf32>
        %mul3A_48 = arith.constant 16 : i32
        %mul3A_49 = arith.muli %scan3A_22, %mul3A_48 : i32
        %swap3A = arith.index_cast %mul3A_49 : i32 to index
        %swap3A_50 = tpu.vector_load %arg11[%swap3A] {strides = array<i32>} : memref<128xf32, #tpu.memory_space<vmem>>, vector<16xf32>,
        tpu.vector_store %arg11[%swap3A], %mul3A_47 {strides = array<i32>} : memref<128xf32, #tpu.memory_space<vmem>>, vector<16xf32>,
        %scan3A_51 = arith.constant 0 : i32
        scf.yield %scan3A_51 : i32
      }
      %scan3A_20 = arith.constant 8 : i32
      "tpu.region"() ({
        %run_scoped3A = tpu.sem_alloc : memref<!tpu.dma_semaphore, #tpu.memory_space<semaphore_mem>>
        %dma_start3A = tpu.memref_slice %arg6[%add3A_13] : memref<331776xf32, #tpu.memory_space<hbm>> -> memref<128xf32, #tpu.memory_space<hbm>>
        %dma_start3A_22 = tpu.memref_slice %arg6[%add3A_13] : memref<331776xf32, #tpu.memory_space<hbm>> -> memref<128xf32, #tpu.memory_space<hbm>>
        tpu.enqueue_dma source(%arg11 : memref<128xf32, #tpu.memory_space<vmem>>) target(%dma_start3A_22 : memref<128xf32, #tpu.memory_space<hbm>>) target_semaphore(%run_scoped3A : memref<!tpu.dma_semaphore, #tpu.memory_space<semaphore_mem>>)
        %dma_wait3A = tpu.memref_slice %arg6[%add3A_13] : memref<331776xf32, #tpu.memory_space<hbm>> -> memref<128xf32, #tpu.memory_space<hbm>>
        %dma_wait3A_23 = tpu.memref_slice %arg6[%add3A_13] : memref<331776xf32, #tpu.memory_space<hbm>> -> memref<128xf32, #tpu.memory_space<hbm>>
        tpu.wait_dma2 semaphore(%run_scoped3A : memref<!tpu.dma_semaphore, #tpu.memory_space<semaphore_mem>>) src(%arg11 : memref<128xf32, #tpu.memory_space<vmem>>) dst(%dma_wait3A_23 : memref<128xf32, #tpu.memory_space<hbm>>)
        tpu.yield
      }) : () -> ()
      %scan3A_21 = arith.constant 0 : i32
      scf.yield %scan3A_21 : i32
    }
    %scan3A_6 = arith.constant 81 : i32
    return
  }
}

#map = affine_map<(d0, d1) -> (0, 0)>
#map1 = affine_map<(d0, d1) -> (0)>
#map2 = affine_map<(d0, d1) -> (0, 0, 0)>
module attributes {stable_mosaic.version = 14 : i64} {
  func.func @_agg_kernel(%arg0: i32, %arg1: i32, %arg2: memref<10240x128xf32, #tpu.memory_space<hbm>>, %arg3: memref<331776xi32, #tpu.memory_space<hbm>>, %arg4: memref<331776xi32, #tpu.memory_space<hbm>>, %arg5: memref<331776xf32, #tpu.memory_space<hbm>>, %arg6: memref<2x10240x128xf32, #tpu.memory_space<hbm>>, %arg7: memref<10240x128xf32, #tpu.memory_space<vmem_shared>>, %arg8: memref<128xi32, #tpu.memory_space<vmem>>, %arg9: memref<128xi32, #tpu.memory_space<vmem>>, %arg10: memref<128xf32, #tpu.memory_space<vmem>>, %arg11: memref<128x128xf32, #tpu.memory_space<vmem>>, %arg12: memref<64x128xf32, #tpu.memory_space<vmem>>, %arg13: memref<!tpu.dma_semaphore, #tpu.memory_space<semaphore_mem>>) attributes {dimension_semantics = [#tpu.dimension_semantics<core_parallel>, #tpu.dimension_semantics<subcore_parallel>], iteration_bounds = array<i64: 2, 16>, scalar_prefetch = 0 : i64, scratch_operands = 7 : i64, tpu.core_type = #tpu.core_type<sc_vector_subcore>, window_params = [{transform_indices = #map}, {transform_indices = #map1}, {transform_indices = #map1}, {transform_indices = #map1}, {transform_indices = #map2}]} {
    %mul3A = arith.constant 2 : i32
    %mul3A_0 = arith.muli %arg1, %mul3A : i32
    %add3A = arith.addi %mul3A_0, %arg0 : i32
    %scan3A = arith.constant 0 : i32
    %scan3A_1 = arith.constant 0 : i32
    %scan3A_2 = arith.constant 512 : i32
    %scan3A_3 = arith.addi %scan3A_1, %scan3A_2 : i32
    %scan3A_4 = arith.constant 1 : i32
    %scan3A_5 = scf.for %scan3A_26 = %scan3A_1 to %scan3A_3 step %scan3A_4 iter_args(%scan3A_27 = %scan3A) -> (i32)  : i32 {
      %broadcast_in_dim3A = arith.constant 0.000000e+00 : f32
      %broadcast_in_dim3A_28 = vector.broadcast %broadcast_in_dim3A : f32 to vector<16xf32>
      %jit3A = arith.constant 8 : i32
      %div3A = arith.divsi %scan3A_26, %jit3A : i32
      %sign3A = arith.constant 0 : i32
      %sign3A_29 = arith.cmpi sgt, %scan3A_26, %sign3A : i32
      %sign3A_30 = arith.extui %sign3A_29 : i1 to i32
      %sign3A_31 = arith.constant 0 : i32
      %sign3A_32 = arith.cmpi slt, %scan3A_26, %sign3A_31 : i32
      %sign3A_33 = arith.extui %sign3A_32 : i1 to i32
      %sign3A_34 = arith.subi %sign3A_30, %sign3A_33 : i32
      %sign3A_35 = arith.constant 0 : i32
      %sign3A_36 = arith.cmpi sgt, %jit3A, %sign3A_35 : i32
      %sign3A_37 = arith.extui %sign3A_36 : i1 to i32
      %sign3A_38 = arith.constant 0 : i32
      %sign3A_39 = arith.cmpi slt, %jit3A, %sign3A_38 : i32
      %sign3A_40 = arith.extui %sign3A_39 : i1 to i32
      %sign3A_41 = arith.subi %sign3A_37, %sign3A_40 : i32
      %ne3A = arith.cmpi ne, %sign3A_34, %sign3A_41 : i32
      %rem3A = arith.remsi %scan3A_26, %jit3A : i32
      %ne3A_42 = arith.constant 0 : i32
      %ne3A_43 = arith.cmpi ne, %rem3A, %ne3A_42 : i32
      %and3A = arith.andi %ne3A, %ne3A_43 : i1
      %sub3A = arith.constant 1 : i32
      %sub3A_44 = arith.subi %div3A, %sub3A : i32
      %select_n3A = arith.select %and3A, %sub3A_44, %div3A : i32
      %jit3A_45 = arith.constant 8 : i32
      %eq3A = arith.constant 0 : i32
      %eq3A_46 = arith.cmpi eq, %jit3A_45, %eq3A : i32
      %jit3A_47 = arith.constant 1 : i32
      %select_n3A_48 = arith.select %eq3A_46, %jit3A_47, %jit3A_45 : i32
      %rem3A_49 = arith.remsi %scan3A_26, %select_n3A_48 : i32
      %ne3A_50 = arith.constant 0 : i32
      %ne3A_51 = arith.cmpi ne, %rem3A_49, %ne3A_50 : i32
      %lt3A = arith.constant 0 : i32
      %lt3A_52 = arith.cmpi slt, %rem3A_49, %lt3A : i32
      %lt3A_53 = arith.constant 0 : i32
      %lt3A_54 = arith.cmpi slt, %select_n3A_48, %lt3A_53 : i32
      %ne3A_55 = arith.xori %lt3A_52, %lt3A_54 : i1
      %and3A_56 = arith.andi %ne3A_55, %ne3A_51 : i1
      %add3A_57 = arith.addi %rem3A_49, %select_n3A_48 : i32
      %select_n3A_58 = arith.select %and3A_56, %add3A_57, %rem3A_49 : i32
      %mul3A_59 = arith.constant 16 : i32
      %mul3A_60 = arith.muli %select_n3A_58, %mul3A_59 : i32
      %swap3A = arith.index_cast %select_n3A : i32 to index
      %swap3A_61 = arith.index_cast %mul3A_60 : i32 to index
      %swap3A_62 = tpu.vector_load %arg12[%swap3A, %swap3A_61] {strides = array<i32>} : memref<64x128xf32, #tpu.memory_space<vmem>>, vector<16xf32>,
      tpu.vector_store %arg12[%swap3A, %swap3A_61], %broadcast_in_dim3A_28 {strides = array<i32>} : memref<64x128xf32, #tpu.memory_space<vmem>>, vector<16xf32>,
      %scan3A_63 = arith.constant 0 : i32
      scf.yield %scan3A_63 : i32
    }
    %scan3A_6 = arith.constant 512 : i32
    %scan3A_7 = arith.constant 0 : i32
    %scan3A_8 = arith.constant 0 : i32
    %scan3A_9 = arith.constant 10 : i32
    %scan3A_10 = arith.addi %scan3A_8, %scan3A_9 : i32
    %scan3A_11 = arith.constant 1 : i32
    %scan3A_12 = scf.for %scan3A_26 = %scan3A_8 to %scan3A_10 step %scan3A_11 iter_args(%scan3A_27 = %scan3A_7) -> (i32)  : i32 {
      %mul3A_28 = arith.constant 640 : i32
      %mul3A_29 = arith.muli %arg1, %mul3A_28 : i32
      %mul3A_30 = arith.constant 64 : i32
      %mul3A_31 = arith.muli %scan3A_26, %mul3A_30 : i32
      %add3A_32 = arith.addi %mul3A_29, %mul3A_31 : i32
      "tpu.region"() ({
        %run_scoped3A = tpu.sem_alloc : memref<!tpu.dma_semaphore, #tpu.memory_space<semaphore_mem>>
        %dma_start3A = arith.constant 0 : i32
        %dma_start3A_34 = tpu.memref_slice %arg7[%add3A_32, %dma_start3A] : memref<10240x128xf32, #tpu.memory_space<vmem_shared>> -> memref<64x128xf32, #tpu.memory_space<vmem_shared>>
        %dma_start3A_35 = arith.constant 0 : i32
        %dma_start3A_36 = tpu.memref_slice %arg7[%add3A_32, %dma_start3A_35] : memref<10240x128xf32, #tpu.memory_space<vmem_shared>> -> memref<64x128xf32, #tpu.memory_space<vmem_shared>>
        tpu.enqueue_dma source(%arg12 : memref<64x128xf32, #tpu.memory_space<vmem>>) target(%dma_start3A_36 : memref<64x128xf32, #tpu.memory_space<vmem_shared>>) target_semaphore(%run_scoped3A : memref<!tpu.dma_semaphore, #tpu.memory_space<semaphore_mem>>)
        %dma_wait3A = arith.constant 0 : i32
        %dma_wait3A_37 = tpu.memref_slice %arg7[%add3A_32, %dma_wait3A] : memref<10240x128xf32, #tpu.memory_space<vmem_shared>> -> memref<64x128xf32, #tpu.memory_space<vmem_shared>>
        %dma_wait3A_38 = arith.constant 0 : i32
        %dma_wait3A_39 = tpu.memref_slice %arg7[%add3A_32, %dma_wait3A_38] : memref<10240x128xf32, #tpu.memory_space<vmem_shared>> -> memref<64x128xf32, #tpu.memory_space<vmem_shared>>
        tpu.wait_dma2 semaphore(%run_scoped3A : memref<!tpu.dma_semaphore, #tpu.memory_space<semaphore_mem>>) src(%arg12 : memref<64x128xf32, #tpu.memory_space<vmem>>) dst(%dma_wait3A_39 : memref<64x128xf32, #tpu.memory_space<vmem_shared>>)
        tpu.yield
      }) : () -> ()
      %scan3A_33 = arith.constant 0 : i32
      scf.yield %scan3A_33 : i32
    }
    %scan3A_13 = arith.constant 10 : i32
    %barrier3A = arith.constant 0 : index
    tpu.barrier barrier_id(%barrier3A)
    %scan3A_14 = arith.constant 0 : i32
    %scan3A_15 = arith.constant 0 : i32
    %scan3A_16 = arith.constant 81 : i32
    %scan3A_17 = arith.addi %scan3A_15, %scan3A_16 : i32
    %scan3A_18 = arith.constant 1 : i32
    %scan3A_19 = scf.for %scan3A_26 = %scan3A_15 to %scan3A_17 step %scan3A_18 iter_args(%scan3A_27 = %scan3A_14) -> (i32)  : i32 {
      %mul3A_28 = arith.constant 10368 : i32
      %mul3A_29 = arith.muli %add3A, %mul3A_28 : i32
      %mul3A_30 = arith.constant 128 : i32
      %mul3A_31 = arith.muli %scan3A_26, %mul3A_30 : i32
      %add3A_32 = arith.addi %mul3A_29, %mul3A_31 : i32
      "tpu.region"() ({
        %run_scoped3A = tpu.sem_alloc : memref<!tpu.dma_semaphore, #tpu.memory_space<semaphore_mem>>
        %dma_start3A_45 = tpu.memref_slice %arg3[%add3A_32] : memref<331776xi32, #tpu.memory_space<hbm>> -> memref<128xi32, #tpu.memory_space<hbm>>
        %dma_start3A_46 = tpu.memref_slice %arg3[%add3A_32] : memref<331776xi32, #tpu.memory_space<hbm>> -> memref<128xi32, #tpu.memory_space<hbm>>
        tpu.enqueue_dma source(%dma_start3A_46 : memref<128xi32, #tpu.memory_space<hbm>>) target(%arg8 : memref<128xi32, #tpu.memory_space<vmem>>) target_semaphore(%run_scoped3A : memref<!tpu.dma_semaphore, #tpu.memory_space<semaphore_mem>>)
        %dma_wait3A_47 = tpu.memref_slice %arg3[%add3A_32] : memref<331776xi32, #tpu.memory_space<hbm>> -> memref<128xi32, #tpu.memory_space<hbm>>
        %dma_wait3A_48 = tpu.memref_slice %arg3[%add3A_32] : memref<331776xi32, #tpu.memory_space<hbm>> -> memref<128xi32, #tpu.memory_space<hbm>>
        tpu.wait_dma2 semaphore(%run_scoped3A : memref<!tpu.dma_semaphore, #tpu.memory_space<semaphore_mem>>) src(%dma_wait3A_48 : memref<128xi32, #tpu.memory_space<hbm>>) dst(%arg8 : memref<128xi32, #tpu.memory_space<vmem>>)
        tpu.yield
      }) : () -> ()
      "tpu.region"() ({
        %run_scoped3A = tpu.sem_alloc : memref<!tpu.dma_semaphore, #tpu.memory_space<semaphore_mem>>
        %dma_start3A_45 = tpu.memref_slice %arg4[%add3A_32] : memref<331776xi32, #tpu.memory_space<hbm>> -> memref<128xi32, #tpu.memory_space<hbm>>
        %dma_start3A_46 = tpu.memref_slice %arg4[%add3A_32] : memref<331776xi32, #tpu.memory_space<hbm>> -> memref<128xi32, #tpu.memory_space<hbm>>
        tpu.enqueue_dma source(%dma_start3A_46 : memref<128xi32, #tpu.memory_space<hbm>>) target(%arg9 : memref<128xi32, #tpu.memory_space<vmem>>) target_semaphore(%run_scoped3A : memref<!tpu.dma_semaphore, #tpu.memory_space<semaphore_mem>>)
        %dma_wait3A_47 = tpu.memref_slice %arg4[%add3A_32] : memref<331776xi32, #tpu.memory_space<hbm>> -> memref<128xi32, #tpu.memory_space<hbm>>
        %dma_wait3A_48 = tpu.memref_slice %arg4[%add3A_32] : memref<331776xi32, #tpu.memory_space<hbm>> -> memref<128xi32, #tpu.memory_space<hbm>>
        tpu.wait_dma2 semaphore(%run_scoped3A : memref<!tpu.dma_semaphore, #tpu.memory_space<semaphore_mem>>) src(%dma_wait3A_48 : memref<128xi32, #tpu.memory_space<hbm>>) dst(%arg9 : memref<128xi32, #tpu.memory_space<vmem>>)
        tpu.yield
      }) : () -> ()
      "tpu.region"() ({
        %run_scoped3A = tpu.sem_alloc : memref<!tpu.dma_semaphore, #tpu.memory_space<semaphore_mem>>
        %dma_start3A_45 = tpu.memref_slice %arg5[%add3A_32] : memref<331776xf32, #tpu.memory_space<hbm>> -> memref<128xf32, #tpu.memory_space<hbm>>
        %dma_start3A_46 = tpu.memref_slice %arg5[%add3A_32] : memref<331776xf32, #tpu.memory_space<hbm>> -> memref<128xf32, #tpu.memory_space<hbm>>
        tpu.enqueue_dma source(%dma_start3A_46 : memref<128xf32, #tpu.memory_space<hbm>>) target(%arg10 : memref<128xf32, #tpu.memory_space<vmem>>) target_semaphore(%run_scoped3A : memref<!tpu.dma_semaphore, #tpu.memory_space<semaphore_mem>>)
        %dma_wait3A_47 = tpu.memref_slice %arg5[%add3A_32] : memref<331776xf32, #tpu.memory_space<hbm>> -> memref<128xf32, #tpu.memory_space<hbm>>
        %dma_wait3A_48 = tpu.memref_slice %arg5[%add3A_32] : memref<331776xf32, #tpu.memory_space<hbm>> -> memref<128xf32, #tpu.memory_space<hbm>>
        tpu.wait_dma2 semaphore(%run_scoped3A : memref<!tpu.dma_semaphore, #tpu.memory_space<semaphore_mem>>) src(%dma_wait3A_48 : memref<128xf32, #tpu.memory_space<hbm>>) dst(%arg10 : memref<128xf32, #tpu.memory_space<vmem>>)
        tpu.yield
      }) : () -> ()
      %dma_start3A = arith.constant 0 : i32
      %dma_start3A_33 = arith.constant 0 : i32
      %dma_start3A_34 = tpu.memref_slice %arg2[%dma_start3A, %dma_start3A_33] : memref<10240x128xf32, #tpu.memory_space<hbm>> -> memref<10240x128xf32, #tpu.memory_space<hbm>>
      tpu.enqueue_indirect_dma source(%dma_start3A_34 : memref<10240x128xf32, #tpu.memory_space<hbm>>) target(%arg11 : memref<128x128xf32, #tpu.memory_space<vmem>>) offsets(%arg8 : memref<128xi32, #tpu.memory_space<vmem>>) semaphore(%arg13 : memref<!tpu.dma_semaphore, #tpu.memory_space<semaphore_mem>>)
      %dma_wait3A = arith.constant 0 : i32
      %dma_wait3A_35 = arith.constant 0 : i32
      %dma_wait3A_36 = tpu.memref_slice %arg2[%dma_wait3A, %dma_wait3A_35] : memref<10240x128xf32, #tpu.memory_space<hbm>> -> memref<10240x128xf32, #tpu.memory_space<hbm>>
      tpu.wait_indirect_dma semaphore(%arg13 : memref<!tpu.dma_semaphore, #tpu.memory_space<semaphore_mem>>) src(%dma_wait3A_36 : memref<10240x128xf32, #tpu.memory_space<hbm>>) dst(%arg11 : memref<128x128xf32, #tpu.memory_space<vmem>>)
      %scan3A_37 = arith.constant 0 : i32
      %scan3A_38 = arith.constant 0 : i32
      %scan3A_39 = arith.constant 128 : i32
      %scan3A_40 = arith.addi %scan3A_38, %scan3A_39 : i32
      %scan3A_41 = arith.constant 1 : i32
      %scan3A_42 = scf.for %scan3A_45 = %scan3A_38 to %scan3A_40 step %scan3A_41 iter_args(%scan3A_46 = %scan3A_37) -> (i32)  : i32 {
        %broadcast_in_dim3A = arith.constant 0 : i32
        %broadcast_in_dim3A_47 = vector.broadcast %broadcast_in_dim3A : i32 to vector<16xi32>
        %add3A_48 = vector.broadcast %scan3A_45 : i32 to vector<16xi32>
        %add3A_49 = arith.addi %broadcast_in_dim3A_47, %add3A_48 : vector<16xi32>
        %gather3A = tpu.vector_load_idx %arg10[%add3A_49] : memref<128xf32, #tpu.memory_space<vmem>>[vector<16xi32>], vector<16xf32>,
        %get3A = arith.index_cast %scan3A_45 : i32 to index
        %get3A_50 = arith.constant 0 : index
        %get3A_51 = tpu.vector_load %arg11[%get3A, %get3A_50] {strides = array<i32>} : memref<128x128xf32, #tpu.memory_space<vmem>>, vector<16xf32>,
        %mul3A_52 = arith.mulf %get3A_51, %gather3A : vector<16xf32>
        %swap3A = arith.index_cast %scan3A_45 : i32 to index
        %swap3A_53 = arith.constant 0 : index
        %swap3A_54 = tpu.vector_load %arg11[%swap3A, %swap3A_53] {strides = array<i32>} : memref<128x128xf32, #tpu.memory_space<vmem>>, vector<16xf32>,
        tpu.vector_store %arg11[%swap3A, %swap3A_53], %mul3A_52 {strides = array<i32>} : memref<128x128xf32, #tpu.memory_space<vmem>>, vector<16xf32>,
        %get3A_55 = arith.index_cast %scan3A_45 : i32 to index
        %get3A_56 = arith.constant 16 : index
        %get3A_57 = tpu.vector_load %arg11[%get3A_55, %get3A_56] {strides = array<i32>} : memref<128x128xf32, #tpu.memory_space<vmem>>, vector<16xf32>,
        %mul3A_58 = arith.mulf %get3A_57, %gather3A : vector<16xf32>
        %swap3A_59 = arith.index_cast %scan3A_45 : i32 to index
        %swap3A_60 = arith.constant 16 : index
        %swap3A_61 = tpu.vector_load %arg11[%swap3A_59, %swap3A_60] {strides = array<i32>} : memref<128x128xf32, #tpu.memory_space<vmem>>, vector<16xf32>,
        tpu.vector_store %arg11[%swap3A_59, %swap3A_60], %mul3A_58 {strides = array<i32>} : memref<128x128xf32, #tpu.memory_space<vmem>>, vector<16xf32>,
        %get3A_62 = arith.index_cast %scan3A_45 : i32 to index
        %get3A_63 = arith.constant 32 : index
        %get3A_64 = tpu.vector_load %arg11[%get3A_62, %get3A_63] {strides = array<i32>} : memref<128x128xf32, #tpu.memory_space<vmem>>, vector<16xf32>,
        %mul3A_65 = arith.mulf %get3A_64, %gather3A : vector<16xf32>
        %swap3A_66 = arith.index_cast %scan3A_45 : i32 to index
        %swap3A_67 = arith.constant 32 : index
        %swap3A_68 = tpu.vector_load %arg11[%swap3A_66, %swap3A_67] {strides = array<i32>} : memref<128x128xf32, #tpu.memory_space<vmem>>, vector<16xf32>,
        tpu.vector_store %arg11[%swap3A_66, %swap3A_67], %mul3A_65 {strides = array<i32>} : memref<128x128xf32, #tpu.memory_space<vmem>>, vector<16xf32>,
        %get3A_69 = arith.index_cast %scan3A_45 : i32 to index
        %get3A_70 = arith.constant 48 : index
        %get3A_71 = tpu.vector_load %arg11[%get3A_69, %get3A_70] {strides = array<i32>} : memref<128x128xf32, #tpu.memory_space<vmem>>, vector<16xf32>,
        %mul3A_72 = arith.mulf %get3A_71, %gather3A : vector<16xf32>
        %swap3A_73 = arith.index_cast %scan3A_45 : i32 to index
        %swap3A_74 = arith.constant 48 : index
        %swap3A_75 = tpu.vector_load %arg11[%swap3A_73, %swap3A_74] {strides = array<i32>} : memref<128x128xf32, #tpu.memory_space<vmem>>, vector<16xf32>,
        tpu.vector_store %arg11[%swap3A_73, %swap3A_74], %mul3A_72 {strides = array<i32>} : memref<128x128xf32, #tpu.memory_space<vmem>>, vector<16xf32>,
        %get3A_76 = arith.index_cast %scan3A_45 : i32 to index
        %get3A_77 = arith.constant 64 : index
        %get3A_78 = tpu.vector_load %arg11[%get3A_76, %get3A_77] {strides = array<i32>} : memref<128x128xf32, #tpu.memory_space<vmem>>, vector<16xf32>,
        %mul3A_79 = arith.mulf %get3A_78, %gather3A : vector<16xf32>
        %swap3A_80 = arith.index_cast %scan3A_45 : i32 to index
        %swap3A_81 = arith.constant 64 : index
        %swap3A_82 = tpu.vector_load %arg11[%swap3A_80, %swap3A_81] {strides = array<i32>} : memref<128x128xf32, #tpu.memory_space<vmem>>, vector<16xf32>,
        tpu.vector_store %arg11[%swap3A_80, %swap3A_81], %mul3A_79 {strides = array<i32>} : memref<128x128xf32, #tpu.memory_space<vmem>>, vector<16xf32>,
        %get3A_83 = arith.index_cast %scan3A_45 : i32 to index
        %get3A_84 = arith.constant 80 : index
        %get3A_85 = tpu.vector_load %arg11[%get3A_83, %get3A_84] {strides = array<i32>} : memref<128x128xf32, #tpu.memory_space<vmem>>, vector<16xf32>,
        %mul3A_86 = arith.mulf %get3A_85, %gather3A : vector<16xf32>
        %swap3A_87 = arith.index_cast %scan3A_45 : i32 to index
        %swap3A_88 = arith.constant 80 : index
        %swap3A_89 = tpu.vector_load %arg11[%swap3A_87, %swap3A_88] {strides = array<i32>} : memref<128x128xf32, #tpu.memory_space<vmem>>, vector<16xf32>,
        tpu.vector_store %arg11[%swap3A_87, %swap3A_88], %mul3A_86 {strides = array<i32>} : memref<128x128xf32, #tpu.memory_space<vmem>>, vector<16xf32>,
        %get3A_90 = arith.index_cast %scan3A_45 : i32 to index
        %get3A_91 = arith.constant 96 : index
        %get3A_92 = tpu.vector_load %arg11[%get3A_90, %get3A_91] {strides = array<i32>} : memref<128x128xf32, #tpu.memory_space<vmem>>, vector<16xf32>,
        %mul3A_93 = arith.mulf %get3A_92, %gather3A : vector<16xf32>
        %swap3A_94 = arith.index_cast %scan3A_45 : i32 to index
        %swap3A_95 = arith.constant 96 : index
        %swap3A_96 = tpu.vector_load %arg11[%swap3A_94, %swap3A_95] {strides = array<i32>} : memref<128x128xf32, #tpu.memory_space<vmem>>, vector<16xf32>,
        tpu.vector_store %arg11[%swap3A_94, %swap3A_95], %mul3A_93 {strides = array<i32>} : memref<128x128xf32, #tpu.memory_space<vmem>>, vector<16xf32>,
        %get3A_97 = arith.index_cast %scan3A_45 : i32 to index
        %get3A_98 = arith.constant 112 : index
        %get3A_99 = tpu.vector_load %arg11[%get3A_97, %get3A_98] {strides = array<i32>} : memref<128x128xf32, #tpu.memory_space<vmem>>, vector<16xf32>,
        %mul3A_100 = arith.mulf %get3A_99, %gather3A : vector<16xf32>
        %swap3A_101 = arith.index_cast %scan3A_45 : i32 to index
        %swap3A_102 = arith.constant 112 : index
        %swap3A_103 = tpu.vector_load %arg11[%swap3A_101, %swap3A_102] {strides = array<i32>} : memref<128x128xf32, #tpu.memory_space<vmem>>, vector<16xf32>,
        tpu.vector_store %arg11[%swap3A_101, %swap3A_102], %mul3A_100 {strides = array<i32>} : memref<128x128xf32, #tpu.memory_space<vmem>>, vector<16xf32>,
        %scan3A_104 = arith.constant 0 : i32
        scf.yield %scan3A_104 : i32
      }
      %scan3A_43 = arith.constant 128 : i32
      "tpu.region"() ({
        %run_scoped3A = tpu.sem_alloc : memref<!tpu.dma_semaphore, #tpu.memory_space<semaphore_mem>>
        %dma_start3A_45 = arith.constant 0 : i32
        %dma_start3A_46 = arith.constant 0 : i32
        %dma_start3A_47 = tpu.memref_slice %arg7[%dma_start3A_45, %dma_start3A_46] : memref<10240x128xf32, #tpu.memory_space<vmem_shared>> -> memref<10240x128xf32, #tpu.memory_space<vmem_shared>>
        tpu.enqueue_indirect_dma source(%arg11 : memref<128x128xf32, #tpu.memory_space<vmem>>) target(%dma_start3A_47 : memref<10240x128xf32, #tpu.memory_space<vmem_shared>>) offsets(%arg9 : memref<128xi32, #tpu.memory_space<vmem>>) semaphore(%run_scoped3A : memref<!tpu.dma_semaphore, #tpu.memory_space<semaphore_mem>>) {add = true}
        %dma_wait3A_48 = arith.constant 0 : i32
        %dma_wait3A_49 = arith.constant 0 : i32
        %dma_wait3A_50 = tpu.memref_slice %arg7[%dma_wait3A_48, %dma_wait3A_49] : memref<10240x128xf32, #tpu.memory_space<vmem_shared>> -> memref<10240x128xf32, #tpu.memory_space<vmem_shared>>
        tpu.wait_indirect_dma semaphore(%run_scoped3A : memref<!tpu.dma_semaphore, #tpu.memory_space<semaphore_mem>>) src(%arg11 : memref<128x128xf32, #tpu.memory_space<vmem>>) dst(%dma_wait3A_50 : memref<10240x128xf32, #tpu.memory_space<vmem_shared>>)
        tpu.yield
      }) : () -> ()
      %scan3A_44 = arith.constant 0 : i32
      scf.yield %scan3A_44 : i32
    }
    %scan3A_20 = arith.constant 81 : i32
    %barrier3A_21 = arith.constant 0 : index
    tpu.barrier barrier_id(%barrier3A_21)
    %mul3A_22 = arith.constant 640 : i32
    %mul3A_23 = arith.muli %arg1, %mul3A_22 : i32
    %mul3A_24 = arith.constant 640 : i32
    %mul3A_25 = arith.muli %arg1, %mul3A_24 : i32
    "tpu.region"() ({
      %run_scoped3A = tpu.sem_alloc : memref<!tpu.dma_semaphore, #tpu.memory_space<semaphore_mem>>
      %dma_start3A = arith.constant 0 : i32
      %dma_start3A_26 = tpu.memref_slice %arg6[%arg0, %mul3A_25, %dma_start3A] : memref<2x10240x128xf32, #tpu.memory_space<hbm>> -> memref<1x640x128xf32, #tpu.memory_space<hbm>>
      %dma_start3A_27 = tpu.memref_squeeze %dma_start3A_26 : memref<1x640x128xf32, #tpu.memory_space<hbm>> -> memref<640x128xf32, #tpu.memory_space<hbm>>
      %dma_start3A_28 = arith.constant 0 : i32
      %dma_start3A_29 = tpu.memref_slice %arg7[%mul3A_23, %dma_start3A_28] : memref<10240x128xf32, #tpu.memory_space<vmem_shared>> -> memref<640x128xf32, #tpu.memory_space<vmem_shared>>
      tpu.enqueue_dma source(%dma_start3A_29 : memref<640x128xf32, #tpu.memory_space<vmem_shared>>) target(%dma_start3A_27 : memref<640x128xf32, #tpu.memory_space<hbm>>) target_semaphore(%run_scoped3A : memref<!tpu.dma_semaphore, #tpu.memory_space<semaphore_mem>>)
      %dma_wait3A = arith.constant 0 : i32
      %dma_wait3A_30 = tpu.memref_slice %arg6[%arg0, %mul3A_25, %dma_wait3A] : memref<2x10240x128xf32, #tpu.memory_space<hbm>> -> memref<1x640x128xf32, #tpu.memory_space<hbm>>
      %dma_wait3A_31 = tpu.memref_squeeze %dma_wait3A_30 : memref<1x640x128xf32, #tpu.memory_space<hbm>> -> memref<640x128xf32, #tpu.memory_space<hbm>>
      %dma_wait3A_32 = arith.constant 0 : i32
      %dma_wait3A_33 = tpu.memref_slice %arg7[%mul3A_23, %dma_wait3A_32] : memref<10240x128xf32, #tpu.memory_space<vmem_shared>> -> memref<640x128xf32, #tpu.memory_space<vmem_shared>>
      tpu.wait_dma2 semaphore(%run_scoped3A : memref<!tpu.dma_semaphore, #tpu.memory_space<semaphore_mem>>) src(%dma_wait3A_33 : memref<640x128xf32, #tpu.memory_space<vmem_shared>>) dst(%dma_wait3A_31 : memref<640x128xf32, #tpu.memory_space<hbm>>)
      tpu.yield
    }) : () -> ()
    return
  }
}

#map = affine_map<(d0, d1) -> (0, 0)>
#map1 = affine_map<(d0, d1) -> (0)>
#map2 = affine_map<(d0, d1) -> (0, 0, 0)>
module attributes {stable_mosaic.version = 14 : i64} {
  func.func @_agg_kernel(%arg0: i32, %arg1: i32, %arg2: memref<10240x128xf32, #tpu.memory_space<hbm>>, %arg3: memref<331776xi32, #tpu.memory_space<hbm>>, %arg4: memref<331776xi32, #tpu.memory_space<hbm>>, %arg5: memref<331776xf32, #tpu.memory_space<hbm>>, %arg6: memref<2x10240x128xf32, #tpu.memory_space<hbm>>, %arg7: memref<10240x128xf32, #tpu.memory_space<vmem_shared>>, %arg8: memref<128xi32, #tpu.memory_space<vmem>>, %arg9: memref<128xi32, #tpu.memory_space<vmem>>, %arg10: memref<128xf32, #tpu.memory_space<vmem>>, %arg11: memref<128x128xf32, #tpu.memory_space<vmem>>, %arg12: memref<64x128xf32, #tpu.memory_space<vmem>>, %arg13: memref<!tpu.dma_semaphore, #tpu.memory_space<semaphore_mem>>) attributes {dimension_semantics = [#tpu.dimension_semantics<core_parallel>, #tpu.dimension_semantics<subcore_parallel>], iteration_bounds = array<i64: 2, 16>, scalar_prefetch = 0 : i64, scratch_operands = 7 : i64, tpu.core_type = #tpu.core_type<sc_vector_subcore>, window_params = [{transform_indices = #map}, {transform_indices = #map1}, {transform_indices = #map1}, {transform_indices = #map1}, {transform_indices = #map2}]} {
    %mul3A = arith.constant 2 : i32
    %mul3A_0 = arith.muli %arg1, %mul3A : i32
    %add3A = arith.addi %mul3A_0, %arg0 : i32
    %scan3A = arith.constant 0 : i32
    %scan3A_1 = arith.constant 0 : i32
    %scan3A_2 = arith.constant 512 : i32
    %scan3A_3 = arith.addi %scan3A_1, %scan3A_2 : i32
    %scan3A_4 = arith.constant 1 : i32
    %scan3A_5 = scf.for %scan3A_26 = %scan3A_1 to %scan3A_3 step %scan3A_4 iter_args(%scan3A_27 = %scan3A) -> (i32)  : i32 {
      %broadcast_in_dim3A = arith.constant 0.000000e+00 : f32
      %broadcast_in_dim3A_28 = vector.broadcast %broadcast_in_dim3A : f32 to vector<16xf32>
      %jit3A = arith.constant 8 : i32
      %div3A = arith.divsi %scan3A_26, %jit3A : i32
      %sign3A = arith.constant 0 : i32
      %sign3A_29 = arith.cmpi sgt, %scan3A_26, %sign3A : i32
      %sign3A_30 = arith.extui %sign3A_29 : i1 to i32
      %sign3A_31 = arith.constant 0 : i32
      %sign3A_32 = arith.cmpi slt, %scan3A_26, %sign3A_31 : i32
      %sign3A_33 = arith.extui %sign3A_32 : i1 to i32
      %sign3A_34 = arith.subi %sign3A_30, %sign3A_33 : i32
      %sign3A_35 = arith.constant 0 : i32
      %sign3A_36 = arith.cmpi sgt, %jit3A, %sign3A_35 : i32
      %sign3A_37 = arith.extui %sign3A_36 : i1 to i32
      %sign3A_38 = arith.constant 0 : i32
      %sign3A_39 = arith.cmpi slt, %jit3A, %sign3A_38 : i32
      %sign3A_40 = arith.extui %sign3A_39 : i1 to i32
      %sign3A_41 = arith.subi %sign3A_37, %sign3A_40 : i32
      %ne3A = arith.cmpi ne, %sign3A_34, %sign3A_41 : i32
      %rem3A = arith.remsi %scan3A_26, %jit3A : i32
      %ne3A_42 = arith.constant 0 : i32
      %ne3A_43 = arith.cmpi ne, %rem3A, %ne3A_42 : i32
      %and3A = arith.andi %ne3A, %ne3A_43 : i1
      %sub3A = arith.constant 1 : i32
      %sub3A_44 = arith.subi %div3A, %sub3A : i32
      %select_n3A = arith.select %and3A, %sub3A_44, %div3A : i32
      %jit3A_45 = arith.constant 8 : i32
      %eq3A = arith.constant 0 : i32
      %eq3A_46 = arith.cmpi eq, %jit3A_45, %eq3A : i32
      %jit3A_47 = arith.constant 1 : i32
      %select_n3A_48 = arith.select %eq3A_46, %jit3A_47, %jit3A_45 : i32
      %rem3A_49 = arith.remsi %scan3A_26, %select_n3A_48 : i32
      %ne3A_50 = arith.constant 0 : i32
      %ne3A_51 = arith.cmpi ne, %rem3A_49, %ne3A_50 : i32
      %lt3A = arith.constant 0 : i32
      %lt3A_52 = arith.cmpi slt, %rem3A_49, %lt3A : i32
      %lt3A_53 = arith.constant 0 : i32
      %lt3A_54 = arith.cmpi slt, %select_n3A_48, %lt3A_53 : i32
      %ne3A_55 = arith.xori %lt3A_52, %lt3A_54 : i1
      %and3A_56 = arith.andi %ne3A_55, %ne3A_51 : i1
      %add3A_57 = arith.addi %rem3A_49, %select_n3A_48 : i32
      %select_n3A_58 = arith.select %and3A_56, %add3A_57, %rem3A_49 : i32
      %mul3A_59 = arith.constant 16 : i32
      %mul3A_60 = arith.muli %select_n3A_58, %mul3A_59 : i32
      %swap3A = arith.index_cast %select_n3A : i32 to index
      %swap3A_61 = arith.index_cast %mul3A_60 : i32 to index
      %swap3A_62 = tpu.vector_load %arg12[%swap3A, %swap3A_61] {strides = array<i32>} : memref<64x128xf32, #tpu.memory_space<vmem>>, vector<16xf32>,
      tpu.vector_store %arg12[%swap3A, %swap3A_61], %broadcast_in_dim3A_28 {strides = array<i32>} : memref<64x128xf32, #tpu.memory_space<vmem>>, vector<16xf32>,
      %scan3A_63 = arith.constant 0 : i32
      scf.yield %scan3A_63 : i32
    }
    %scan3A_6 = arith.constant 512 : i32
    %scan3A_7 = arith.constant 0 : i32
    %scan3A_8 = arith.constant 0 : i32
    %scan3A_9 = arith.constant 10 : i32
    %scan3A_10 = arith.addi %scan3A_8, %scan3A_9 : i32
    %scan3A_11 = arith.constant 1 : i32
    %scan3A_12 = scf.for %scan3A_26 = %scan3A_8 to %scan3A_10 step %scan3A_11 iter_args(%scan3A_27 = %scan3A_7) -> (i32)  : i32 {
      %mul3A_28 = arith.constant 640 : i32
      %mul3A_29 = arith.muli %arg1, %mul3A_28 : i32
      %mul3A_30 = arith.constant 64 : i32
      %mul3A_31 = arith.muli %scan3A_26, %mul3A_30 : i32
      %add3A_32 = arith.addi %mul3A_29, %mul3A_31 : i32
      "tpu.region"() ({
        %run_scoped3A = tpu.sem_alloc : memref<!tpu.dma_semaphore, #tpu.memory_space<semaphore_mem>>
        %dma_start3A = arith.constant 0 : i32
        %dma_start3A_34 = tpu.memref_slice %arg7[%add3A_32, %dma_start3A] : memref<10240x128xf32, #tpu.memory_space<vmem_shared>> -> memref<64x128xf32, #tpu.memory_space<vmem_shared>>
        %dma_start3A_35 = arith.constant 0 : i32
        %dma_start3A_36 = tpu.memref_slice %arg7[%add3A_32, %dma_start3A_35] : memref<10240x128xf32, #tpu.memory_space<vmem_shared>> -> memref<64x128xf32, #tpu.memory_space<vmem_shared>>
        tpu.enqueue_dma source(%arg12 : memref<64x128xf32, #tpu.memory_space<vmem>>) target(%dma_start3A_36 : memref<64x128xf32, #tpu.memory_space<vmem_shared>>) target_semaphore(%run_scoped3A : memref<!tpu.dma_semaphore, #tpu.memory_space<semaphore_mem>>)
        %dma_wait3A = arith.constant 0 : i32
        %dma_wait3A_37 = tpu.memref_slice %arg7[%add3A_32, %dma_wait3A] : memref<10240x128xf32, #tpu.memory_space<vmem_shared>> -> memref<64x128xf32, #tpu.memory_space<vmem_shared>>
        %dma_wait3A_38 = arith.constant 0 : i32
        %dma_wait3A_39 = tpu.memref_slice %arg7[%add3A_32, %dma_wait3A_38] : memref<10240x128xf32, #tpu.memory_space<vmem_shared>> -> memref<64x128xf32, #tpu.memory_space<vmem_shared>>
        tpu.wait_dma2 semaphore(%run_scoped3A : memref<!tpu.dma_semaphore, #tpu.memory_space<semaphore_mem>>) src(%arg12 : memref<64x128xf32, #tpu.memory_space<vmem>>) dst(%dma_wait3A_39 : memref<64x128xf32, #tpu.memory_space<vmem_shared>>)
        tpu.yield
      }) : () -> ()
      %scan3A_33 = arith.constant 0 : i32
      scf.yield %scan3A_33 : i32
    }
    %scan3A_13 = arith.constant 10 : i32
    %barrier3A = arith.constant 0 : index
    tpu.barrier barrier_id(%barrier3A)
    %scan3A_14 = arith.constant 0 : i32
    %scan3A_15 = arith.constant 0 : i32
    %scan3A_16 = arith.constant 81 : i32
    %scan3A_17 = arith.addi %scan3A_15, %scan3A_16 : i32
    %scan3A_18 = arith.constant 1 : i32
    %scan3A_19 = scf.for %scan3A_26 = %scan3A_15 to %scan3A_17 step %scan3A_18 iter_args(%scan3A_27 = %scan3A_14) -> (i32)  : i32 {
      %mul3A_28 = arith.constant 10368 : i32
      %mul3A_29 = arith.muli %add3A, %mul3A_28 : i32
      %mul3A_30 = arith.constant 128 : i32
      %mul3A_31 = arith.muli %scan3A_26, %mul3A_30 : i32
      %add3A_32 = arith.addi %mul3A_29, %mul3A_31 : i32
      "tpu.region"() ({
        %run_scoped3A = tpu.sem_alloc : memref<!tpu.dma_semaphore, #tpu.memory_space<semaphore_mem>>
        %dma_start3A_45 = tpu.memref_slice %arg3[%add3A_32] : memref<331776xi32, #tpu.memory_space<hbm>> -> memref<128xi32, #tpu.memory_space<hbm>>
        %dma_start3A_46 = tpu.memref_slice %arg3[%add3A_32] : memref<331776xi32, #tpu.memory_space<hbm>> -> memref<128xi32, #tpu.memory_space<hbm>>
        tpu.enqueue_dma source(%dma_start3A_46 : memref<128xi32, #tpu.memory_space<hbm>>) target(%arg8 : memref<128xi32, #tpu.memory_space<vmem>>) target_semaphore(%run_scoped3A : memref<!tpu.dma_semaphore, #tpu.memory_space<semaphore_mem>>)
        %dma_wait3A_47 = tpu.memref_slice %arg3[%add3A_32] : memref<331776xi32, #tpu.memory_space<hbm>> -> memref<128xi32, #tpu.memory_space<hbm>>
        %dma_wait3A_48 = tpu.memref_slice %arg3[%add3A_32] : memref<331776xi32, #tpu.memory_space<hbm>> -> memref<128xi32, #tpu.memory_space<hbm>>
        tpu.wait_dma2 semaphore(%run_scoped3A : memref<!tpu.dma_semaphore, #tpu.memory_space<semaphore_mem>>) src(%dma_wait3A_48 : memref<128xi32, #tpu.memory_space<hbm>>) dst(%arg8 : memref<128xi32, #tpu.memory_space<vmem>>)
        tpu.yield
      }) : () -> ()
      "tpu.region"() ({
        %run_scoped3A = tpu.sem_alloc : memref<!tpu.dma_semaphore, #tpu.memory_space<semaphore_mem>>
        %dma_start3A_45 = tpu.memref_slice %arg4[%add3A_32] : memref<331776xi32, #tpu.memory_space<hbm>> -> memref<128xi32, #tpu.memory_space<hbm>>
        %dma_start3A_46 = tpu.memref_slice %arg4[%add3A_32] : memref<331776xi32, #tpu.memory_space<hbm>> -> memref<128xi32, #tpu.memory_space<hbm>>
        tpu.enqueue_dma source(%dma_start3A_46 : memref<128xi32, #tpu.memory_space<hbm>>) target(%arg9 : memref<128xi32, #tpu.memory_space<vmem>>) target_semaphore(%run_scoped3A : memref<!tpu.dma_semaphore, #tpu.memory_space<semaphore_mem>>)
        %dma_wait3A_47 = tpu.memref_slice %arg4[%add3A_32] : memref<331776xi32, #tpu.memory_space<hbm>> -> memref<128xi32, #tpu.memory_space<hbm>>
        %dma_wait3A_48 = tpu.memref_slice %arg4[%add3A_32] : memref<331776xi32, #tpu.memory_space<hbm>> -> memref<128xi32, #tpu.memory_space<hbm>>
        tpu.wait_dma2 semaphore(%run_scoped3A : memref<!tpu.dma_semaphore, #tpu.memory_space<semaphore_mem>>) src(%dma_wait3A_48 : memref<128xi32, #tpu.memory_space<hbm>>) dst(%arg9 : memref<128xi32, #tpu.memory_space<vmem>>)
        tpu.yield
      }) : () -> ()
      "tpu.region"() ({
        %run_scoped3A = tpu.sem_alloc : memref<!tpu.dma_semaphore, #tpu.memory_space<semaphore_mem>>
        %dma_start3A_45 = tpu.memref_slice %arg5[%add3A_32] : memref<331776xf32, #tpu.memory_space<hbm>> -> memref<128xf32, #tpu.memory_space<hbm>>
        %dma_start3A_46 = tpu.memref_slice %arg5[%add3A_32] : memref<331776xf32, #tpu.memory_space<hbm>> -> memref<128xf32, #tpu.memory_space<hbm>>
        tpu.enqueue_dma source(%dma_start3A_46 : memref<128xf32, #tpu.memory_space<hbm>>) target(%arg10 : memref<128xf32, #tpu.memory_space<vmem>>) target_semaphore(%run_scoped3A : memref<!tpu.dma_semaphore, #tpu.memory_space<semaphore_mem>>)
        %dma_wait3A_47 = tpu.memref_slice %arg5[%add3A_32] : memref<331776xf32, #tpu.memory_space<hbm>> -> memref<128xf32, #tpu.memory_space<hbm>>
        %dma_wait3A_48 = tpu.memref_slice %arg5[%add3A_32] : memref<331776xf32, #tpu.memory_space<hbm>> -> memref<128xf32, #tpu.memory_space<hbm>>
        tpu.wait_dma2 semaphore(%run_scoped3A : memref<!tpu.dma_semaphore, #tpu.memory_space<semaphore_mem>>) src(%dma_wait3A_48 : memref<128xf32, #tpu.memory_space<hbm>>) dst(%arg10 : memref<128xf32, #tpu.memory_space<vmem>>)
        tpu.yield
      }) : () -> ()
      %dma_start3A = arith.constant 0 : i32
      %dma_start3A_33 = arith.constant 0 : i32
      %dma_start3A_34 = tpu.memref_slice %arg2[%dma_start3A, %dma_start3A_33] : memref<10240x128xf32, #tpu.memory_space<hbm>> -> memref<10240x128xf32, #tpu.memory_space<hbm>>
      tpu.enqueue_indirect_dma source(%dma_start3A_34 : memref<10240x128xf32, #tpu.memory_space<hbm>>) target(%arg11 : memref<128x128xf32, #tpu.memory_space<vmem>>) offsets(%arg8 : memref<128xi32, #tpu.memory_space<vmem>>) semaphore(%arg13 : memref<!tpu.dma_semaphore, #tpu.memory_space<semaphore_mem>>)
      %dma_wait3A = arith.constant 0 : i32
      %dma_wait3A_35 = arith.constant 0 : i32
      %dma_wait3A_36 = tpu.memref_slice %arg2[%dma_wait3A, %dma_wait3A_35] : memref<10240x128xf32, #tpu.memory_space<hbm>> -> memref<10240x128xf32, #tpu.memory_space<hbm>>
      tpu.wait_indirect_dma semaphore(%arg13 : memref<!tpu.dma_semaphore, #tpu.memory_space<semaphore_mem>>) src(%dma_wait3A_36 : memref<10240x128xf32, #tpu.memory_space<hbm>>) dst(%arg11 : memref<128x128xf32, #tpu.memory_space<vmem>>)
      %scan3A_37 = arith.constant 0 : i32
      %scan3A_38 = arith.constant 0 : i32
      %scan3A_39 = arith.constant 128 : i32
      %scan3A_40 = arith.addi %scan3A_38, %scan3A_39 : i32
      %scan3A_41 = arith.constant 1 : i32
      %scan3A_42 = scf.for %scan3A_45 = %scan3A_38 to %scan3A_40 step %scan3A_41 iter_args(%scan3A_46 = %scan3A_37) -> (i32)  : i32 {
        %broadcast_in_dim3A = arith.constant 0 : i32
        %broadcast_in_dim3A_47 = vector.broadcast %broadcast_in_dim3A : i32 to vector<16xi32>
        %add3A_48 = vector.broadcast %scan3A_45 : i32 to vector<16xi32>
        %add3A_49 = arith.addi %broadcast_in_dim3A_47, %add3A_48 : vector<16xi32>
        %gather3A = tpu.vector_load_idx %arg10[%add3A_49] : memref<128xf32, #tpu.memory_space<vmem>>[vector<16xi32>], vector<16xf32>,
        %get3A = arith.index_cast %scan3A_45 : i32 to index
        %get3A_50 = arith.constant 0 : index
        %get3A_51 = tpu.vector_load %arg11[%get3A, %get3A_50] {strides = array<i32>} : memref<128x128xf32, #tpu.memory_space<vmem>>, vector<16xf32>,
        %mul3A_52 = arith.mulf %get3A_51, %gather3A : vector<16xf32>
        %swap3A = arith.index_cast %scan3A_45 : i32 to index
        %swap3A_53 = arith.constant 0 : index
        %swap3A_54 = tpu.vector_load %arg11[%swap3A, %swap3A_53] {strides = array<i32>} : memref<128x128xf32, #tpu.memory_space<vmem>>, vector<16xf32>,
        tpu.vector_store %arg11[%swap3A, %swap3A_53], %mul3A_52 {strides = array<i32>} : memref<128x128xf32, #tpu.memory_space<vmem>>, vector<16xf32>,
        %get3A_55 = arith.index_cast %scan3A_45 : i32 to index
        %get3A_56 = arith.constant 16 : index
        %get3A_57 = tpu.vector_load %arg11[%get3A_55, %get3A_56] {strides = array<i32>} : memref<128x128xf32, #tpu.memory_space<vmem>>, vector<16xf32>,
        %mul3A_58 = arith.mulf %get3A_57, %gather3A : vector<16xf32>
        %swap3A_59 = arith.index_cast %scan3A_45 : i32 to index
        %swap3A_60 = arith.constant 16 : index
        %swap3A_61 = tpu.vector_load %arg11[%swap3A_59, %swap3A_60] {strides = array<i32>} : memref<128x128xf32, #tpu.memory_space<vmem>>, vector<16xf32>,
        tpu.vector_store %arg11[%swap3A_59, %swap3A_60], %mul3A_58 {strides = array<i32>} : memref<128x128xf32, #tpu.memory_space<vmem>>, vector<16xf32>,
        %get3A_62 = arith.index_cast %scan3A_45 : i32 to index
        %get3A_63 = arith.constant 32 : index
        %get3A_64 = tpu.vector_load %arg11[%get3A_62, %get3A_63] {strides = array<i32>} : memref<128x128xf32, #tpu.memory_space<vmem>>, vector<16xf32>,
        %mul3A_65 = arith.mulf %get3A_64, %gather3A : vector<16xf32>
        %swap3A_66 = arith.index_cast %scan3A_45 : i32 to index
        %swap3A_67 = arith.constant 32 : index
        %swap3A_68 = tpu.vector_load %arg11[%swap3A_66, %swap3A_67] {strides = array<i32>} : memref<128x128xf32, #tpu.memory_space<vmem>>, vector<16xf32>,
        tpu.vector_store %arg11[%swap3A_66, %swap3A_67], %mul3A_65 {strides = array<i32>} : memref<128x128xf32, #tpu.memory_space<vmem>>, vector<16xf32>,
        %get3A_69 = arith.index_cast %scan3A_45 : i32 to index
        %get3A_70 = arith.constant 48 : index
        %get3A_71 = tpu.vector_load %arg11[%get3A_69, %get3A_70] {strides = array<i32>} : memref<128x128xf32, #tpu.memory_space<vmem>>, vector<16xf32>,
        %mul3A_72 = arith.mulf %get3A_71, %gather3A : vector<16xf32>
        %swap3A_73 = arith.index_cast %scan3A_45 : i32 to index
        %swap3A_74 = arith.constant 48 : index
        %swap3A_75 = tpu.vector_load %arg11[%swap3A_73, %swap3A_74] {strides = array<i32>} : memref<128x128xf32, #tpu.memory_space<vmem>>, vector<16xf32>,
        tpu.vector_store %arg11[%swap3A_73, %swap3A_74], %mul3A_72 {strides = array<i32>} : memref<128x128xf32, #tpu.memory_space<vmem>>, vector<16xf32>,
        %get3A_76 = arith.index_cast %scan3A_45 : i32 to index
        %get3A_77 = arith.constant 64 : index
        %get3A_78 = tpu.vector_load %arg11[%get3A_76, %get3A_77] {strides = array<i32>} : memref<128x128xf32, #tpu.memory_space<vmem>>, vector<16xf32>,
        %mul3A_79 = arith.mulf %get3A_78, %gather3A : vector<16xf32>
        %swap3A_80 = arith.index_cast %scan3A_45 : i32 to index
        %swap3A_81 = arith.constant 64 : index
        %swap3A_82 = tpu.vector_load %arg11[%swap3A_80, %swap3A_81] {strides = array<i32>} : memref<128x128xf32, #tpu.memory_space<vmem>>, vector<16xf32>,
        tpu.vector_store %arg11[%swap3A_80, %swap3A_81], %mul3A_79 {strides = array<i32>} : memref<128x128xf32, #tpu.memory_space<vmem>>, vector<16xf32>,
        %get3A_83 = arith.index_cast %scan3A_45 : i32 to index
        %get3A_84 = arith.constant 80 : index
        %get3A_85 = tpu.vector_load %arg11[%get3A_83, %get3A_84] {strides = array<i32>} : memref<128x128xf32, #tpu.memory_space<vmem>>, vector<16xf32>,
        %mul3A_86 = arith.mulf %get3A_85, %gather3A : vector<16xf32>
        %swap3A_87 = arith.index_cast %scan3A_45 : i32 to index
        %swap3A_88 = arith.constant 80 : index
        %swap3A_89 = tpu.vector_load %arg11[%swap3A_87, %swap3A_88] {strides = array<i32>} : memref<128x128xf32, #tpu.memory_space<vmem>>, vector<16xf32>,
        tpu.vector_store %arg11[%swap3A_87, %swap3A_88], %mul3A_86 {strides = array<i32>} : memref<128x128xf32, #tpu.memory_space<vmem>>, vector<16xf32>,
        %get3A_90 = arith.index_cast %scan3A_45 : i32 to index
        %get3A_91 = arith.constant 96 : index
        %get3A_92 = tpu.vector_load %arg11[%get3A_90, %get3A_91] {strides = array<i32>} : memref<128x128xf32, #tpu.memory_space<vmem>>, vector<16xf32>,
        %mul3A_93 = arith.mulf %get3A_92, %gather3A : vector<16xf32>
        %swap3A_94 = arith.index_cast %scan3A_45 : i32 to index
        %swap3A_95 = arith.constant 96 : index
        %swap3A_96 = tpu.vector_load %arg11[%swap3A_94, %swap3A_95] {strides = array<i32>} : memref<128x128xf32, #tpu.memory_space<vmem>>, vector<16xf32>,
        tpu.vector_store %arg11[%swap3A_94, %swap3A_95], %mul3A_93 {strides = array<i32>} : memref<128x128xf32, #tpu.memory_space<vmem>>, vector<16xf32>,
        %get3A_97 = arith.index_cast %scan3A_45 : i32 to index
        %get3A_98 = arith.constant 112 : index
        %get3A_99 = tpu.vector_load %arg11[%get3A_97, %get3A_98] {strides = array<i32>} : memref<128x128xf32, #tpu.memory_space<vmem>>, vector<16xf32>,
        %mul3A_100 = arith.mulf %get3A_99, %gather3A : vector<16xf32>
        %swap3A_101 = arith.index_cast %scan3A_45 : i32 to index
        %swap3A_102 = arith.constant 112 : index
        %swap3A_103 = tpu.vector_load %arg11[%swap3A_101, %swap3A_102] {strides = array<i32>} : memref<128x128xf32, #tpu.memory_space<vmem>>, vector<16xf32>,
        tpu.vector_store %arg11[%swap3A_101, %swap3A_102], %mul3A_100 {strides = array<i32>} : memref<128x128xf32, #tpu.memory_space<vmem>>, vector<16xf32>,
        %scan3A_104 = arith.constant 0 : i32
        scf.yield %scan3A_104 : i32
      }
      %scan3A_43 = arith.constant 128 : i32
      "tpu.region"() ({
        %run_scoped3A = tpu.sem_alloc : memref<!tpu.dma_semaphore, #tpu.memory_space<semaphore_mem>>
        %dma_start3A_45 = arith.constant 0 : i32
        %dma_start3A_46 = arith.constant 0 : i32
        %dma_start3A_47 = tpu.memref_slice %arg7[%dma_start3A_45, %dma_start3A_46] : memref<10240x128xf32, #tpu.memory_space<vmem_shared>> -> memref<10240x128xf32, #tpu.memory_space<vmem_shared>>
        tpu.enqueue_indirect_dma source(%arg11 : memref<128x128xf32, #tpu.memory_space<vmem>>) target(%dma_start3A_47 : memref<10240x128xf32, #tpu.memory_space<vmem_shared>>) offsets(%arg9 : memref<128xi32, #tpu.memory_space<vmem>>) semaphore(%run_scoped3A : memref<!tpu.dma_semaphore, #tpu.memory_space<semaphore_mem>>) {add = true}
        %dma_wait3A_48 = arith.constant 0 : i32
        %dma_wait3A_49 = arith.constant 0 : i32
        %dma_wait3A_50 = tpu.memref_slice %arg7[%dma_wait3A_48, %dma_wait3A_49] : memref<10240x128xf32, #tpu.memory_space<vmem_shared>> -> memref<10240x128xf32, #tpu.memory_space<vmem_shared>>
        tpu.wait_indirect_dma semaphore(%run_scoped3A : memref<!tpu.dma_semaphore, #tpu.memory_space<semaphore_mem>>) src(%arg11 : memref<128x128xf32, #tpu.memory_space<vmem>>) dst(%dma_wait3A_50 : memref<10240x128xf32, #tpu.memory_space<vmem_shared>>)
        tpu.yield
      }) : () -> ()
      %scan3A_44 = arith.constant 0 : i32
      scf.yield %scan3A_44 : i32
    }
    %scan3A_20 = arith.constant 81 : i32
    %barrier3A_21 = arith.constant 0 : index
    tpu.barrier barrier_id(%barrier3A_21)
    %mul3A_22 = arith.constant 640 : i32
    %mul3A_23 = arith.muli %arg1, %mul3A_22 : i32
    %mul3A_24 = arith.constant 640 : i32
    %mul3A_25 = arith.muli %arg1, %mul3A_24 : i32
    "tpu.region"() ({
      %run_scoped3A = tpu.sem_alloc : memref<!tpu.dma_semaphore, #tpu.memory_space<semaphore_mem>>
      %dma_start3A = arith.constant 0 : i32
      %dma_start3A_26 = tpu.memref_slice %arg6[%arg0, %mul3A_25, %dma_start3A] : memref<2x10240x128xf32, #tpu.memory_space<hbm>> -> memref<1x640x128xf32, #tpu.memory_space<hbm>>
      %dma_start3A_27 = tpu.memref_squeeze %dma_start3A_26 : memref<1x640x128xf32, #tpu.memory_space<hbm>> -> memref<640x128xf32, #tpu.memory_space<hbm>>
      %dma_start3A_28 = arith.constant 0 : i32
      %dma_start3A_29 = tpu.memref_slice %arg7[%mul3A_23, %dma_start3A_28] : memref<10240x128xf32, #tpu.memory_space<vmem_shared>> -> memref<640x128xf32, #tpu.memory_space<vmem_shared>>
      tpu.enqueue_dma source(%dma_start3A_29 : memref<640x128xf32, #tpu.memory_space<vmem_shared>>) target(%dma_start3A_27 : memref<640x128xf32, #tpu.memory_space<hbm>>) target_semaphore(%run_scoped3A : memref<!tpu.dma_semaphore, #tpu.memory_space<semaphore_mem>>)
      %dma_wait3A = arith.constant 0 : i32
      %dma_wait3A_30 = tpu.memref_slice %arg6[%arg0, %mul3A_25, %dma_wait3A] : memref<2x10240x128xf32, #tpu.memory_space<hbm>> -> memref<1x640x128xf32, #tpu.memory_space<hbm>>
      %dma_wait3A_31 = tpu.memref_squeeze %dma_wait3A_30 : memref<1x640x128xf32, #tpu.memory_space<hbm>> -> memref<640x128xf32, #tpu.memory_space<hbm>>
      %dma_wait3A_32 = arith.constant 0 : i32
      %dma_wait3A_33 = tpu.memref_slice %arg7[%mul3A_23, %dma_wait3A_32] : memref<10240x128xf32, #tpu.memory_space<vmem_shared>> -> memref<640x128xf32, #tpu.memory_space<vmem_shared>>
      tpu.wait_dma2 semaphore(%run_scoped3A : memref<!tpu.dma_semaphore, #tpu.memory_space<semaphore_mem>>) src(%dma_wait3A_33 : memref<640x128xf32, #tpu.memory_space<vmem_shared>>) dst(%dma_wait3A_31 : memref<640x128xf32, #tpu.memory_space<hbm>>)
      tpu.yield
    }) : () -> ()
    return
  }
}

module attributes {stable_mosaic.version = 14 : i64} {
  func.func @_dinv_body(%arg0: memref<32x80x128xf32, #tpu.memory_space<vmem>>, %arg1: memref<80x128xf32, #tpu.memory_space<vmem>>) attributes {dimension_semantics = [], scalar_prefetch = 0 : i64, scratch_operands = 0 : i64, tpu.core_type = #tpu.core_type<tc>} {
    %get3A = arith.constant 0 : index
    %get3A_0 = arith.constant 0 : index
    %get3A_1 = arith.constant 0 : index
    %get3A_2 = vector.load %arg0[%get3A, %get3A_0, %get3A_1] : memref<32x80x128xf32, #tpu.memory_space<vmem>>, vector<32x80x128xf32>
    %reduce_sum3A = arith.constant dense<0.000000e+00> : vector<80x128xf32>
    %reduce_sum3A_3 = vector.multi_reduction <add>, %get3A_2, %reduce_sum3A [0] : vector<32x80x128xf32> to vector<80x128xf32>
    %gt3A = arith.constant 0.000000e+00 : f32
    %gt3A_4 = vector.broadcast %gt3A : f32 to vector<80x128xf32>
    %gt3A_5 = arith.cmpf ogt, %reduce_sum3A_3, %gt3A_4 : vector<80x128xf32>
    %rsqrt3A = math.rsqrt %reduce_sum3A_3 : vector<80x128xf32>
    %jit3A = arith.constant 0.000000e+00 : f32
    %broadcast_in_dim3A = vector.broadcast %jit3A : f32 to vector<80x128xf32>
    %select_n3A = arith.select %gt3A_5, %rsqrt3A, %broadcast_in_dim3A : vector<80x128xi1>, vector<80x128xf32>
    %swap3A = arith.constant 0 : index
    %swap3A_6 = arith.constant 0 : index
    %swap3A_7 = vector.load %arg1[%swap3A, %swap3A_6] : memref<80x128xf32, #tpu.memory_space<vmem>>, vector<80x128xf32>
    tpu.vector_store %arg1[%swap3A, %swap3A_6], %select_n3A {strides = array<i32>} : memref<80x128xf32, #tpu.memory_space<vmem>>, vector<80x128xf32>,
    return
  }
}

module attributes {stable_mosaic.version = 14 : i64} {
  func.func @_mm_body(%arg0: i32, %arg1: memref<1024x128xf32, #tpu.memory_space<vmem>>, %arg2: memref<128x128xf32, #tpu.memory_space<vmem>>, %arg3: memref<1024x128xf32, #tpu.memory_space<vmem>>) attributes {dimension_semantics = [#tpu.dimension_semantics<arbitrary>], iteration_bounds = array<i64: 10>, scalar_prefetch = 0 : i64, scratch_operands = 0 : i64, tpu.core_type = #tpu.core_type<tc>, window_params = [{transform_indices = @transform_0, window_bounds = array<i64: 1024, 128>}, {pipeline_mode = #tpu.pipeline_mode<synchronous>, transform_indices = @transform_1, window_bounds = array<i64: 128, 128>}, {transform_indices = @transform_2, window_bounds = array<i64: 1024, 128>}]} {
    %get3A = arith.constant 0 : index
    %get3A_0 = arith.constant 0 : index
    %get3A_1 = vector.load %arg1[%get3A, %get3A_0] : memref<1024x128xf32, #tpu.memory_space<vmem>>, vector<1024x128xf32>
    %get3A_2 = arith.constant 0 : index
    %get3A_3 = arith.constant 0 : index
    %get3A_4 = vector.load %arg2[%get3A_2, %get3A_3] : memref<128x128xf32, #tpu.memory_space<vmem>>, vector<128x128xf32>
    %dot_general3A = arith.constant dense<0.000000e+00> : vector<1024x128xf32>
    %dot_general3A_5 = tpu.matmul %get3A_1, %get3A_4, %dot_general3A {dimension_numbers = #tpu.dot_dimension_numbers<[1], [0], [0], [1], [0, 0, 1, 1], [], []>, transpose_lhs_hint = false} : vector<1024x128xf32>, vector<128x128xf32>, vector<1024x128xf32> -> vector<1024x128xf32>
    %swap3A = arith.constant 0 : index
    %swap3A_6 = arith.constant 0 : index
    %swap3A_7 = vector.load %arg3[%swap3A, %swap3A_6] : memref<1024x128xf32, #tpu.memory_space<vmem>>, vector<1024x128xf32>
    tpu.vector_store %arg3[%swap3A, %swap3A_6], %dot_general3A_5 {strides = array<i32>} : memref<1024x128xf32, #tpu.memory_space<vmem>>, vector<1024x128xf32>,
    return
  }
  func.func @transform_0(%arg0: i32) -> (i32, i32) {
    %c0_i32 = arith.constant 0 : i32
    %c0_i32_0 = arith.constant 0 : i32
    return %arg0, %c0_i32 : i32, i32
  }
  func.func @transform_1(%arg0: i32) -> (i32, i32) {
    %c0_i32 = arith.constant 0 : i32
    %c0_i32_0 = arith.constant 0 : i32
    %c0_i32_1 = arith.constant 0 : i32
    return %c0_i32, %c0_i32_0 : i32, i32
  }
  func.func @transform_2(%arg0: i32) -> (i32, i32) {
    %c0_i32 = arith.constant 0 : i32
    %c0_i32_0 = arith.constant 0 : i32
    return %arg0, %c0_i32 : i32, i32
  }
}

module attributes {stable_mosaic.version = 14 : i64} {
  func.func @_comb_body(%arg0: i32, %arg1: memref<2x1024x128xf32, #tpu.memory_space<vmem>>, %arg2: memref<128xf32, #tpu.memory_space<vmem>>, %arg3: memref<1024x128xf32, #tpu.memory_space<vmem>>, %arg4: memref<8x128xf32, #tpu.memory_space<vmem>>, %arg5: memref<8x128xf32, #tpu.memory_space<vmem>>) attributes {dimension_semantics = [#tpu.dimension_semantics<arbitrary>], iteration_bounds = array<i64: 10>, scalar_prefetch = 0 : i64, scratch_operands = 1 : i64, tpu.core_type = #tpu.core_type<tc>, window_params = [{transform_indices = @transform_0, window_bounds = array<i64: 2, 1024, 128>}, {pipeline_mode = #tpu.pipeline_mode<synchronous>, transform_indices = @transform_1, window_bounds = array<i64: 128>}, {transform_indices = @transform_2, window_bounds = array<i64: 1024, 128>}, {pipeline_mode = #tpu.pipeline_mode<synchronous>, transform_indices = @transform_3, window_bounds = array<i64: 8, 128>}]} {
    %get3A = arith.constant 0 : index
    %get3A_0 = arith.constant 0 : index
    %get3A_1 = arith.constant 0 : index
    %get3A_2 = vector.load %arg1[%get3A, %get3A_0, %get3A_1] : memref<2x1024x128xf32, #tpu.memory_space<vmem>>, vector<1x1024x128xf32>
    %get3A_3 = vector.shape_cast %get3A_2 : vector<1x1024x128xf32> to vector<1024x128xf32>
    %get3A_4 = arith.constant 1 : index
    %get3A_5 = arith.constant 0 : index
    %get3A_6 = arith.constant 0 : index
    %get3A_7 = vector.load %arg1[%get3A_4, %get3A_5, %get3A_6] : memref<2x1024x128xf32, #tpu.memory_space<vmem>>, vector<1x1024x128xf32>
    %get3A_8 = vector.shape_cast %get3A_7 : vector<1x1024x128xf32> to vector<1024x128xf32>
    %add3A = arith.addf %get3A_3, %get3A_8 : vector<1024x128xf32>
    %get3A_9 = arith.constant 0 : index
    %get3A_10 = vector.load %arg2[%get3A_9] : memref<128xf32, #tpu.memory_space<vmem>>, vector<128xf32>
    %broadcast_in_dim3A = vector.shape_cast %get3A_10 : vector<128xf32> to vector<1x128xf32>
    %add3A_11 = vector.broadcast %broadcast_in_dim3A : vector<1x128xf32> to vector<1024x128xf32>
    %add3A_12 = arith.addf %add3A, %add3A_11 : vector<1024x128xf32>
    %mul3A = arith.constant 1024 : i32
    %mul3A_13 = arith.muli %arg0, %mul3A : i32
    %iota3A = tpu.iota {dimensions = array<i32: 0>} : vector<1024x1xi32>
    %add3A_14 = vector.broadcast %mul3A_13 : i32 to vector<1024x1xi32>
    %add3A_15 = arith.addi %add3A_14, %iota3A : vector<1024x1xi32>
    %lt3A = arith.constant 10000 : i32
    %lt3A_16 = vector.broadcast %lt3A : i32 to vector<1024x1xi32>
    %lt3A_17 = arith.cmpi slt, %add3A_15, %lt3A_16 : vector<1024x1xi32>
    %jit3A = arith.constant 0.000000e+00 : f32
    %broadcast_in_dim3A_18 = vector.shape_cast %lt3A_17 : vector<1024x1xi1> to vector<1024x1xi1>
    %broadcast_in_dim3A_19 = vector.broadcast %broadcast_in_dim3A_18 : vector<1024x1xi1> to vector<1024x128xi1>
    %broadcast_in_dim3A_20 = vector.broadcast %jit3A : f32 to vector<1024x128xf32>
    %select_n3A = arith.select %broadcast_in_dim3A_19, %add3A_12, %broadcast_in_dim3A_20 : vector<1024x128xi1>, vector<1024x128xf32>
    %swap3A = arith.constant 0 : index
    %swap3A_21 = arith.constant 0 : index
    %swap3A_22 = vector.load %arg3[%swap3A, %swap3A_21] : memref<1024x128xf32, #tpu.memory_space<vmem>>, vector<1024x128xf32>
    tpu.vector_store %arg3[%swap3A, %swap3A_21], %select_n3A {strides = array<i32>} : memref<1024x128xf32, #tpu.memory_space<vmem>>, vector<1024x128xf32>,
    %eq3A = arith.constant 0 : i32
    %eq3A_23 = arith.cmpi eq, %arg0, %eq3A : i32
    %convert_element_type3A = arith.extui %eq3A_23 : i1 to i32
    %cond3A = arith.constant 0 : i32
    %cond3A_24 = arith.cmpi ne, %convert_element_type3A, %cond3A : i32
    scf.if %cond3A_24 {
      %broadcast_in_dim3A_50 = arith.constant 0.000000e+00 : f32
      %broadcast_in_dim3A_51 = vector.broadcast %broadcast_in_dim3A_50 : f32 to vector<8x128xf32>
      %swap3A_52 = arith.constant 0 : index
      %swap3A_53 = arith.constant 0 : index
      %swap3A_54 = vector.load %arg5[%swap3A_52, %swap3A_53] : memref<8x128xf32, #tpu.memory_space<vmem>>, vector<8x128xf32>
      tpu.vector_store %arg5[%swap3A_52, %swap3A_53], %broadcast_in_dim3A_51 {strides = array<i32>} : memref<8x128xf32, #tpu.memory_space<vmem>>, vector<8x128xf32>,
    } else {
    }
    %get3A_25 = arith.constant 0 : index
    %get3A_26 = arith.constant 0 : index
    %get3A_27 = vector.load %arg5[%get3A_25, %get3A_26] : memref<8x128xf32, #tpu.memory_space<vmem>>, vector<1x128xf32>
    %reduce_sum3A = arith.constant dense<0.000000e+00> : vector<128xf32>
    %reduce_sum3A_28 = vector.multi_reduction <add>, %select_n3A, %reduce_sum3A [0] : vector<1024x128xf32> to vector<128xf32>
    %broadcast_in_dim3A_29 = vector.shape_cast %reduce_sum3A_28 : vector<128xf32> to vector<1x128xf32>
    %add3A_30 = arith.addf %get3A_27, %broadcast_in_dim3A_29 : vector<1x128xf32>
    %swap3A_31 = arith.constant 0 : index
    %swap3A_32 = arith.constant 0 : index
    %swap3A_33 = vector.load %arg5[%swap3A_31, %swap3A_32] : memref<8x128xf32, #tpu.memory_space<vmem>>, vector<1x128xf32>
    tpu.vector_store %arg5[%swap3A_31, %swap3A_32], %add3A_30 {strides = array<i32>} : memref<8x128xf32, #tpu.memory_space<vmem>>, vector<1x128xf32>,
    %get3A_34 = arith.constant 1 : index
    %get3A_35 = arith.constant 0 : index
    %get3A_36 = vector.load %arg5[%get3A_34, %get3A_35] : memref<8x128xf32, #tpu.memory_space<vmem>>, vector<1x128xf32>
    %mul3A_37 = arith.mulf %select_n3A, %select_n3A : vector<1024x128xf32>
    %reduce_sum3A_38 = arith.constant dense<0.000000e+00> : vector<128xf32>
    %reduce_sum3A_39 = vector.multi_reduction <add>, %mul3A_37, %reduce_sum3A_38 [0] : vector<1024x128xf32> to vector<128xf32>
    %broadcast_in_dim3A_40 = vector.shape_cast %reduce_sum3A_39 : vector<128xf32> to vector<1x128xf32>
    %add3A_41 = arith.addf %get3A_36, %broadcast_in_dim3A_40 : vector<1x128xf32>
    %swap3A_42 = arith.constant 1 : index
    %swap3A_43 = arith.constant 0 : index
    %swap3A_44 = vector.load %arg5[%swap3A_42, %swap3A_43] : memref<8x128xf32, #tpu.memory_space<vmem>>, vector<1x128xf32>
    tpu.vector_store %arg5[%swap3A_42, %swap3A_43], %add3A_41 {strides = array<i32>} : memref<8x128xf32, #tpu.memory_space<vmem>>, vector<1x128xf32>,
    %eq3A_45 = arith.constant 9 : i32
    %eq3A_46 = arith.cmpi eq, %arg0, %eq3A_45 : i32
    %convert_element_type3A_47 = arith.extui %eq3A_46 : i1 to i32
    %cond3A_48 = arith.constant 0 : i32
    %cond3A_49 = arith.cmpi ne, %convert_element_type3A_47, %cond3A_48 : i32
    scf.if %cond3A_49 {
      %get3A_50 = arith.constant 0 : index
      %get3A_51 = arith.constant 0 : index
      %get3A_52 = vector.load %arg5[%get3A_50, %get3A_51] : memref<8x128xf32, #tpu.memory_space<vmem>>, vector<8x128xf32>
      %swap3A_53 = arith.constant 0 : index
      %swap3A_54 = arith.constant 0 : index
      %swap3A_55 = vector.load %arg4[%swap3A_53, %swap3A_54] : memref<8x128xf32, #tpu.memory_space<vmem>>, vector<8x128xf32>
      tpu.vector_store %arg4[%swap3A_53, %swap3A_54], %get3A_52 {strides = array<i32>} : memref<8x128xf32, #tpu.memory_space<vmem>>, vector<8x128xf32>,
    } else {
    }
    return
  }
  func.func @transform_0(%arg0: i32) -> (i32, i32, i32) {
    %c0_i32 = arith.constant 0 : i32
    %c0_i32_0 = arith.constant 0 : i32
    %c0_i32_1 = arith.constant 0 : i32
    return %c0_i32, %arg0, %c0_i32_0 : i32, i32, i32
  }
  func.func @transform_1(%arg0: i32) -> i32 {
    %c0_i32 = arith.constant 0 : i32
    %c0_i32_0 = arith.constant 0 : i32
    return %c0_i32 : i32
  }
  func.func @transform_2(%arg0: i32) -> (i32, i32) {
    %c0_i32 = arith.constant 0 : i32
    %c0_i32_0 = arith.constant 0 : i32
    return %arg0, %c0_i32 : i32, i32
  }
  func.func @transform_3(%arg0: i32) -> (i32, i32) {
    %c0_i32 = arith.constant 0 : i32
    %c0_i32_0 = arith.constant 0 : i32
    %c0_i32_1 = arith.constant 0 : i32
    return %c0_i32, %c0_i32_0 : i32, i32
  }
}

module attributes {stable_mosaic.version = 14 : i64} {
  func.func @_mmbn_body(%arg0: i32, %arg1: memref<1024x128xf32, #tpu.memory_space<vmem>>, %arg2: memref<8x128xf32, #tpu.memory_space<vmem>>, %arg3: memref<128xf32, #tpu.memory_space<vmem>>, %arg4: memref<128xf32, #tpu.memory_space<vmem>>, %arg5: memref<128x128xf32, #tpu.memory_space<vmem>>, %arg6: memref<1024x128xf32, #tpu.memory_space<vmem>>) attributes {dimension_semantics = [#tpu.dimension_semantics<arbitrary>], iteration_bounds = array<i64: 10>, scalar_prefetch = 0 : i64, scratch_operands = 0 : i64, tpu.core_type = #tpu.core_type<tc>, window_params = [{transform_indices = @transform_0, window_bounds = array<i64: 1024, 128>}, {pipeline_mode = #tpu.pipeline_mode<synchronous>, transform_indices = @transform_1, window_bounds = array<i64: 8, 128>}, {pipeline_mode = #tpu.pipeline_mode<synchronous>, transform_indices = @transform_2, window_bounds = array<i64: 128>}, {pipeline_mode = #tpu.pipeline_mode<synchronous>, transform_indices = @transform_3, window_bounds = array<i64: 128>}, {pipeline_mode = #tpu.pipeline_mode<synchronous>, transform_indices = @transform_4, window_bounds = array<i64: 128, 128>}, {transform_indices = @transform_5, window_bounds = array<i64: 1024, 128>}]} {
    %get3A = arith.constant 0 : index
    %get3A_0 = arith.constant 0 : index
    %get3A_1 = vector.load %arg2[%get3A, %get3A_0] : memref<8x128xf32, #tpu.memory_space<vmem>>, vector<1x128xf32>
    %get3A_2 = arith.constant 1 : index
    %get3A_3 = arith.constant 0 : index
    %get3A_4 = vector.load %arg2[%get3A_2, %get3A_3] : memref<8x128xf32, #tpu.memory_space<vmem>>, vector<1x128xf32>
    %mul3A = arith.constant 9.99999974E-5 : f32
    %mul3A_5 = vector.broadcast %mul3A : f32 to vector<1x128xf32>
    %mul3A_6 = arith.mulf %get3A_1, %mul3A_5 : vector<1x128xf32>
    %mul3A_7 = arith.constant 9.99999974E-5 : f32
    %mul3A_8 = vector.broadcast %mul3A_7 : f32 to vector<1x128xf32>
    %mul3A_9 = arith.mulf %get3A_4, %mul3A_8 : vector<1x128xf32>
    %mul3A_10 = arith.mulf %mul3A_6, %mul3A_6 : vector<1x128xf32>
    %sub3A = arith.subf %mul3A_9, %mul3A_10 : vector<1x128xf32>
    %add3A = arith.constant 9.99999974E-6 : f32
    %add3A_11 = vector.broadcast %add3A : f32 to vector<1x128xf32>
    %add3A_12 = arith.addf %sub3A, %add3A_11 : vector<1x128xf32>
    %rsqrt3A = math.rsqrt %add3A_12 : vector<1x128xf32>
    %get3A_13 = arith.constant 0 : index
    %get3A_14 = vector.load %arg3[%get3A_13] : memref<128xf32, #tpu.memory_space<vmem>>, vector<128xf32>
    %broadcast_in_dim3A = vector.shape_cast %get3A_14 : vector<128xf32> to vector<1x128xf32>
    %mul3A_15 = arith.mulf %rsqrt3A, %broadcast_in_dim3A : vector<1x128xf32>
    %get3A_16 = arith.constant 0 : index
    %get3A_17 = vector.load %arg4[%get3A_16] : memref<128xf32, #tpu.memory_space<vmem>>, vector<128xf32>
    %mul3A_18 = arith.mulf %mul3A_6, %mul3A_15 : vector<1x128xf32>
    %broadcast_in_dim3A_19 = vector.shape_cast %get3A_17 : vector<128xf32> to vector<1x128xf32>
    %sub3A_20 = arith.subf %broadcast_in_dim3A_19, %mul3A_18 : vector<1x128xf32>
    %get3A_21 = arith.constant 0 : index
    %get3A_22 = arith.constant 0 : index
    %get3A_23 = vector.load %arg1[%get3A_21, %get3A_22] : memref<1024x128xf32, #tpu.memory_space<vmem>>, vector<1024x128xf32>
    %mul3A_24 = vector.broadcast %mul3A_15 : vector<1x128xf32> to vector<1024x128xf32>
    %mul3A_25 = arith.mulf %get3A_23, %mul3A_24 : vector<1024x128xf32>
    %add3A_26 = vector.broadcast %sub3A_20 : vector<1x128xf32> to vector<1024x128xf32>
    %add3A_27 = arith.addf %mul3A_25, %add3A_26 : vector<1024x128xf32>
    %get3A_28 = arith.constant 0 : index
    %get3A_29 = arith.constant 0 : index
    %get3A_30 = vector.load %arg5[%get3A_28, %get3A_29] : memref<128x128xf32, #tpu.memory_space<vmem>>, vector<128x128xf32>
    %dot_general3A = arith.constant dense<0.000000e+00> : vector<1024x128xf32>
    %dot_general3A_31 = tpu.matmul %add3A_27, %get3A_30, %dot_general3A {dimension_numbers = #tpu.dot_dimension_numbers<[1], [0], [0], [1], [0, 0, 1, 1], [], []>, transpose_lhs_hint = false} : vector<1024x128xf32>, vector<128x128xf32>, vector<1024x128xf32> -> vector<1024x128xf32>
    %swap3A = arith.constant 0 : index
    %swap3A_32 = arith.constant 0 : index
    %swap3A_33 = vector.load %arg6[%swap3A, %swap3A_32] : memref<1024x128xf32, #tpu.memory_space<vmem>>, vector<1024x128xf32>
    tpu.vector_store %arg6[%swap3A, %swap3A_32], %dot_general3A_31 {strides = array<i32>} : memref<1024x128xf32, #tpu.memory_space<vmem>>, vector<1024x128xf32>,
    return
  }
  func.func @transform_0(%arg0: i32) -> (i32, i32) {
    %c0_i32 = arith.constant 0 : i32
    %c0_i32_0 = arith.constant 0 : i32
    return %arg0, %c0_i32 : i32, i32
  }
  func.func @transform_1(%arg0: i32) -> (i32, i32) {
    %c0_i32 = arith.constant 0 : i32
    %c0_i32_0 = arith.constant 0 : i32
    %c0_i32_1 = arith.constant 0 : i32
    return %c0_i32, %c0_i32_0 : i32, i32
  }
  func.func @transform_2(%arg0: i32) -> i32 {
    %c0_i32 = arith.constant 0 : i32
    %c0_i32_0 = arith.constant 0 : i32
    return %c0_i32 : i32
  }
  func.func @transform_3(%arg0: i32) -> i32 {
    %c0_i32 = arith.constant 0 : i32
    %c0_i32_0 = arith.constant 0 : i32
    return %c0_i32 : i32
  }
  func.func @transform_4(%arg0: i32) -> (i32, i32) {
    %c0_i32 = arith.constant 0 : i32
    %c0_i32_0 = arith.constant 0 : i32
    %c0_i32_1 = arith.constant 0 : i32
    return %c0_i32, %c0_i32_0 : i32, i32
  }
  func.func @transform_5(%arg0: i32) -> (i32, i32) {
    %c0_i32 = arith.constant 0 : i32
    %c0_i32_0 = arith.constant 0 : i32
    return %arg0, %c0_i32 : i32, i32
  }
}

module attributes {stable_mosaic.version = 14 : i64} {
  func.func @_pool_body(%arg0: i32, %arg1: memref<2x1024x128xf32, #tpu.memory_space<vmem>>, %arg2: memref<128xf32, #tpu.memory_space<vmem>>, %arg3: memref<1024x1xi32, #tpu.memory_space<vmem>>, %arg4: memref<64x32xf32, #tpu.memory_space<vmem>>, %arg5: memref<32xf32, #tpu.memory_space<vmem>>, %arg6: memref<32x1xf32, #tpu.memory_space<vmem>>, %arg7: memref<1xf32, #tpu.memory_space<vmem>>, %arg8: memref<64x1xf32, #tpu.memory_space<vmem>>, %arg9: memref<64x128xf32, #tpu.memory_space<vmem>>) attributes {dimension_semantics = [#tpu.dimension_semantics<arbitrary>], iteration_bounds = array<i64: 10>, scalar_prefetch = 0 : i64, scratch_operands = 1 : i64, tpu.core_type = #tpu.core_type<tc>, window_params = [{transform_indices = @transform_0, window_bounds = array<i64: 2, 1024, 128>}, {pipeline_mode = #tpu.pipeline_mode<synchronous>, transform_indices = @transform_1, window_bounds = array<i64: 128>}, {transform_indices = @transform_2, window_bounds = array<i64: 1024, 1>}, {pipeline_mode = #tpu.pipeline_mode<synchronous>, transform_indices = @transform_3, window_bounds = array<i64: 64, 32>}, {pipeline_mode = #tpu.pipeline_mode<synchronous>, transform_indices = @transform_4, window_bounds = array<i64: 32>}, {pipeline_mode = #tpu.pipeline_mode<synchronous>, transform_indices = @transform_5, window_bounds = array<i64: 32, 1>}, {pipeline_mode = #tpu.pipeline_mode<synchronous>, transform_indices = @transform_6, window_bounds = array<i64: 1>}, {pipeline_mode = #tpu.pipeline_mode<synchronous>, transform_indices = @transform_7, window_bounds = array<i64: 64, 1>}]} {
    %get3A = arith.constant 0 : index
    %get3A_0 = arith.constant 0 : index
    %get3A_1 = arith.constant 0 : index
    %get3A_2 = vector.load %arg1[%get3A, %get3A_0, %get3A_1] : memref<2x1024x128xf32, #tpu.memory_space<vmem>>, vector<1x1024x128xf32>
    %get3A_3 = vector.shape_cast %get3A_2 : vector<1x1024x128xf32> to vector<1024x128xf32>
    %get3A_4 = arith.constant 1 : index
    %get3A_5 = arith.constant 0 : index
    %get3A_6 = arith.constant 0 : index
    %get3A_7 = vector.load %arg1[%get3A_4, %get3A_5, %get3A_6] : memref<2x1024x128xf32, #tpu.memory_space<vmem>>, vector<1x1024x128xf32>
    %get3A_8 = vector.shape_cast %get3A_7 : vector<1x1024x128xf32> to vector<1024x128xf32>
    %add3A = arith.addf %get3A_3, %get3A_8 : vector<1024x128xf32>
    %get3A_9 = arith.constant 0 : index
    %get3A_10 = vector.load %arg2[%get3A_9] : memref<128xf32, #tpu.memory_space<vmem>>, vector<128xf32>
    %broadcast_in_dim3A = vector.shape_cast %get3A_10 : vector<128xf32> to vector<1x128xf32>
    %add3A_11 = vector.broadcast %broadcast_in_dim3A : vector<1x128xf32> to vector<1024x128xf32>
    %add3A_12 = arith.addf %add3A, %add3A_11 : vector<1024x128xf32>
    %max3A = arith.constant 0.000000e+00 : f32
    %max3A_13 = vector.broadcast %max3A : f32 to vector<1024x128xf32>
    %max3A_14 = arith.maximumf %add3A_12, %max3A_13 : vector<1024x128xf32>
    %mul3A = arith.constant 1024 : i32
    %mul3A_15 = arith.muli %arg0, %mul3A : i32
    %iota3A = tpu.iota {dimensions = array<i32: 0>} : vector<1024x1xi32>
    %add3A_16 = vector.broadcast %mul3A_15 : i32 to vector<1024x1xi32>
    %add3A_17 = arith.addi %add3A_16, %iota3A : vector<1024x1xi32>
    %lt3A = arith.constant 10000 : i32
    %lt3A_18 = vector.broadcast %lt3A : i32 to vector<1024x1xi32>
    %lt3A_19 = arith.cmpi slt, %add3A_17, %lt3A_18 : vector<1024x1xi32>
    %jit3A = arith.constant 0xFF800000 : f32
    %broadcast_in_dim3A_20 = vector.shape_cast %lt3A_19 : vector<1024x1xi1> to vector<1024x1xi1>
    %broadcast_in_dim3A_21 = vector.broadcast %broadcast_in_dim3A_20 : vector<1024x1xi1> to vector<1024x128xi1>
    %broadcast_in_dim3A_22 = vector.broadcast %jit3A : f32 to vector<1024x128xf32>
    %select_n3A = arith.select %broadcast_in_dim3A_21, %max3A_14, %broadcast_in_dim3A_22 : vector<1024x128xi1>, vector<1024x128xf32>
    %get3A_23 = arith.constant 0 : index
    %get3A_24 = arith.constant 0 : index
    %get3A_25 = vector.load %arg3[%get3A_23, %get3A_24] : memref<1024x1xi32, #tpu.memory_space<vmem>>, vector<1024x1xi32>
    %eq3A = arith.constant 0 : i32
    %eq3A_26 = arith.cmpi eq, %arg0, %eq3A : i32
    %convert_element_type3A = arith.extui %eq3A_26 : i1 to i32
    %cond3A = arith.constant 0 : i32
    %cond3A_27 = arith.cmpi ne, %convert_element_type3A, %cond3A : i32
    scf.if %cond3A_27 {
      %broadcast_in_dim3A_38 = arith.constant 0xFF800000 : f32
      %broadcast_in_dim3A_39 = vector.broadcast %broadcast_in_dim3A_38 : f32 to vector<64x128xf32>
      %swap3A = arith.constant 0 : index
      %swap3A_40 = arith.constant 0 : index
      %swap3A_41 = vector.load %arg9[%swap3A, %swap3A_40] : memref<64x128xf32, #tpu.memory_space<vmem>>, vector<64x128xf32>
      tpu.vector_store %arg9[%swap3A, %swap3A_40], %broadcast_in_dim3A_39 {strides = array<i32>} : memref<64x128xf32, #tpu.memory_space<vmem>>, vector<64x128xf32>,
    } else {
    }
    %iota3A_28 = tpu.iota {dimensions = array<i32: 0>} : vector<64x1xi32>
    %scan3A = arith.constant 0 : i32
    %scan3A_29 = arith.constant 64 : i32
    %scan3A_30 = arith.addi %scan3A, %scan3A_29 : i32
    %scan3A_31 = arith.constant 1 : i32
    scf.for %scan3A_38 = %scan3A to %scan3A_30 step %scan3A_31  : i32 {
      %eq3A_39 = vector.broadcast %scan3A_38 : i32 to vector<1024x1xi32>
      %eq3A_40 = arith.cmpi eq, %get3A_25, %eq3A_39 : vector<1024x1xi32>
      %jit3A_41 = arith.constant 0xFF800000 : f32
      %broadcast_in_dim3A_42 = vector.shape_cast %eq3A_40 : vector<1024x1xi1> to vector<1024x1xi1>
      %broadcast_in_dim3A_43 = vector.broadcast %broadcast_in_dim3A_42 : vector<1024x1xi1> to vector<1024x128xi1>
      %broadcast_in_dim3A_44 = vector.broadcast %jit3A_41 : f32 to vector<1024x128xf32>
      %select_n3A_45 = arith.select %broadcast_in_dim3A_43, %select_n3A, %broadcast_in_dim3A_44 : vector<1024x128xi1>, vector<1024x128xf32>
      %reduce_max3A = arith.constant dense<0xFF800000> : vector<128xf32>
      %reduce_max3A_46 = vector.multi_reduction <maximumf>, %select_n3A_45, %reduce_max3A [0] : vector<1024x128xf32> to vector<128xf32>
      %broadcast_in_dim3A_47 = vector.shape_cast %reduce_max3A_46 : vector<128xf32> to vector<1x128xf32>
      %eq3A_48 = vector.broadcast %scan3A_38 : i32 to vector<64x1xi32>
      %eq3A_49 = arith.cmpi eq, %iota3A_28, %eq3A_48 : vector<64x1xi32>
      %get3A_50 = arith.constant 0 : index
      %get3A_51 = arith.constant 0 : index
      %get3A_52 = vector.load %arg9[%get3A_50, %get3A_51] : memref<64x128xf32, #tpu.memory_space<vmem>>, vector<64x128xf32>
      %max3A_53 = vector.broadcast %broadcast_in_dim3A_47 : vector<1x128xf32> to vector<64x128xf32>
      %max3A_54 = arith.maximumf %get3A_52, %max3A_53 : vector<64x128xf32>
      %get3A_55 = arith.constant 0 : index
      %get3A_56 = arith.constant 0 : index
      %get3A_57 = vector.load %arg9[%get3A_55, %get3A_56] : memref<64x128xf32, #tpu.memory_space<vmem>>, vector<64x128xf32>
      %broadcast_in_dim3A_58 = vector.shape_cast %eq3A_49 : vector<64x1xi1> to vector<64x1xi1>
      %broadcast_in_dim3A_59 = vector.broadcast %broadcast_in_dim3A_58 : vector<64x1xi1> to vector<64x128xi1>
      %select_n3A_60 = arith.select %broadcast_in_dim3A_59, %max3A_54, %get3A_57 : vector<64x128xi1>, vector<64x128xf32>
      %swap3A = arith.constant 0 : index
      %swap3A_61 = arith.constant 0 : index
      %swap3A_62 = vector.load %arg9[%swap3A, %swap3A_61] : memref<64x128xf32, #tpu.memory_space<vmem>>, vector<64x128xf32>
      tpu.vector_store %arg9[%swap3A, %swap3A_61], %select_n3A_60 {strides = array<i32>} : memref<64x128xf32, #tpu.memory_space<vmem>>, vector<64x128xf32>,
    }
    %scan3A_32 = arith.constant 64 : i32
    %eq3A_33 = arith.constant 9 : i32
    %eq3A_34 = arith.cmpi eq, %arg0, %eq3A_33 : i32
    %convert_element_type3A_35 = arith.extui %eq3A_34 : i1 to i32
    %cond3A_36 = arith.constant 0 : i32
    %cond3A_37 = arith.cmpi ne, %convert_element_type3A_35, %cond3A_36 : i32
    scf.if %cond3A_37 {
      %get3A_38 = arith.constant 0 : index
      %get3A_39 = arith.constant 0 : index
      %get3A_40 = vector.load %arg9[%get3A_38, %get3A_39] : memref<64x128xf32, #tpu.memory_space<vmem>>, vector<64x128xf32>
      %slice3A = vector.extract_strided_slice %get3A_40 {offsets = [0, 0], sizes = [64, 64], strides = [1, 1]} : vector<64x128xf32> to vector<64x64xf32>
      %is_finite3A = tpu.weird %slice3A : vector<64x64xf32> -> vector<64x64xi1>
      %is_finite3A_41 = arith.constant dense<true> : vector<64x64xi1>
      %is_finite3A_42 = arith.xori %is_finite3A, %is_finite3A_41 : vector<64x64xi1>
      %jit3A_43 = arith.constant 0.000000e+00 : f32
      %broadcast_in_dim3A_44 = vector.broadcast %jit3A_43 : f32 to vector<64x64xf32>
      %select_n3A_45 = arith.select %is_finite3A_42, %slice3A, %broadcast_in_dim3A_44 : vector<64x64xi1>, vector<64x64xf32>
      %get3A_46 = arith.constant 0 : index
      %get3A_47 = arith.constant 0 : index
      %get3A_48 = vector.load %arg4[%get3A_46, %get3A_47] : memref<64x32xf32, #tpu.memory_space<vmem>>, vector<64x32xf32>
      %dot_general3A = arith.constant dense<0.000000e+00> : vector<64x32xf32>
      %dot_general3A_49 = tpu.matmul %select_n3A_45, %get3A_48, %dot_general3A {dimension_numbers = #tpu.dot_dimension_numbers<[1], [0], [0], [1], [0, 0, 1, 1], [], []>, transpose_lhs_hint = false} : vector<64x64xf32>, vector<64x32xf32>, vector<64x32xf32> -> vector<64x32xf32>
      %get3A_50 = arith.constant 0 : index
      %get3A_51 = vector.load %arg5[%get3A_50] : memref<32xf32, #tpu.memory_space<vmem>>, vector<32xf32>
      %broadcast_in_dim3A_52 = vector.shape_cast %get3A_51 : vector<32xf32> to vector<1x32xf32>
      %add3A_53 = vector.broadcast %broadcast_in_dim3A_52 : vector<1x32xf32> to vector<64x32xf32>
      %add3A_54 = arith.addf %dot_general3A_49, %add3A_53 : vector<64x32xf32>
      %max3A_55 = arith.constant 0.000000e+00 : f32
      %max3A_56 = vector.broadcast %max3A_55 : f32 to vector<64x32xf32>
      %max3A_57 = arith.maximumf %add3A_54, %max3A_56 : vector<64x32xf32>
      %get3A_58 = arith.constant 0 : index
      %get3A_59 = arith.constant 0 : index
      %get3A_60 = vector.load %arg6[%get3A_58, %get3A_59] : memref<32x1xf32, #tpu.memory_space<vmem>>, vector<32x1xf32>
      %dot_general3A_61 = arith.constant dense<0.000000e+00> : vector<64x1xf32>
      %dot_general3A_62 = tpu.matmul %max3A_57, %get3A_60, %dot_general3A_61 {dimension_numbers = #tpu.dot_dimension_numbers<[1], [0], [0], [1], [0, 0, 1, 1], [], []>, transpose_lhs_hint = false} : vector<64x32xf32>, vector<32x1xf32>, vector<64x1xf32> -> vector<64x1xf32>
      %get3A_63 = arith.constant 0 : index
      %get3A_64 = vector.load %arg7[%get3A_63] : memref<1xf32, #tpu.memory_space<vmem>>, vector<1xf32>
      %broadcast_in_dim3A_65 = vector.shape_cast %get3A_64 : vector<1xf32> to vector<1x1xf32>
      %add3A_66 = vector.broadcast %broadcast_in_dim3A_65 : vector<1x1xf32> to vector<64x1xf32>
      %add3A_67 = arith.addf %dot_general3A_62, %add3A_66 : vector<64x1xf32>
      %swap3A = arith.constant 0 : index
      %swap3A_68 = arith.constant 0 : index
      %swap3A_69 = vector.load %arg8[%swap3A, %swap3A_68] : memref<64x1xf32, #tpu.memory_space<vmem>>, vector<64x1xf32>
      tpu.vector_store %arg8[%swap3A, %swap3A_68], %add3A_67 {strides = array<i32>} : memref<64x1xf32, #tpu.memory_space<vmem>>, vector<64x1xf32>,
    } else {
    }
    return
  }
  func.func @transform_0(%arg0: i32) -> (i32, i32, i32) {
    %c0_i32 = arith.constant 0 : i32
    %c0_i32_0 = arith.constant 0 : i32
    %c0_i32_1 = arith.constant 0 : i32
    return %c0_i32, %arg0, %c0_i32_0 : i32, i32, i32
  }
  func.func @transform_1(%arg0: i32) -> i32 {
    %c0_i32 = arith.constant 0 : i32
    %c0_i32_0 = arith.constant 0 : i32
    return %c0_i32 : i32
  }
  func.func @transform_2(%arg0: i32) -> (i32, i32) {
    %c0_i32 = arith.constant 0 : i32
    %c0_i32_0 = arith.constant 0 : i32
    return %arg0, %c0_i32 : i32, i32
  }
  func.func @transform_3(%arg0: i32) -> (i32, i32) {
    %c0_i32 = arith.constant 0 : i32
    %c0_i32_0 = arith.constant 0 : i32
    %c0_i32_1 = arith.constant 0 : i32
    return %c0_i32, %c0_i32_0 : i32, i32
  }
  func.func @transform_4(%arg0: i32) -> i32 {
    %c0_i32 = arith.constant 0 : i32
    %c0_i32_0 = arith.constant 0 : i32
    return %c0_i32 : i32
  }
  func.func @transform_5(%arg0: i32) -> (i32, i32) {
    %c0_i32 = arith.constant 0 : i32
    %c0_i32_0 = arith.constant 0 : i32
    %c0_i32_1 = arith.constant 0 : i32
    return %c0_i32, %c0_i32_0 : i32, i32
  }
  func.func @transform_6(%arg0: i32) -> i32 {
    %c0_i32 = arith.constant 0 : i32
    %c0_i32_0 = arith.constant 0 : i32
    return %c0_i32 : i32
  }
  func.func @transform_7(%arg0: i32) -> (i32, i32) {
    %c0_i32 = arith.constant 0 : i32
    %c0_i32_0 = arith.constant 0 : i32
    %c0_i32_1 = arith.constant 0 : i32
    return %c0_i32, %c0_i32_0 : i32, i32
  }
}

</mosaic_0001>

<sc_bundles>
// kernel: kernel.14.cloned.1.call-start
scs
__scs_entry_jumppad:
0x0: {  	(pc) =	sbr.rel $0x88, $3  }
0x1: {  	(tag) =	ssettag $0x0;
	lr =	simm.s32 $0x1  }
0x2: {  	[smem:$0x3F8F] =	sst lr;
	_ =	strace $0xD0000000  }
0x3: {  	_ = 	snop  }
0x4: {  	_ = 	snop  }
0x5: {  	_ = 	snop  }
0x6: {  	_ = 	snop  }
0x7: {  	_ = 	snop  }
__scs_overlays_trampoline_lowered:
0x8: {  	[smem:$0x3F9E] =	sst s0  }
0x9: {  	[smem:$0x3F9F] =	sst s1  }
0xa: {  	[smem:$0x3FA0] =	sst s2  }
0xb: {  	[smem:$0x3FA1] =	sst s3  }
0xc: {  	[smem:$0x3FA2] =	sst s4  }
0xd: {  	[smem:$0x3FA3] =	sst s5  }
0xe: {  	[smem:$0x3FA4] =	sst s6  }
0xf: {  	[smem:$0x3FA5] =	sst s7  }
0x10: {  	[smem:$0x3FA6] =	sst s8  }
0x11: {  	[smem:$0x3FA7] =	sst s9;
	s0 =	simm.s32 @!p0 $0x0  }
0x12: {  	s1 =	sld [smem:$0x3F8D];
	s0 =	simm.s32 @p0 $0x1  }
0x13: {  	[smem:$0x3FA8] =	sst s0;
	s0 =	simm.s32 @!p1 $0x0  }
0x14: {  	s2 =	sld [smem:$0x3F8C];
	s0 =	simm.s32 @p1 $0x1  }
0x15: {  	[smem:$0x3FA9] =	sst s0;
	s0 =	simm.s32 @!p2 $0x0  }
0x16: {  	s3 =	sld [smem:$0x3FDB];
	s0 =	simm.s32 @p2 $0x1  }
0x17: {  	s4 =	simm.s32 $0x1BF5;
	[smem:$0x3FAB] =	sst s0  }
0x18: {  	s0 =	sld [smem:$0x3F8E];
	_ =	swait.ge [sflag:s4], $0x0  }
0x19: {  	s7 =	sld [smem:$0x3F8F]  }
0x1a: {  	s8 =	sadd.s32 $0xFFFFE003, lr  }
0x1b: {  	s9 =	sadd.s32 $0xFFFFFEF7, lr;
	s5 =	simm.s32 $0xFFFFFFFF;
	p2 =	slt.u32 s8, $0xFFFFF086  }
0x1c: {  	p1 =	slt.u32 s9, $0xF7A;
	s5 =	simm.s32 @!p2 $0x0  }
0x1d: {  	s5 =	simm.s32 @p1 $0x1;
	p0 =	seq.s32 s7, s2  }
0x1e: {  	s7 =	smul.u32 @!p0 $0xF7A, s2;
	p2 =	seq.s32 @!p0 s5, $0x0  }
0x1f: {  	s9 =	smul.u32 $0xF7A, s1;
	s8 =	simm.s32 @!p0 $0x1BF5;
	p2 =	por !p2, p0  }
0x20: {  	[sflag:s8] =	ssyncset.s32 @!p0 $0xFFFFF086;
	s6 =	sadd.s32 @!p0 s3, s7;
	s7 =	simm.s32 @!p0 $0x108  }
0x21: {  	s3 =	sadd.s32 s3, s9;
	s6 =	sadd.s32 @!p0 $0x88, s6;
	s7 =	simm.s32 @p2 $0x1082  }
0x22: {  	[simem:s7], [sflag:s8] =	dma.local @!p0 [hbm:s6], $0xF7A  }
0x23: {  	s9 =	sor.u32 $0xD0000000, s2;
	s6 =	simm.s32 $0x108;
	_ =	swait.ge @!p0 [sflag:s8], $0x0  }
0x24: {  	s3 =	sadd.s32 $0x88, s3;
	s6 =	simm.s32 @!p1 $0x1082;
	[sflag:s4] =	ssyncset.s32 $0xFFFFF086  }
0x25: {  	[simem:s6], [sflag:s4] =	dma.local [hbm:s3], $0xF7A  }
0x26: {  	[smem:$0x3F8F] =	sst s1;
	(tag) =	ssettag s2;
	_ =	strace s9  }
0x27: {  	s1 =	sld [smem:$0x3F9F]  }
0x28: {  	s2 =	sld [smem:$0x3FA0]  }
0x29: {  	s4 =	sld [smem:$0x3FA2]  }
0x2a: {  	p0 =	seq.s32 s5, $0x0;
	s5 =	sld [smem:$0x3FA3]  }
0x2b: {  	s6 =	sld [smem:$0x3FA4]  }
0x2c: {  	s7 =	sld [smem:$0x3FA5]  }
0x2d: {  	s3 =	simm.s32 $0x108;
	s8 =	sld [smem:$0x3FA6]  }
0x2e: {  	s3 =	simm.s32 @!p0 $0x1082;
	s9 =	sld [smem:$0x3FA7]  }
0x2f: {  	lr =	sadd.s32 s0, s3;
	s0 =	sld [smem:$0x3F9E]  }
0x30: {  	s3 =	sld [smem:$0x3FA1]  }
0x31: {  	[smem:$0x3FAA] =	sst s10  }
0x32: {  	s10 =	sld [smem:$0x3FA8];
	_ =	sdelay $0x3  }
0x33: {  	p0 =	seq.s32 s10, $0x1;
	s10 =	sld [smem:$0x3FAA];
	_ =	sdelay $0x3  }
0x34: {  	[smem:$0x3FAA] =	sst s10  }
0x35: {  	s10 =	sld [smem:$0x3FA9];
	_ =	sdelay $0x3  }
0x36: {  	p1 =	seq.s32 s10, $0x1;
	s10 =	sld [smem:$0x3FAA];
	_ =	sdelay $0x3  }
0x37: {  	[smem:$0x3FAA] =	sst s10  }
0x38: {  	s10 =	sld [smem:$0x3FAB]  }
0x39: {  	_ = 	snop;
	(pc) =	sbr.ind lr, $3  }
0x3a: {  	_ = 	snop  }
0x3b: {  	_ = 	snop  }
0x3c: {  	p2 =	seq.s32 s10, $0x1;
	s10 =	sld [smem:$0x3FAA]  }
0x3d: {  	_ =	shalt  }
0x3e: {  	_ =	shalt  }
0x3f: {  	_ =	shalt  }
0x40: {  	_ =	shalt  }
0x41: {  	_ =	shalt  }
0x42: {  	_ =	shalt  }
0x43: {  	_ =	shalt  }
0x44: {  	_ =	shalt  }
0x45: {  	_ =	shalt  }
0x46: {  	_ =	shalt  }
0x47: {  	_ =	shalt  }
0x48: {  	_ =	shalt  }
0x49: {  	_ =	shalt  }
0x4a: {  	_ =	shalt  }
0x4b: {  	_ =	shalt  }
0x4c: {  	_ =	shalt  }
0x4d: {  	_ =	shalt  }
0x4e: {  	_ =	shalt  }
0x4f: {  	_ =	shalt  }
0x50: {  	_ =	shalt  }
0x51: {  	_ =	shalt  }
0x52: {  	_ =	shalt  }
0x53: {  	_ =	shalt  }
0x54: {  	_ =	shalt  }
0x55: {  	_ =	shalt  }
0x56: {  	_ =	shalt  }
0x57: {  	_ =	shalt  }
0x58: {  	_ =	shalt  }
0x59: {  	_ =	shalt  }
0x5a: {  	_ =	shalt  }
0x5b: {  	_ =	shalt  }
0x5c: {  	_ =	shalt  }
0x5d: {  	_ =	shalt  }
0x5e: {  	_ =	shalt  }
0x5f: {  	_ =	shalt  }
0x60: {  	_ =	shalt  }
0x61: {  	_ =	shalt  }
0x62: {  	_ =	shalt  }
0x63: {  	_ =	shalt  }
0x64: {  	_ =	shalt  }
0x65: {  	_ =	shalt  }
0x66: {  	_ =	shalt  }
0x67: {  	_ =	shalt  }
0x68: {  	_ =	shalt  }
0x69: {  	_ =	shalt  }
0x6a: {  	_ =	shalt  }
0x6b: {  	_ =	shalt  }
0x6c: {  	_ =	shalt  }
0x6d: {  	_ =	shalt  }
0x6e: {  	_ =	shalt  }
0x6f: {  	_ =	shalt  }
0x70: {  	_ =	shalt  }
0x71: {  	_ =	shalt  }
0x72: {  	_ =	shalt  }
0x73: {  	_ =	shalt  }
0x74: {  	_ =	shalt  }
0x75: {  	_ =	shalt  }
0x76: {  	_ =	shalt  }
0x77: {  	_ =	shalt  }
0x78: {  	_ =	shalt  }
0x79: {  	_ =	shalt  }
0x7a: {  	_ =	shalt  }
0x7b: {  	_ =	shalt  }
0x7c: {  	_ =	shalt  }
0x7d: {  	_ =	shalt  }
0x7e: {  	_ =	shalt  }
0x7f: {  	_ =	shalt  }
0x80: {  	_ =	shalt  }
0x81: {  	_ =	shalt  }
0x82: {  	_ =	shalt  }
0x83: {  	_ =	shalt  }
0x84: {  	_ =	shalt  }
0x85: {  	_ =	shalt  }
0x86: {  	_ =	shalt  }
0x87: {  	_ =	shalt  }
.Lfunc_end0:
.L_simem_size_0:
called_computation_lowered:
.L_overlay_start_0:
0x88: {  	s2 =	sld [smem:$0x3FD9]  }
0x89: {  	s3 =	sld [smem:$0x3FFE];
	_ =	sdelay $0x1  }
0x8a: {  	s1 =	srdreg.scid  }
0x8b: {  	s0 =	sand.u32 $0x1, s1  }
0x8c: {  	s16 =	sshll.u32 s0, $0xA;
	s2 =	sadd.s32 s3, s2  }
0x8d: {  	s2 =	sadd.s32 s2, s16  }
0x8e: {  	[smem:$0x3FB6] =	sst s2  }
0x8f: {  	_ = 	snop  }
0x90: {  	(tm) =	ssettm $0x1  }
0x91: {  	s17 =	sld [smem:$0x3FFB];
	_ =	sdelay $0x3  }
0x92: {  	_ =	strace s17  }
0x93: {  	s2 =	sld [smem:$0x3FFC];
	_ =	sdelay $0x3  }
0x94: {  	_ =	strace s2  }
0x95: {  	s2 =	sld [smem:$0x3FFD];
	_ =	sdelay $0x3  }
0x96: {  	_ =	strace s2  }
0x97: {  	_ =	strace $0x8FFFFFFF  }
0x98: {  	s18 =	sld [smem:$0x3FDB];
	_ =	sdelay $0x1  }
0x99: {  	s19 =	simm.s32 $_scs_section_size  }
0x9a: {  	s4 =	simm.s32 $_size__tile_overlayer_lowered;
	s5 =	simm.s32 $_tile_overlayer_lowered  }
0x9b: {  	s22 =	simm.s32 $0x1BFF;
	s21 =	sshll.u32 s5, $0x1;
	s2 =	sadd.s32 s19, s18  }
0x9c: {  	s6 =	simm.s32 $0x0;
	s20 =	sshll.u32 s4, $0x1;
	s4 =	sadd.s32 s21, s2  }
0x9d: {  	[timem:s6], [sflag:s22] =	dma.local [hbm:s4], s20  }
0x9e: {  	_ =	swait.ge [sflag:s22], s20  }
0x9f: {  	s3 =	ssub.s32 $0x0, s20;
	[sflag:s22] =	ssyncset.done $0x0  }
0xa0: {  	[sflag:s22] =	ssyncadd.s32 s3;
	_ =	sdelay $0x1  }
0xa1: {  	s23 =	simm.s32 $0x1B8B  }
0xa2: {  	_ =	swait.ge [sflag:s23], $0x1  }
0xa3: {  	[sflag:s23] =	ssyncset.done $0x0  }
0xa4: {  	s25 =	simm.s32 $0x1B8E;
	s24 =	sld [smem:$0x3FFE];
	[sflag:s23] =	ssyncadd.s32 $0xFFFFFFFF  }
0xa5: {  	s26 =	simm.s32 $execute0_lowered;
	[smem:$0x3FD2] =	sst s25  }
0xa6: {  	s4 =	sshll.u32 s26, $0x1;
	_ =	strace $0x80000046;
	[dreg:$0x1] =	wrdreg $0xFFFFFFFF  }
0xa7: {  	s28 =	simm.s32 $_size_execute0_lowered;
	s2 =	sadd.s32 s2, s4;
	[dreg:$0x0] =	wrdreg $0x0  }
0xa8: {  	s4 =	sshll.u32 s28, $0x1;
	[dreg:$0x2] =	wrdreg s2  }
0xa9: {  	[dreg:$0x3] =	wrdreg s4  }
0xaa: {  	[dreg:$0x4] =	wrdreg $0xC0  }
0xab: {  	_ =	task [dreg:s6], $0x5FFFF  }
0xac: {  	[dreg:$0x1] =	wrdreg $0xFFFFFFFF  }
0xad: {  	[dreg:$0x0] =	wrdreg $0x60  }
0xae: {  	[dreg:$0x2] =	wrdreg s24  }
0xaf: {  	[dreg:$0x3] =	wrdreg $0x9  }
0xb0: {  	_ =	task.clear_ibuf [dreg:s6], $0x4FFFF;
	_ =	strace $0x90000046  }
0xb1: {  	s29 =	simm.s32 $0x9;
	_ =	strace $0x80000048  }
0xb2: {  	_ =	swait.ge [sflag:s29], $0x1  }
0xb3: {  	[sflag:s29] =	ssyncadd.s32 $0xFFFFFFFF  }
0xb4: {  	_ =	strace $0x90000048  }
0xb5: {  	_ =	sfence  }
0xb6: {  	s30 =	sld [smem:$0x0];
	_ =	sdelay $0x2  }
0xb7: {  	s31 =	sshll.u32 s1, $0xD;
	s1 =	sshrl.u32 s1, $0x2  }
0xb8: {  	s3 =	sand.u32 $0x4000, s31;
	s1 =	sadd.s32 s1, s30  }
0xb9: {  	s0 =	sor.u32 s3, s0;
	s1 =	sshll.u32 s1, $0x11  }
0xba: {  	s0 =	sor.u32 s1, s0  }
0xbb: {  	s0 =	sadd.s32 $0x8F2B, s0  }
0xbc: {  	[sflag:s0] =	ssyncadd.remote.s32 $0x1  }
0xbd: {  	_ =	sfence.sel $0xFFFF  }
0xbe: {  	[dreg:$0x0] =	wrdreg $0xFFFFFFFF;
	(pc) =	sbr.abs _section_cstart, $3  }
0xbf: {  	[dreg:$0x1] =	wrdreg $0xFFFFFFFF  }
0xc0: {  	_ =	task.clear_ibuf [dreg:s6], $0x2FFFF;
	_ =	strace $0x9FFFFFFF  }
0xc1: {  	(tm) =	ssettm $0x7FFFFFFF  }
tec
execute0_lowered:
.L_overlay_start_1:
0x0: {  	(tag) =	ssettag $0x1  }
0x1: {  	s3 =	rddreg [dreg:$0x0]  }
0x2: {  	s1 =	stileid.u32;
	s2 =	srdreg.scid  }
0x3: {  	s0 =	rddreg [dreg:$0x1];
	s10 =	simm.s32 $0x0;
	s4 =	sand.u32 $0x1, s2  }
0x4: {  	s5 =	sshll.u32 s1, $0x1;
	s2 =	simm.s32 $0x0;
	s6 =	smul.u32 $0xA20, s1  }
0x5: {  	s5 =	sor.u32 s4, s5;
	s7 =	ssub.s32 $0x2, s4;
	s9 =	smul.u32 $0x510, s4  }
0x6: {  	[smem:$0x7FF] =	sst s2;
	s5 =	smul.u32 $0x500, s5;
	s8 =	sshrl.u32 s7, $0x1  }
0x7: {  	_ =	strace $0x80000047;
	s6 =	sadd.s32 s6, s3;
	s31 =	ssub.s32 s7, s8  }
0x8: {  	s6 =	sadd.s32 s9, s6;
	s7 =	simm.s32 $0x2800;
	s8 =	simm.s32 $0x1  }
0x9: {  	s9 =	simm.s32 $0x2880;
	s3 =	sadd.s32 s5, s3;
	s4 =	smax.u32 s31, $0x1  }
0xa: {  	v0 =	vimm.f32 $0.0e+00;
	s5 =	sadd.s32 $0x4200, s6;
	s6 =	sadd.s32 $0xE400, s6;
	s3 =	sadd.s32 $0x22800, s3  }
.LBB2_1:
0xb: {  	s11 =	simm.s32 $0x0;
	s12 =	simm.s32 $0x0  }
.LBB2_2:
0xc: {  	p0 =	sne.s32 s12, $0x9FC0  }
.Ltmp0:
0xd: {  	_ = 	snop;
	(pc) =	sbr.rel @p0 .LBB2_2-.Ltmp0, $4  }
0xe: {  	s13 =	sand.u32 $0xFE00, s12  }
0xf: {  	s14 =	sand.u32 $0x70, s11;
	s13 =	sshrl.u32 s13, $0x2  }
0x10: {  	s13 =	sor.u32 s14, s13  }
0x11: {  	s11 =	sadd.s32 $0x10, s11;
	s12 =	sadd.s32 $0x40, s12;
	[tilespmem:s13+$0x0] =	vst v0  }
0x12: {  	s11 =	simm.s32 $0x0  }
.LBB2_4:
0x13: {  	s12 =	sadd.s32 s11, s6  }
0x14: {  	[tilespmem:s7], [sflag:$0x1] =	stream.linear.gather [hbm4b:s12+s2], $0x80, $0x38;
	[tilespmem:$0x2900] =	vst v63  }
0x15: {  	_ =	swait.ge [sflag:s8], $0x80  }
0x16: {  	[sflag:s8] =	ssyncset.done $0x0  }
0x17: {  	s31 =	sadd.s32 s11, s5;
	[sflag:s8] =	ssyncadd.s32 $0xFFFFFF80  }
0x18: {  	[tilespmem:s9], [sflag:$0x1] =	stream.linear.gather [hbm4b:s31+s2], $0x80, $0x38;
	[tilespmem:$0x2900] =	vst v63  }
0x19: {  	_ =	swait.ge [sflag:s8], $0x80  }
0x1a: {  	[sflag:s8] =	ssyncset.done $0x0  }
0x1b: {  	[sflag:s8] =	ssyncadd.s32 $0xFFFFFF80  }
0x1c: {  	v1 =	vld [tilespmem:$0x2800];
	_ =	sdelay $0x2  }
0x1d: {  	v2 =	vld [tilespmem:$0x2880];
	_ =	sdelay $0x4  }
0x1e: {  	[tilespmem:v1+s2+$0x0] =	vst.idx.add.f32.msk $0xffff, v2  }
0x1f: {  	v1 =	vld [tilespmem:$0x2810];
	_ =	sdelay $0x2  }
0x20: {  	v2 =	vld [tilespmem:$0x2890];
	_ =	sdelay $0x4  }
0x21: {  	[tilespmem:v1+s2+$0x0] =	vst.idx.add.f32.msk $0xffff, v2  }
0x22: {  	v1 =	vld [tilespmem:$0x2820];
	_ =	sdelay $0x2  }
0x23: {  	v2 =	vld [tilespmem:$0x28A0];
	_ =	sdelay $0x4  }
0x24: {  	[tilespmem:v1+s2+$0x0] =	vst.idx.add.f32.msk $0xffff, v2  }
0x25: {  	v1 =	vld [tilespmem:$0x2830];
	_ =	sdelay $0x2  }
0x26: {  	v2 =	vld [tilespmem:$0x28B0];
	_ =	sdelay $0x4  }
0x27: {  	[tilespmem:v1+s2+$0x0] =	vst.idx.add.f32.msk $0xffff, v2  }
0x28: {  	v1 =	vld [tilespmem:$0x2840];
	_ =	sdelay $0x2  }
0x29: {  	v2 =	vld [tilespmem:$0x28C0];
	_ =	sdelay $0x4  }
0x2a: {  	[tilespmem:v1+s2+$0x0] =	vst.idx.add.f32.msk $0xffff, v2  }
0x2b: {  	v1 =	vld [tilespmem:$0x2850];
	_ =	sdelay $0x2  }
0x2c: {  	v2 =	vld [tilespmem:$0x28D0];
	_ =	sdelay $0x4  }
0x2d: {  	[tilespmem:v1+s2+$0x0] =	vst.idx.add.f32.msk $0xffff, v2  }
0x2e: {  	v1 =	vld [tilespmem:$0x2860];
	_ =	sdelay $0x2  }
0x2f: {  	v2 =	vld [tilespmem:$0x28E0];
	_ =	sdelay $0x4  }
0x30: {  	[tilespmem:v1+s2+$0x0] =	vst.idx.add.f32.msk $0xffff, v2  }
0x31: {  	v1 =	vld [tilespmem:$0x2870];
	_ =	sdelay $0x2  }
0x32: {  	p0 =	sne.s32 s11, $0x500;
	v2 =	vld [tilespmem:$0x28F0]  }
.Ltmp1:
0x33: {  	_ = 	snop;
	(pc) =	sbr.rel @p0 .LBB2_4-.Ltmp1, $2  }
0x34: {  	_ =	sdelay $0x2  }
0x35: {  	s11 =	sadd.s32 $0x10, s11;
	[tilespmem:v1+s2+$0x0] =	vst.idx.add.f32.msk $0xffff, v2  }
0x36: {  	s10 =	sadd.s32 $0x1, s10  }
0x37: {  	p0 =	sne.s32 s10, s4  }
.Ltmp2:
0x38: {  	_ = 	snop;
	(pc) =	sbr.rel @p0 .LBB2_1-.Ltmp2, $4  }
0x39: {  	[hbm4b:s3+s2] =	stream.linear.scatter [tilespmem:s2], [sflag:$0x1], $0x2800, $0x38;
	[tilespmem:$0x2900] =	vst v63  }
0x3a: {  	_ =	swait.ge [sflag:s8], $0x2800  }
0x3b: {  	[sflag:s8] =	ssyncset.done $0x0  }
0x3c: {  	[sflag:s8] =	ssyncadd.s32 $0xFFFFD800  }
0x3d: {  	_ =	sfence.sel $0x180000  }
0x3e: {  	[bflag:$0x0] =	sbarrier.arrive $0xFFFF  }
0x3f: {  	p0 =	sne.s32 s1, $0x0;
	_ =	strace $0x90000047  }
0x40: {  	s0 =	sadd.s32 @!p0 $0x100000, s0;
	[bflag:$0x2] =	sbarrier.arrive $0xFFFF  }
0x41: {  	[sflag:s0] =	ssyncadd.tile.s32 @!p0 $0x1;
	_ =	shalt  }
.Lfunc_end2:
_tile_overlayer_lowered:
.L_overlay_start_2:
0x42: {  	(tag) =	ssettag $0x2  }
0x43: {  	s0 =	rddreg [dreg:$0x0];
	s2 =	stileid.u32  }
0x44: {  	s1 =	rddreg [dreg:$0x1];
	p0 =	sne.s32 s2, $0x0  }
0x45: {  	s3 =	rddreg [dreg:$0x2];
	[bflag:$0x3] =	sbarrier.arrive $0xFFFF;
	s2 =	simm.s32 @!p0 $0x1C01  }
0x46: {  	[timem:s3], [sflag:s2] =	dma.local @!p0 [hbm:s0], s1  }
0x47: {  	s0 =	simm.s32 @!p0 $0x1  }
0x48: {  	_ =	swait.ge @!p0 [sflag:s0], s1  }
0x49: {  	s1 =	ssub.s32 @!p0 $0x0, s1;
	[sflag:s0] =	ssyncset.done @!p0 $0x0  }
0x4a: {  	[sflag:s0] =	ssyncadd.s32 @!p0 s1  }
0x4b: {  	[bflag:$0x3] =	sbarrier.arrive $0xFFFF  }
0x4c: {  	_ =	shalt  }

// kernel: kernel.17.cloned.1.call-start
scs
__scs_entry_jumppad:
0x0: {  	(pc) =	sbr.rel $0x88, $3  }
0x1: {  	(tag) =	ssettag $0x0;
	lr =	simm.s32 $0x1  }
0x2: {  	[smem:$0x3F8F] =	sst lr;
	_ =	strace $0xD0000000  }
0x3: {  	_ = 	snop  }
0x4: {  	_ = 	snop  }
0x5: {  	_ = 	snop  }
0x6: {  	_ = 	snop  }
0x7: {  	_ = 	snop  }
__scs_overlays_trampoline_lowered:
0x8: {  	[smem:$0x3F9E] =	sst s0  }
0x9: {  	[smem:$0x3F9F] =	sst s1  }
0xa: {  	[smem:$0x3FA0] =	sst s2  }
0xb: {  	[smem:$0x3FA1] =	sst s3  }
0xc: {  	[smem:$0x3FA2] =	sst s4  }
0xd: {  	[smem:$0x3FA3] =	sst s5  }
0xe: {  	[smem:$0x3FA4] =	sst s6  }
0xf: {  	[smem:$0x3FA5] =	sst s7  }
0x10: {  	[smem:$0x3FA6] =	sst s8  }
0x11: {  	[smem:$0x3FA7] =	sst s9;
	s0 =	simm.s32 @!p0 $0x0  }
0x12: {  	s1 =	sld [smem:$0x3F8D];
	s0 =	simm.s32 @p0 $0x1  }
0x13: {  	[smem:$0x3FA8] =	sst s0;
	s0 =	simm.s32 @!p1 $0x0  }
0x14: {  	s2 =	sld [smem:$0x3F8C];
	s0 =	simm.s32 @p1 $0x1  }
0x15: {  	[smem:$0x3FA9] =	sst s0;
	s0 =	simm.s32 @!p2 $0x0  }
0x16: {  	s3 =	sld [smem:$0x3FDB];
	s0 =	simm.s32 @p2 $0x1  }
0x17: {  	s4 =	simm.s32 $0x1BF5;
	[smem:$0x3FAB] =	sst s0  }
0x18: {  	s0 =	sld [smem:$0x3F8E];
	_ =	swait.ge [sflag:s4], $0x0  }
0x19: {  	s7 =	sld [smem:$0x3F8F]  }
0x1a: {  	s8 =	sadd.s32 $0xFFFFE003, lr  }
0x1b: {  	s9 =	sadd.s32 $0xFFFFFEF7, lr;
	s5 =	simm.s32 $0xFFFFFFFF;
	p2 =	slt.u32 s8, $0xFFFFF086  }
0x1c: {  	p1 =	slt.u32 s9, $0xF7A;
	s5 =	simm.s32 @!p2 $0x0  }
0x1d: {  	s5 =	simm.s32 @p1 $0x1;
	p0 =	seq.s32 s7, s2  }
0x1e: {  	s7 =	smul.u32 @!p0 $0xF7A, s2;
	p2 =	seq.s32 @!p0 s5, $0x0  }
0x1f: {  	s9 =	smul.u32 $0xF7A, s1;
	s8 =	simm.s32 @!p0 $0x1BF5;
	p2 =	por !p2, p0  }
0x20: {  	[sflag:s8] =	ssyncset.s32 @!p0 $0xFFFFF086;
	s6 =	sadd.s32 @!p0 s3, s7;
	s7 =	simm.s32 @!p0 $0x108  }
0x21: {  	s3 =	sadd.s32 s3, s9;
	s6 =	sadd.s32 @!p0 $0x88, s6;
	s7 =	simm.s32 @p2 $0x1082  }
0x22: {  	[simem:s7], [sflag:s8] =	dma.local @!p0 [hbm:s6], $0xF7A  }
0x23: {  	s9 =	sor.u32 $0xD0000000, s2;
	s6 =	simm.s32 $0x108;
	_ =	swait.ge @!p0 [sflag:s8], $0x0  }
0x24: {  	s3 =	sadd.s32 $0x88, s3;
	s6 =	simm.s32 @!p1 $0x1082;
	[sflag:s4] =	ssyncset.s32 $0xFFFFF086  }
0x25: {  	[simem:s6], [sflag:s4] =	dma.local [hbm:s3], $0xF7A  }
0x26: {  	[smem:$0x3F8F] =	sst s1;
	(tag) =	ssettag s2;
	_ =	strace s9  }
0x27: {  	s1 =	sld [smem:$0x3F9F]  }
0x28: {  	s2 =	sld [smem:$0x3FA0]  }
0x29: {  	s4 =	sld [smem:$0x3FA2]  }
0x2a: {  	p0 =	seq.s32 s5, $0x0;
	s5 =	sld [smem:$0x3FA3]  }
0x2b: {  	s6 =	sld [smem:$0x3FA4]  }
0x2c: {  	s7 =	sld [smem:$0x3FA5]  }
0x2d: {  	s3 =	simm.s32 $0x108;
	s8 =	sld [smem:$0x3FA6]  }
0x2e: {  	s3 =	simm.s32 @!p0 $0x1082;
	s9 =	sld [smem:$0x3FA7]  }
0x2f: {  	lr =	sadd.s32 s0, s3;
	s0 =	sld [smem:$0x3F9E]  }
0x30: {  	s3 =	sld [smem:$0x3FA1]  }
0x31: {  	[smem:$0x3FAA] =	sst s10  }
0x32: {  	s10 =	sld [smem:$0x3FA8];
	_ =	sdelay $0x3  }
0x33: {  	p0 =	seq.s32 s10, $0x1;
	s10 =	sld [smem:$0x3FAA];
	_ =	sdelay $0x3  }
0x34: {  	[smem:$0x3FAA] =	sst s10  }
0x35: {  	s10 =	sld [smem:$0x3FA9];
	_ =	sdelay $0x3  }
0x36: {  	p1 =	seq.s32 s10, $0x1;
	s10 =	sld [smem:$0x3FAA];
	_ =	sdelay $0x3  }
0x37: {  	[smem:$0x3FAA] =	sst s10  }
0x38: {  	s10 =	sld [smem:$0x3FAB]  }
0x39: {  	_ = 	snop;
	(pc) =	sbr.ind lr, $3  }
0x3a: {  	_ = 	snop  }
0x3b: {  	_ = 	snop  }
0x3c: {  	p2 =	seq.s32 s10, $0x1;
	s10 =	sld [smem:$0x3FAA]  }
0x3d: {  	_ =	shalt  }
0x3e: {  	_ =	shalt  }
0x3f: {  	_ =	shalt  }
0x40: {  	_ =	shalt  }
0x41: {  	_ =	shalt  }
0x42: {  	_ =	shalt  }
0x43: {  	_ =	shalt  }
0x44: {  	_ =	shalt  }
0x45: {  	_ =	shalt  }
0x46: {  	_ =	shalt  }
0x47: {  	_ =	shalt  }
0x48: {  	_ =	shalt  }
0x49: {  	_ =	shalt  }
0x4a: {  	_ =	shalt  }
0x4b: {  	_ =	shalt  }
0x4c: {  	_ =	shalt  }
0x4d: {  	_ =	shalt  }
0x4e: {  	_ =	shalt  }
0x4f: {  	_ =	shalt  }
0x50: {  	_ =	shalt  }
0x51: {  	_ =	shalt  }
0x52: {  	_ =	shalt  }
0x53: {  	_ =	shalt  }
0x54: {  	_ =	shalt  }
0x55: {  	_ =	shalt  }
0x56: {  	_ =	shalt  }
0x57: {  	_ =	shalt  }
0x58: {  	_ =	shalt  }
0x59: {  	_ =	shalt  }
0x5a: {  	_ =	shalt  }
0x5b: {  	_ =	shalt  }
0x5c: {  	_ =	shalt  }
0x5d: {  	_ =	shalt  }
0x5e: {  	_ =	shalt  }
0x5f: {  	_ =	shalt  }
0x60: {  	_ =	shalt  }
0x61: {  	_ =	shalt  }
0x62: {  	_ =	shalt  }
0x63: {  	_ =	shalt  }
0x64: {  	_ =	shalt  }
0x65: {  	_ =	shalt  }
0x66: {  	_ =	shalt  }
0x67: {  	_ =	shalt  }
0x68: {  	_ =	shalt  }
0x69: {  	_ =	shalt  }
0x6a: {  	_ =	shalt  }
0x6b: {  	_ =	shalt  }
0x6c: {  	_ =	shalt  }
0x6d: {  	_ =	shalt  }
0x6e: {  	_ =	shalt  }
0x6f: {  	_ =	shalt  }
0x70: {  	_ =	shalt  }
0x71: {  	_ =	shalt  }
0x72: {  	_ =	shalt  }
0x73: {  	_ =	shalt  }
0x74: {  	_ =	shalt  }
0x75: {  	_ =	shalt  }
0x76: {  	_ =	shalt  }
0x77: {  	_ =	shalt  }
0x78: {  	_ =	shalt  }
0x79: {  	_ =	shalt  }
0x7a: {  	_ =	shalt  }
0x7b: {  	_ =	shalt  }
0x7c: {  	_ =	shalt  }
0x7d: {  	_ =	shalt  }
0x7e: {  	_ =	shalt  }
0x7f: {  	_ =	shalt  }
0x80: {  	_ =	shalt  }
0x81: {  	_ =	shalt  }
0x82: {  	_ =	shalt  }
0x83: {  	_ =	shalt  }
0x84: {  	_ =	shalt  }
0x85: {  	_ =	shalt  }
0x86: {  	_ =	shalt  }
0x87: {  	_ =	shalt  }
.Lfunc_end0:
.L_simem_size_0:
called_computation.1_lowered:
.L_overlay_start_0:
0x88: {  	s2 =	sld [smem:$0x3FD9]  }
0x89: {  	s3 =	sld [smem:$0x3FFE];
	_ =	sdelay $0x1  }
0x8a: {  	s1 =	srdreg.scid  }
0x8b: {  	s0 =	sand.u32 $0x1, s1  }
0x8c: {  	s16 =	sshll.u32 s0, $0xA;
	s2 =	sadd.s32 s3, s2  }
0x8d: {  	s2 =	sadd.s32 s2, s16  }
0x8e: {  	[smem:$0x3FB6] =	sst s2  }
0x8f: {  	_ = 	snop  }
0x90: {  	(tm) =	ssettm $0x1  }
0x91: {  	s17 =	sld [smem:$0x3FFB];
	_ =	sdelay $0x3  }
0x92: {  	_ =	strace s17  }
0x93: {  	s2 =	sld [smem:$0x3FFC];
	_ =	sdelay $0x3  }
0x94: {  	_ =	strace s2  }
0x95: {  	s2 =	sld [smem:$0x3FFD];
	_ =	sdelay $0x3  }
0x96: {  	_ =	strace s2  }
0x97: {  	_ =	strace $0x8FFFFFFF  }
0x98: {  	s18 =	sld [smem:$0x3FDB];
	_ =	sdelay $0x1  }
0x99: {  	s19 =	simm.s32 $_scs_section_size  }
0x9a: {  	s4 =	simm.s32 $_size__tile_overlayer_lowered;
	s5 =	simm.s32 $_tile_overlayer_lowered  }
0x9b: {  	s22 =	simm.s32 $0x1BFF;
	s21 =	sshll.u32 s5, $0x1;
	s2 =	sadd.s32 s19, s18  }
0x9c: {  	s6 =	simm.s32 $0x0;
	s20 =	sshll.u32 s4, $0x1;
	s4 =	sadd.s32 s21, s2  }
0x9d: {  	[timem:s6], [sflag:s22] =	dma.local [hbm:s4], s20  }
0x9e: {  	_ =	swait.ge [sflag:s22], s20  }
0x9f: {  	s3 =	ssub.s32 $0x0, s20;
	[sflag:s22] =	ssyncset.done $0x0  }
0xa0: {  	[sflag:s22] =	ssyncadd.s32 s3;
	_ =	sdelay $0x1  }
0xa1: {  	s23 =	simm.s32 $0x1B8B  }
0xa2: {  	_ =	swait.ge [sflag:s23], $0x1  }
0xa3: {  	[sflag:s23] =	ssyncset.done $0x0  }
0xa4: {  	s25 =	simm.s32 $0x1B8E;
	s24 =	sld [smem:$0x3FFE];
	[sflag:s23] =	ssyncadd.s32 $0xFFFFFFFF  }
0xa5: {  	s26 =	simm.s32 $execute0_lowered;
	[smem:$0x3FD2] =	sst s25  }
0xa6: {  	s4 =	sshll.u32 s26, $0x1;
	_ =	strace $0x80000049;
	[dreg:$0x1] =	wrdreg $0xFFFFFFFF  }
0xa7: {  	s28 =	simm.s32 $_size_execute0_lowered;
	s2 =	sadd.s32 s2, s4;
	[dreg:$0x0] =	wrdreg $0x0  }
0xa8: {  	s4 =	sshll.u32 s28, $0x1;
	[dreg:$0x2] =	wrdreg s2  }
0xa9: {  	[dreg:$0x3] =	wrdreg s4  }
0xaa: {  	[dreg:$0x4] =	wrdreg $0xC0  }
0xab: {  	_ =	task [dreg:s6], $0x5FFFF  }
0xac: {  	[dreg:$0x1] =	wrdreg $0xFFFFFFFF  }
0xad: {  	[dreg:$0x0] =	wrdreg $0x60  }
0xae: {  	[dreg:$0x2] =	wrdreg s24  }
0xaf: {  	[dreg:$0x3] =	wrdreg $0x9  }
0xb0: {  	_ =	task.clear_ibuf [dreg:s6], $0x4FFFF;
	_ =	strace $0x90000049  }
0xb1: {  	s29 =	simm.s32 $0x9;
	_ =	strace $0x8000004B  }
0xb2: {  	_ =	swait.ge [sflag:s29], $0x1  }
0xb3: {  	[sflag:s29] =	ssyncadd.s32 $0xFFFFFFFF  }
0xb4: {  	_ =	strace $0x9000004B  }
0xb5: {  	_ =	sfence  }
0xb6: {  	s30 =	sld [smem:$0x0];
	_ =	sdelay $0x2  }
0xb7: {  	s31 =	sshll.u32 s1, $0xD;
	s1 =	sshrl.u32 s1, $0x2  }
0xb8: {  	s3 =	sand.u32 $0x4000, s31;
	s1 =	sadd.s32 s1, s30  }
0xb9: {  	s0 =	sor.u32 s3, s0;
	s1 =	sshll.u32 s1, $0x11  }
0xba: {  	s0 =	sor.u32 s1, s0  }
0xbb: {  	s0 =	sadd.s32 $0x8F2B, s0  }
0xbc: {  	[sflag:s0] =	ssyncadd.remote.s32 $0x1  }
0xbd: {  	_ =	sfence.sel $0xFFFF  }
0xbe: {  	[dreg:$0x0] =	wrdreg $0xFFFFFFFF;
	(pc) =	sbr.abs _section_cstart, $3  }
0xbf: {  	[dreg:$0x1] =	wrdreg $0xFFFFFFFF  }
0xc0: {  	_ =	task.clear_ibuf [dreg:s6], $0x2FFFF;
	_ =	strace $0x9FFFFFFF  }
0xc1: {  	(tm) =	ssettm $0x7FFFFFFF  }
tec
execute0_lowered:
.L_overlay_start_1:
0x0: {  	(tag) =	ssettag $0x1  }
0x1: {  	s3 =	rddreg [dreg:$0x0]  }
0x2: {  	s1 =	stileid.u32;
	s2 =	srdreg.scid  }
0x3: {  	s0 =	rddreg [dreg:$0x1];
	s9 =	simm.s32 $0x1;
	s10 =	simm.s32 $0x2800  }
0x4: {  	s11 =	simm.s32 $0x2880;
	s12 =	simm.s32 $0x2900;
	s13 =	simm.s32 $0x2980  }
0x5: {  	s14 =	simm.s32 $0x0;
	s4 =	smul.u32 $0xA20, s1;
	s5 =	sand.u32 $0x1, s2  }
0x6: {  	s2 =	simm.s32 $0x0;
	s6 =	ssub.s32 $0x2, s5;
	s5 =	smul.u32 $0x510, s5  }
0x7: {  	[smem:$0x7FF] =	sst s2;
	s4 =	sadd.s32 s4, s3;
	s7 =	sshrl.u32 s6, $0x1  }
0x8: {  	_ =	strace $0x8000004A;
	s6 =	ssub.s32 s6, s7;
	s8 =	sadd.s32 s5, s4  }
0x9: {  	s3 =	sadd.s32 $0x22800, s3;
	s4 =	smax.u32 s6, $0x1;
	s5 =	sadd.s32 $0x22E00, s8  }
0xa: {  	s6 =	sadd.s32 $0x4200, s8;
	s7 =	sadd.s32 $0xE400, s8;
	s8 =	sadd.s32 $0x18600, s8  }
.LBB2_1:
0xb: {  	[tilespmem:s2], [sflag:$0x1] =	stream.linear.gather [hbm4b:s3+s2], $0x2800, $0x38;
	[tilespmem:$0x2A00] =	vst v63  }
0xc: {  	_ =	swait.ge [sflag:s9], $0x2800  }
0xd: {  	[sflag:s9] =	ssyncset.done $0x0  }
0xe: {  	s15 =	sadd.s32 $0x0, s8;
	[sflag:s9] =	ssyncadd.s32 $0xFFFFD800  }
0xf: {  	[tilespmem:s10], [sflag:$0x1] =	stream.linear.gather [hbm4b:s15+s2], $0x80, $0x38;
	[tilespmem:$0x2A00] =	vst v63  }
0x10: {  	_ =	swait.ge [sflag:s9], $0x80  }
0x11: {  	[sflag:s9] =	ssyncset.done $0x0  }
0x12: {  	s29 =	sadd.s32 $0x0, s7;
	[sflag:s9] =	ssyncadd.s32 $0xFFFFFF80  }
0x13: {  	[tilespmem:s11], [sflag:$0x1] =	stream.linear.gather [hbm4b:s29+s2], $0x80, $0x38;
	[tilespmem:$0x2A00] =	vst v63  }
0x14: {  	_ =	swait.ge [sflag:s9], $0x80  }
0x15: {  	[sflag:s9] =	ssyncset.done $0x0  }
0x16: {  	s30 =	sadd.s32 $0x0, s6;
	[sflag:s9] =	ssyncadd.s32 $0xFFFFFF80  }
0x17: {  	[tilespmem:s12], [sflag:$0x1] =	stream.linear.gather [hbm4b:s30+s2], $0x80, $0x38;
	[tilespmem:$0x2A00] =	vst v63  }
0x18: {  	_ =	swait.ge [sflag:s9], $0x80  }
0x19: {  	[sflag:s9] =	ssyncset.done $0x0  }
0x1a: {  	[sflag:s9] =	ssyncadd.s32 $0xFFFFFF80  }
0x1b: {  	v0 =	vld [tilespmem:$0x2800];
	_ =	sdelay $0x1  }
0x1c: {  	v1 =	vld [tilespmem:$0x2880];
	_ =	sdelay $0x4  }
0x1d: {  	v2 =	vld [tilespmem:$0x2900]  }
0x1e: {  	v0 =	vld.idx.msk [tilespmem:v0+s2+$0x0], $0xffff  }
0x1f: {  	v3 =	vld [tilespmem:$0x2810]  }
0x20: {  	v1 =	vld.idx.msk [tilespmem:v1+s2+$0x0], $0xffff;
	_ =	sdelay $0x1  }
0x21: {  	v4 =	vld [tilespmem:$0x2890]  }
0x22: {  	v0 =	vmul.f32 v0, v2;
	_ =	sdelay $0x1  }
0x23: {  	v0 =	vmul.f32 v1, v0;
	_ =	sdelay $0x1  }
0x24: {  	v35 =	vld [tilespmem:$0x2910];
	[tilespmem:$0x2980] =	vst v0  }
0x25: {  	v0 =	vld.idx.msk [tilespmem:v3+s2+$0x0], $0xffff  }
0x26: {  	v37 =	vld [tilespmem:$0x2820]  }
0x27: {  	v36 =	vld.idx.msk [tilespmem:v4+s2+$0x0], $0xffff;
	_ =	sdelay $0x1  }
0x28: {  	v38 =	vld [tilespmem:$0x28A0]  }
0x29: {  	v0 =	vmul.f32 v0, v35;
	_ =	sdelay $0x1  }
0x2a: {  	v0 =	vmul.f32 v36, v0;
	_ =	sdelay $0x1  }
0x2b: {  	v39 =	vld [tilespmem:$0x2920];
	[tilespmem:$0x2990] =	vst v0  }
0x2c: {  	v0 =	vld.idx.msk [tilespmem:v37+s2+$0x0], $0xffff  }
0x2d: {  	v41 =	vld [tilespmem:$0x2830]  }
0x2e: {  	v40 =	vld.idx.msk [tilespmem:v38+s2+$0x0], $0xffff;
	_ =	sdelay $0x1  }
0x2f: {  	v42 =	vld [tilespmem:$0x28B0]  }
0x30: {  	v0 =	vmul.f32 v0, v39;
	_ =	sdelay $0x1  }
0x31: {  	v0 =	vmul.f32 v40, v0;
	_ =	sdelay $0x1  }
0x32: {  	v43 =	vld [tilespmem:$0x2930];
	[tilespmem:$0x29A0] =	vst v0  }
0x33: {  	v0 =	vld.idx.msk [tilespmem:v41+s2+$0x0], $0xffff  }
0x34: {  	v45 =	vld [tilespmem:$0x2840]  }
0x35: {  	v44 =	vld.idx.msk [tilespmem:v42+s2+$0x0], $0xffff;
	_ =	sdelay $0x1  }
0x36: {  	v46 =	vld [tilespmem:$0x28C0]  }
0x37: {  	v0 =	vmul.f32 v0, v43;
	_ =	sdelay $0x1  }
0x38: {  	v0 =	vmul.f32 v44, v0;
	_ =	sdelay $0x1  }
0x39: {  	v47 =	vld [tilespmem:$0x2940];
	[tilespmem:$0x29B0] =	vst v0  }
0x3a: {  	v0 =	vld.idx.msk [tilespmem:v45+s2+$0x0], $0xffff  }
0x3b: {  	v49 =	vld [tilespmem:$0x2850]  }
0x3c: {  	v48 =	vld.idx.msk [tilespmem:v46+s2+$0x0], $0xffff;
	_ =	sdelay $0x1  }
0x3d: {  	v50 =	vld [tilespmem:$0x28D0]  }
0x3e: {  	v0 =	vmul.f32 v0, v47;
	_ =	sdelay $0x1  }
0x3f: {  	v0 =	vmul.f32 v48, v0;
	_ =	sdelay $0x1  }
0x40: {  	v51 =	vld [tilespmem:$0x2950];
	[tilespmem:$0x29C0] =	vst v0  }
0x41: {  	v52 =	vld.idx.msk [tilespmem:v49+s2+$0x0], $0xffff  }
0x42: {  	v54 =	vld [tilespmem:$0x2860]  }
0x43: {  	v53 =	vld.idx.msk [tilespmem:v50+s2+$0x0], $0xffff;
	_ =	sdelay $0x1  }
0x44: {  	v55 =	vld [tilespmem:$0x28E0]  }
0x45: {  	v0 =	vmul.f32 v52, v51;
	_ =	sdelay $0x1  }
0x46: {  	v0 =	vmul.f32 v53, v0;
	_ =	sdelay $0x1  }
0x47: {  	v56 =	vld [tilespmem:$0x2960];
	[tilespmem:$0x29D0] =	vst v0  }
0x48: {  	v57 =	vld.idx.msk [tilespmem:v54+s2+$0x0], $0xffff  }
0x49: {  	v59 =	vld [tilespmem:$0x2870]  }
0x4a: {  	v58 =	vld.idx.msk [tilespmem:v55+s2+$0x0], $0xffff;
	_ =	sdelay $0x1  }
0x4b: {  	v60 =	vld [tilespmem:$0x28F0]  }
0x4c: {  	v0 =	vmul.f32 v57, v56;
	_ =	sdelay $0x1  }
0x4d: {  	v0 =	vmul.f32 v58, v0;
	_ =	sdelay $0x1  }
0x4e: {  	v61 =	vld [tilespmem:$0x2970];
	[tilespmem:$0x29E0] =	vst v0  }
0x4f: {  	v62 =	vld.idx.msk [tilespmem:v59+s2+$0x0], $0xffff;
	_ =	sdelay $0x1  }
0x50: {  	v63 =	vld.idx.msk [tilespmem:v60+s2+$0x0], $0xffff;
	_ =	sdelay $0x2  }
0x51: {  	v0 =	vmul.f32 v62, v61;
	_ =	sdelay $0x1  }
0x52: {  	v0 =	vmul.f32 v63, v0;
	_ =	sdelay $0x1  }
0x53: {  	s31 =	sadd.s32 $0x0, s5;
	[tilespmem:$0x29F0] =	vst v0  }
0x54: {  	[hbm4b:s31+s2] =	stream.linear.scatter [tilespmem:s13], [sflag:$0x1], $0x80, $0x38;
	[tilespmem:$0x2A00] =	vst v63  }
0x55: {  	_ =	swait.ge [sflag:s9], $0x80  }
0x56: {  	s18 =	simm.s32 $0x20;
	s15 =	simm.s32 $0x10;
	[sflag:s9] =	ssyncset.done $0x0  }
.LBB2_2:
0x57: {  	s19 =	sadd.s32 s15, s8  }
0x58: {  	[sflag:s9] =	ssyncadd.s32 $0xFFFFFF80;
	s17 =	smov.u32 s18;
	s16 =	sadd.s32 $0x10, s18  }
0x59: {  	[tilespmem:s10], [sflag:$0x1] =	stream.linear.gather [hbm4b:s19+s2], $0x80, $0x38;
	[tilespmem:$0x2A00] =	vst v63  }
0x5a: {  	p0 =	sne.s32 s18, $0x500;
	_ =	swait.ge [sflag:s9], $0x80  }
0x5b: {  	[sflag:s9] =	ssyncset.done $0x0  }
0x5c: {  	s18 =	sadd.s32 s15, s7;
	[sflag:s9] =	ssyncadd.s32 $0xFFFFFF80  }
0x5d: {  	[tilespmem:s11], [sflag:$0x1] =	stream.linear.gather [hbm4b:s18+s2], $0x80, $0x38;
	[tilespmem:$0x2A00] =	vst v63  }
0x5e: {  	_ =	swait.ge [sflag:s9], $0x80  }
0x5f: {  	[sflag:s9] =	ssyncset.done $0x0  }
0x60: {  	s18 =	sadd.s32 s15, s6;
	[sflag:s9] =	ssyncadd.s32 $0xFFFFFF80  }
0x61: {  	[tilespmem:s12], [sflag:$0x1] =	stream.linear.gather [hbm4b:s18+s2], $0x80, $0x38;
	[tilespmem:$0x2A00] =	vst v63  }
0x62: {  	_ =	swait.ge [sflag:s9], $0x80  }
0x63: {  	[sflag:s9] =	ssyncset.done $0x0  }
0x64: {  	[sflag:s9] =	ssyncadd.s32 $0xFFFFFF80  }
0x65: {  	v0 =	vld [tilespmem:$0x2800]  }
0x66: {  	v1 =	vld [tilespmem:$0x2880];
	_ =	sdelay $0x6  }
0x67: {  	v0 =	vld.idx.msk [tilespmem:v0+s2+$0x0], $0xffff  }
0x68: {  	v2 =	vld [tilespmem:$0x2900]  }
0x69: {  	v1 =	vld.idx.msk [tilespmem:v1+s2+$0x0], $0xffff  }
0x6a: {  	v3 =	vld [tilespmem:$0x2810];
	_ =	sdelay $0x1  }
0x6b: {  	v4 =	vld [tilespmem:$0x2890]  }
0x6c: {  	v0 =	vmul.f32 v0, v2;
	_ =	sdelay $0x1  }
0x6d: {  	v0 =	vmul.f32 v1, v0;
	_ =	sdelay $0x1  }
0x6e: {  	[tilespmem:$0x2980] =	vst v0  }
0x6f: {  	v0 =	vld.idx.msk [tilespmem:v3+s2+$0x0], $0xffff  }
0x70: {  	v1 =	vld [tilespmem:$0x2910]  }
0x71: {  	v2 =	vld.idx.msk [tilespmem:v4+s2+$0x0], $0xffff  }
0x72: {  	v3 =	vld [tilespmem:$0x2820];
	_ =	sdelay $0x1  }
0x73: {  	v4 =	vld [tilespmem:$0x28A0]  }
0x74: {  	v0 =	vmul.f32 v0, v1;
	_ =	sdelay $0x1  }
0x75: {  	v0 =	vmul.f32 v2, v0;
	_ =	sdelay $0x1  }
0x76: {  	[tilespmem:$0x2990] =	vst v0  }
0x77: {  	v0 =	vld.idx.msk [tilespmem:v3+s2+$0x0], $0xffff  }
0x78: {  	v1 =	vld [tilespmem:$0x2920]  }
0x79: {  	v2 =	vld.idx.msk [tilespmem:v4+s2+$0x0], $0xffff  }
0x7a: {  	v3 =	vld [tilespmem:$0x2830];
	_ =	sdelay $0x1  }
0x7b: {  	v4 =	vld [tilespmem:$0x28B0]  }
0x7c: {  	v0 =	vmul.f32 v0, v1;
	_ =	sdelay $0x1  }
0x7d: {  	v0 =	vmul.f32 v2, v0;
	_ =	sdelay $0x1  }
0x7e: {  	[tilespmem:$0x29A0] =	vst v0  }
0x7f: {  	v0 =	vld.idx.msk [tilespmem:v3+s2+$0x0], $0xffff  }
0x80: {  	v1 =	vld [tilespmem:$0x2930]  }
0x81: {  	v2 =	vld.idx.msk [tilespmem:v4+s2+$0x0], $0xffff  }
0x82: {  	v3 =	vld [tilespmem:$0x2840];
	_ =	sdelay $0x1  }
0x83: {  	v4 =	vld [tilespmem:$0x28C0]  }
0x84: {  	v0 =	vmul.f32 v0, v1;
	_ =	sdelay $0x1  }
0x85: {  	v0 =	vmul.f32 v2, v0;
	_ =	sdelay $0x1  }
0x86: {  	[tilespmem:$0x29B0] =	vst v0  }
0x87: {  	v0 =	vld.idx.msk [tilespmem:v3+s2+$0x0], $0xffff  }
0x88: {  	v1 =	vld [tilespmem:$0x2940]  }
0x89: {  	v2 =	vld.idx.msk [tilespmem:v4+s2+$0x0], $0xffff  }
0x8a: {  	v3 =	vld [tilespmem:$0x2850]  }
0x8b: {  	v4 =	vld [tilespmem:$0x28D0];
	_ =	sdelay $0x1  }
0x8c: {  	v0 =	vmul.f32 v0, v1;
	_ =	sdelay $0x1  }
0x8d: {  	v0 =	vmul.f32 v2, v0;
	_ =	sdelay $0x1  }
0x8e: {  	[tilespmem:$0x29C0] =	vst v0;
	v0 =	vld [tilespmem:$0x2950]  }
0x8f: {  	v1 =	vld.idx.msk [tilespmem:v3+s2+$0x0], $0xffff  }
0x90: {  	v2 =	vld.idx.msk [tilespmem:v4+s2+$0x0], $0xffff;
	_ =	sdelay $0x1  }
0x91: {  	v3 =	vld [tilespmem:$0x2860]  }
0x92: {  	v4 =	vld [tilespmem:$0x28E0];
	_ =	sdelay $0x1  }
0x93: {  	v0 =	vmul.f32 v1, v0;
	_ =	sdelay $0x1  }
0x94: {  	v0 =	vmul.f32 v2, v0;
	_ =	sdelay $0x1  }
0x95: {  	[tilespmem:$0x29D0] =	vst v0;
	v0 =	vld [tilespmem:$0x2960]  }
0x96: {  	v1 =	vld.idx.msk [tilespmem:v3+s2+$0x0], $0xffff  }
0x97: {  	v2 =	vld.idx.msk [tilespmem:v4+s2+$0x0], $0xffff;
	_ =	sdelay $0x1  }
0x98: {  	v3 =	vld [tilespmem:$0x2870]  }
0x99: {  	v4 =	vld [tilespmem:$0x28F0];
	_ =	sdelay $0x1  }
0x9a: {  	v0 =	vmul.f32 v1, v0;
	_ =	sdelay $0x1  }
0x9b: {  	v0 =	vmul.f32 v2, v0;
	_ =	sdelay $0x1  }
0x9c: {  	[tilespmem:$0x29E0] =	vst v0;
	v0 =	vld [tilespmem:$0x2970]  }
0x9d: {  	v1 =	vld.idx.msk [tilespmem:v3+s2+$0x0], $0xffff  }
0x9e: {  	v2 =	vld.idx.msk [tilespmem:v4+s2+$0x0], $0xffff;
	_ =	sdelay $0x4  }
0x9f: {  	v0 =	vmul.f32 v1, v0;
	_ =	sdelay $0x1  }
0xa0: {  	v0 =	vmul.f32 v2, v0  }
.Ltmp0:
0xa1: {  	(pc) =	sbr.rel @p0 .LBB2_2-.Ltmp0, $4  }
0xa2: {  	s18 =	sadd.s32 s15, s5;
	s15 =	smov.u32 s17;
	[tilespmem:$0x29F0] =	vst v0  }
0xa3: {  	[hbm4b:s18+s2] =	stream.linear.scatter [tilespmem:s13], [sflag:$0x1], $0x80, $0x38;
	[tilespmem:$0x2A00] =	vst v63  }
0xa4: {  	_ =	swait.ge [sflag:s9], $0x80  }
0xa5: {  	s18 =	smov.u32 s16;
	[sflag:s9] =	ssyncset.done $0x0  }
0xa6: {  	s16 =	sadd.s32 s15, s8;
	[sflag:s9] =	ssyncadd.s32 $0xFFFFFF80  }
0xa7: {  	[tilespmem:s10], [sflag:$0x1] =	stream.linear.gather [hbm4b:s16+s2], $0x80, $0x38;
	[tilespmem:$0x2A00] =	vst v63  }
0xa8: {  	_ =	swait.ge [sflag:s9], $0x80  }
0xa9: {  	[sflag:s9] =	ssyncset.done $0x0  }
0xaa: {  	s29 =	sadd.s32 s15, s7;
	[sflag:s9] =	ssyncadd.s32 $0xFFFFFF80  }
0xab: {  	[tilespmem:s11], [sflag:$0x1] =	stream.linear.gather [hbm4b:s29+s2], $0x80, $0x38;
	[tilespmem:$0x2A00] =	vst v63  }
0xac: {  	_ =	swait.ge [sflag:s9], $0x80  }
0xad: {  	[sflag:s9] =	ssyncset.done $0x0  }
0xae: {  	s30 =	sadd.s32 s15, s6;
	[sflag:s9] =	ssyncadd.s32 $0xFFFFFF80  }
0xaf: {  	[tilespmem:s12], [sflag:$0x1] =	stream.linear.gather [hbm4b:s30+s2], $0x80, $0x38;
	[tilespmem:$0x2A00] =	vst v63  }
0xb0: {  	_ =	swait.ge [sflag:s9], $0x80  }
0xb1: {  	[sflag:s9] =	ssyncset.done $0x0  }
0xb2: {  	[sflag:s9] =	ssyncadd.s32 $0xFFFFFF80  }
0xb3: {  	v0 =	vld [tilespmem:$0x2800];
	_ =	sdelay $0x1  }
0xb4: {  	v1 =	vld [tilespmem:$0x2880];
	_ =	sdelay $0x4  }
0xb5: {  	v2 =	vld [tilespmem:$0x2900]  }
0xb6: {  	v0 =	vld.idx.msk [tilespmem:v0+s2+$0x0], $0xffff  }
0xb7: {  	v3 =	vld [tilespmem:$0x2810]  }
0xb8: {  	v1 =	vld.idx.msk [tilespmem:v1+s2+$0x0], $0xffff;
	_ =	sdelay $0x1  }
0xb9: {  	v4 =	vld [tilespmem:$0x2890]  }
0xba: {  	v0 =	vmul.f32 v0, v2;
	_ =	sdelay $0x1  }
0xbb: {  	v0 =	vmul.f32 v1, v0;
	_ =	sdelay $0x1  }
0xbc: {  	v35 =	vld [tilespmem:$0x2910];
	[tilespmem:$0x2980] =	vst v0  }
0xbd: {  	v0 =	vld.idx.msk [tilespmem:v3+s2+$0x0], $0xffff  }
0xbe: {  	v37 =	vld [tilespmem:$0x2820]  }
0xbf: {  	v36 =	vld.idx.msk [tilespmem:v4+s2+$0x0], $0xffff;
	_ =	sdelay $0x1  }
0xc0: {  	v38 =	vld [tilespmem:$0x28A0]  }
0xc1: {  	v0 =	vmul.f32 v0, v35;
	_ =	sdelay $0x1  }
0xc2: {  	v0 =	vmul.f32 v36, v0;
	_ =	sdelay $0x1  }
0xc3: {  	v39 =	vld [tilespmem:$0x2920];
	[tilespmem:$0x2990] =	vst v0  }
0xc4: {  	v0 =	vld.idx.msk [tilespmem:v37+s2+$0x0], $0xffff  }
0xc5: {  	v41 =	vld [tilespmem:$0x2830]  }
0xc6: {  	v40 =	vld.idx.msk [tilespmem:v38+s2+$0x0], $0xffff;
	_ =	sdelay $0x1  }
0xc7: {  	v42 =	vld [tilespmem:$0x28B0]  }
0xc8: {  	v0 =	vmul.f32 v0, v39;
	_ =	sdelay $0x1  }
0xc9: {  	v0 =	vmul.f32 v40, v0;
	_ =	sdelay $0x1  }
0xca: {  	v43 =	vld [tilespmem:$0x2930];
	[tilespmem:$0x29A0] =	vst v0  }
0xcb: {  	v0 =	vld.idx.msk [tilespmem:v41+s2+$0x0], $0xffff  }
0xcc: {  	v45 =	vld [tilespmem:$0x2840]  }
0xcd: {  	v44 =	vld.idx.msk [tilespmem:v42+s2+$0x0], $0xffff;
	_ =	sdelay $0x1  }
0xce: {  	v46 =	vld [tilespmem:$0x28C0]  }
0xcf: {  	v0 =	vmul.f32 v0, v43;
	_ =	sdelay $0x1  }
0xd0: {  	v0 =	vmul.f32 v44, v0;
	_ =	sdelay $0x1  }
0xd1: {  	v47 =	vld [tilespmem:$0x2940];
	[tilespmem:$0x29B0] =	vst v0  }
0xd2: {  	v0 =	vld.idx.msk [tilespmem:v45+s2+$0x0], $0xffff  }
0xd3: {  	v49 =	vld [tilespmem:$0x2850]  }
0xd4: {  	v48 =	vld.idx.msk [tilespmem:v46+s2+$0x0], $0xffff;
	_ =	sdelay $0x1  }
0xd5: {  	v50 =	vld [tilespmem:$0x28D0]  }
0xd6: {  	v0 =	vmul.f32 v0, v47;
	_ =	sdelay $0x1  }
0xd7: {  	v0 =	vmul.f32 v48, v0;
	_ =	sdelay $0x1  }
0xd8: {  	v51 =	vld [tilespmem:$0x2950];
	[tilespmem:$0x29C0] =	vst v0  }
0xd9: {  	v52 =	vld.idx.msk [tilespmem:v49+s2+$0x0], $0xffff  }
0xda: {  	v54 =	vld [tilespmem:$0x2860]  }
0xdb: {  	v53 =	vld.idx.msk [tilespmem:v50+s2+$0x0], $0xffff;
	_ =	sdelay $0x1  }
0xdc: {  	v55 =	vld [tilespmem:$0x28E0]  }
0xdd: {  	v0 =	vmul.f32 v52, v51;
	_ =	sdelay $0x1  }
0xde: {  	v0 =	vmul.f32 v53, v0;
	_ =	sdelay $0x1  }
0xdf: {  	v56 =	vld [tilespmem:$0x2960];
	[tilespmem:$0x29D0] =	vst v0  }
0xe0: {  	v57 =	vld.idx.msk [tilespmem:v54+s2+$0x0], $0xffff  }
0xe1: {  	v59 =	vld [tilespmem:$0x2870]  }
0xe2: {  	v58 =	vld.idx.msk [tilespmem:v55+s2+$0x0], $0xffff;
	_ =	sdelay $0x1  }
0xe3: {  	v60 =	vld [tilespmem:$0x28F0]  }
0xe4: {  	v0 =	vmul.f32 v57, v56;
	_ =	sdelay $0x1  }
0xe5: {  	v0 =	vmul.f32 v58, v0;
	_ =	sdelay $0x1  }
0xe6: {  	v61 =	vld [tilespmem:$0x2970];
	[tilespmem:$0x29E0] =	vst v0  }
0xe7: {  	v62 =	vld.idx.msk [tilespmem:v59+s2+$0x0], $0xffff;
	_ =	sdelay $0x1  }
0xe8: {  	v63 =	vld.idx.msk [tilespmem:v60+s2+$0x0], $0xffff;
	_ =	sdelay $0x2  }
0xe9: {  	v0 =	vmul.f32 v62, v61;
	_ =	sdelay $0x1  }
0xea: {  	s14 =	sadd.s32 $0x1, s14;
	v0 =	vmul.f32 v63, v0  }
0xeb: {  	p0 =	sne.s32 s14, s4  }
.Ltmp1:
0xec: {  	s31 =	sadd.s32 s15, s5;
	[tilespmem:$0x29F0] =	vst v0;
	(pc) =	sbr.rel @p0 .LBB2_1-.Ltmp1, $4  }
0xed: {  	[hbm4b:s31+s2] =	stream.linear.scatter [tilespmem:s13], [sflag:$0x1], $0x80, $0x38;
	[tilespmem:$0x2A00] =	vst v63  }
0xee: {  	_ =	swait.ge [sflag:s9], $0x80  }
0xef: {  	[sflag:s9] =	ssyncset.done $0x0  }
0xf0: {  	[sflag:s9] =	ssyncadd.s32 $0xFFFFFF80  }
0xf1: {  	_ =	sfence.sel $0x180000  }
0xf2: {  	[bflag:$0x0] =	sbarrier.arrive $0xFFFF  }
0xf3: {  	p0 =	sne.s32 s1, $0x0;
	_ =	strace $0x9000004A  }
0xf4: {  	s0 =	sadd.s32 @!p0 $0x100000, s0;
	[bflag:$0x2] =	sbarrier.arrive $0xFFFF  }
0xf5: {  	[sflag:s0] =	ssyncadd.tile.s32 @!p0 $0x1;
	_ =	shalt  }
.Lfunc_end2:
_tile_overlayer_lowered:
.L_overlay_start_2:
0xf6: {  	(tag) =	ssettag $0x2  }
0xf7: {  	s0 =	rddreg [dreg:$0x0];
	s2 =	stileid.u32  }
0xf8: {  	s1 =	rddreg [dreg:$0x1];
	p0 =	sne.s32 s2, $0x0  }
0xf9: {  	s3 =	rddreg [dreg:$0x2];
	[bflag:$0x3] =	sbarrier.arrive $0xFFFF;
	s2 =	simm.s32 @!p0 $0x1C01  }
0xfa: {  	[timem:s3], [sflag:s2] =	dma.local @!p0 [hbm:s0], s1  }
0xfb: {  	s0 =	simm.s32 @!p0 $0x1  }
0xfc: {  	_ =	swait.ge @!p0 [sflag:s0], s1  }
0xfd: {  	s1 =	ssub.s32 @!p0 $0x0, s1;
	[sflag:s0] =	ssyncset.done @!p0 $0x0  }
0xfe: {  	[sflag:s0] =	ssyncadd.s32 @!p0 s1  }
0xff: {  	[bflag:$0x3] =	sbarrier.arrive $0xFFFF  }
0x100: {  	_ =	shalt  }

// kernel: kernel.20.cloned.1.call-start
scs
__scs_entry_jumppad:
0x0: {  	(pc) =	sbr.rel $0x88, $3  }
0x1: {  	(tag) =	ssettag $0x0;
	lr =	simm.s32 $0x1  }
0x2: {  	[smem:$0x3F8F] =	sst lr;
	_ =	strace $0xD0000000  }
0x3: {  	_ = 	snop  }
0x4: {  	_ = 	snop  }
0x5: {  	_ = 	snop  }
0x6: {  	_ = 	snop  }
0x7: {  	_ = 	snop  }
__scs_overlays_trampoline_lowered:
0x8: {  	[smem:$0x3F9E] =	sst s0  }
0x9: {  	[smem:$0x3F9F] =	sst s1  }
0xa: {  	[smem:$0x3FA0] =	sst s2  }
0xb: {  	[smem:$0x3FA1] =	sst s3  }
0xc: {  	[smem:$0x3FA2] =	sst s4  }
0xd: {  	[smem:$0x3FA3] =	sst s5  }
0xe: {  	[smem:$0x3FA4] =	sst s6  }
0xf: {  	[smem:$0x3FA5] =	sst s7  }
0x10: {  	[smem:$0x3FA6] =	sst s8  }
0x11: {  	[smem:$0x3FA7] =	sst s9;
	s0 =	simm.s32 @!p0 $0x0  }
0x12: {  	s1 =	sld [smem:$0x3F8D];
	s0 =	simm.s32 @p0 $0x1  }
0x13: {  	[smem:$0x3FA8] =	sst s0;
	s0 =	simm.s32 @!p1 $0x0  }
0x14: {  	s2 =	sld [smem:$0x3F8C];
	s0 =	simm.s32 @p1 $0x1  }
0x15: {  	[smem:$0x3FA9] =	sst s0;
	s0 =	simm.s32 @!p2 $0x0  }
0x16: {  	s3 =	sld [smem:$0x3FDB];
	s0 =	simm.s32 @p2 $0x1  }
0x17: {  	s4 =	simm.s32 $0x1BF5;
	[smem:$0x3FAB] =	sst s0  }
0x18: {  	s0 =	sld [smem:$0x3F8E];
	_ =	swait.ge [sflag:s4], $0x0  }
0x19: {  	s7 =	sld [smem:$0x3F8F]  }
0x1a: {  	s8 =	sadd.s32 $0xFFFFE003, lr  }
0x1b: {  	s9 =	sadd.s32 $0xFFFFFEF7, lr;
	s5 =	simm.s32 $0xFFFFFFFF;
	p2 =	slt.u32 s8, $0xFFFFF086  }
0x1c: {  	p1 =	slt.u32 s9, $0xF7A;
	s5 =	simm.s32 @!p2 $0x0  }
0x1d: {  	s5 =	simm.s32 @p1 $0x1;
	p0 =	seq.s32 s7, s2  }
0x1e: {  	s7 =	smul.u32 @!p0 $0xF7A, s2;
	p2 =	seq.s32 @!p0 s5, $0x0  }
0x1f: {  	s9 =	smul.u32 $0xF7A, s1;
	s8 =	simm.s32 @!p0 $0x1BF5;
	p2 =	por !p2, p0  }
0x20: {  	[sflag:s8] =	ssyncset.s32 @!p0 $0xFFFFF086;
	s6 =	sadd.s32 @!p0 s3, s7;
	s7 =	simm.s32 @!p0 $0x108  }
0x21: {  	s3 =	sadd.s32 s3, s9;
	s6 =	sadd.s32 @!p0 $0x88, s6;
	s7 =	simm.s32 @p2 $0x1082  }
0x22: {  	[simem:s7], [sflag:s8] =	dma.local @!p0 [hbm:s6], $0xF7A  }
0x23: {  	s9 =	sor.u32 $0xD0000000, s2;
	s6 =	simm.s32 $0x108;
	_ =	swait.ge @!p0 [sflag:s8], $0x0  }
0x24: {  	s3 =	sadd.s32 $0x88, s3;
	s6 =	simm.s32 @!p1 $0x1082;
	[sflag:s4] =	ssyncset.s32 $0xFFFFF086  }
0x25: {  	[simem:s6], [sflag:s4] =	dma.local [hbm:s3], $0xF7A  }
0x26: {  	[smem:$0x3F8F] =	sst s1;
	(tag) =	ssettag s2;
	_ =	strace s9  }
0x27: {  	s1 =	sld [smem:$0x3F9F]  }
0x28: {  	s2 =	sld [smem:$0x3FA0]  }
0x29: {  	s4 =	sld [smem:$0x3FA2]  }
0x2a: {  	p0 =	seq.s32 s5, $0x0;
	s5 =	sld [smem:$0x3FA3]  }
0x2b: {  	s6 =	sld [smem:$0x3FA4]  }
0x2c: {  	s7 =	sld [smem:$0x3FA5]  }
0x2d: {  	s3 =	simm.s32 $0x108;
	s8 =	sld [smem:$0x3FA6]  }
0x2e: {  	s3 =	simm.s32 @!p0 $0x1082;
	s9 =	sld [smem:$0x3FA7]  }
0x2f: {  	lr =	sadd.s32 s0, s3;
	s0 =	sld [smem:$0x3F9E]  }
0x30: {  	s3 =	sld [smem:$0x3FA1]  }
0x31: {  	[smem:$0x3FAA] =	sst s10  }
0x32: {  	s10 =	sld [smem:$0x3FA8];
	_ =	sdelay $0x3  }
0x33: {  	p0 =	seq.s32 s10, $0x1;
	s10 =	sld [smem:$0x3FAA];
	_ =	sdelay $0x3  }
0x34: {  	[smem:$0x3FAA] =	sst s10  }
0x35: {  	s10 =	sld [smem:$0x3FA9];
	_ =	sdelay $0x3  }
0x36: {  	p1 =	seq.s32 s10, $0x1;
	s10 =	sld [smem:$0x3FAA];
	_ =	sdelay $0x3  }
0x37: {  	[smem:$0x3FAA] =	sst s10  }
0x38: {  	s10 =	sld [smem:$0x3FAB]  }
0x39: {  	_ = 	snop;
	(pc) =	sbr.ind lr, $3  }
0x3a: {  	_ = 	snop  }
0x3b: {  	_ = 	snop  }
0x3c: {  	p2 =	seq.s32 s10, $0x1;
	s10 =	sld [smem:$0x3FAA]  }
0x3d: {  	_ =	shalt  }
0x3e: {  	_ =	shalt  }
0x3f: {  	_ =	shalt  }
0x40: {  	_ =	shalt  }
0x41: {  	_ =	shalt  }
0x42: {  	_ =	shalt  }
0x43: {  	_ =	shalt  }
0x44: {  	_ =	shalt  }
0x45: {  	_ =	shalt  }
0x46: {  	_ =	shalt  }
0x47: {  	_ =	shalt  }
0x48: {  	_ =	shalt  }
0x49: {  	_ =	shalt  }
0x4a: {  	_ =	shalt  }
0x4b: {  	_ =	shalt  }
0x4c: {  	_ =	shalt  }
0x4d: {  	_ =	shalt  }
0x4e: {  	_ =	shalt  }
0x4f: {  	_ =	shalt  }
0x50: {  	_ =	shalt  }
0x51: {  	_ =	shalt  }
0x52: {  	_ =	shalt  }
0x53: {  	_ =	shalt  }
0x54: {  	_ =	shalt  }
0x55: {  	_ =	shalt  }
0x56: {  	_ =	shalt  }
0x57: {  	_ =	shalt  }
0x58: {  	_ =	shalt  }
0x59: {  	_ =	shalt  }
0x5a: {  	_ =	shalt  }
0x5b: {  	_ =	shalt  }
0x5c: {  	_ =	shalt  }
0x5d: {  	_ =	shalt  }
0x5e: {  	_ =	shalt  }
0x5f: {  	_ =	shalt  }
0x60: {  	_ =	shalt  }
0x61: {  	_ =	shalt  }
0x62: {  	_ =	shalt  }
0x63: {  	_ =	shalt  }
0x64: {  	_ =	shalt  }
0x65: {  	_ =	shalt  }
0x66: {  	_ =	shalt  }
0x67: {  	_ =	shalt  }
0x68: {  	_ =	shalt  }
0x69: {  	_ =	shalt  }
0x6a: {  	_ =	shalt  }
0x6b: {  	_ =	shalt  }
0x6c: {  	_ =	shalt  }
0x6d: {  	_ =	shalt  }
0x6e: {  	_ =	shalt  }
0x6f: {  	_ =	shalt  }
0x70: {  	_ =	shalt  }
0x71: {  	_ =	shalt  }
0x72: {  	_ =	shalt  }
0x73: {  	_ =	shalt  }
0x74: {  	_ =	shalt  }
0x75: {  	_ =	shalt  }
0x76: {  	_ =	shalt  }
0x77: {  	_ =	shalt  }
0x78: {  	_ =	shalt  }
0x79: {  	_ =	shalt  }
0x7a: {  	_ =	shalt  }
0x7b: {  	_ =	shalt  }
0x7c: {  	_ =	shalt  }
0x7d: {  	_ =	shalt  }
0x7e: {  	_ =	shalt  }
0x7f: {  	_ =	shalt  }
0x80: {  	_ =	shalt  }
0x81: {  	_ =	shalt  }
0x82: {  	_ =	shalt  }
0x83: {  	_ =	shalt  }
0x84: {  	_ =	shalt  }
0x85: {  	_ =	shalt  }
0x86: {  	_ =	shalt  }
0x87: {  	_ =	shalt  }
.Lfunc_end0:
.L_simem_size_0:
called_computation.2_lowered:
.L_overlay_start_0:
0x88: {  	s2 =	sld [smem:$0x3FD9]  }
0x89: {  	s3 =	sld [smem:$0x3FFE];
	_ =	sdelay $0x1  }
0x8a: {  	s1 =	srdreg.scid  }
0x8b: {  	s0 =	sand.u32 $0x1, s1  }
0x8c: {  	s16 =	sshll.u32 s0, $0xA;
	s2 =	sadd.s32 s3, s2  }
0x8d: {  	s2 =	sadd.s32 s2, s16  }
0x8e: {  	[smem:$0x3FB6] =	sst s2  }
0x8f: {  	_ = 	snop  }
0x90: {  	(tm) =	ssettm $0x1  }
0x91: {  	s17 =	sld [smem:$0x3FFB];
	_ =	sdelay $0x3  }
0x92: {  	_ =	strace s17  }
0x93: {  	s2 =	sld [smem:$0x3FFC];
	_ =	sdelay $0x3  }
0x94: {  	_ =	strace s2  }
0x95: {  	s2 =	sld [smem:$0x3FFD];
	_ =	sdelay $0x3  }
0x96: {  	_ =	strace s2  }
0x97: {  	_ =	strace $0x8FFFFFFF  }
0x98: {  	s18 =	sld [smem:$0x3FDB];
	_ =	sdelay $0x1  }
0x99: {  	s19 =	simm.s32 $_scs_section_size  }
0x9a: {  	s4 =	simm.s32 $_size__tile_overlayer_lowered;
	s5 =	simm.s32 $_tile_overlayer_lowered  }
0x9b: {  	s22 =	simm.s32 $0x1BFF;
	s21 =	sshll.u32 s5, $0x1;
	s2 =	sadd.s32 s19, s18  }
0x9c: {  	s6 =	simm.s32 $0x0;
	s20 =	sshll.u32 s4, $0x1;
	s4 =	sadd.s32 s21, s2  }
0x9d: {  	[timem:s6], [sflag:s22] =	dma.local [hbm:s4], s20  }
0x9e: {  	_ =	swait.ge [sflag:s22], s20  }
0x9f: {  	s3 =	ssub.s32 $0x0, s20;
	[sflag:s22] =	ssyncset.done $0x0  }
0xa0: {  	[sflag:s22] =	ssyncadd.s32 s3;
	_ =	sdelay $0x1  }
0xa1: {  	s23 =	simm.s32 $0x1B8B  }
0xa2: {  	_ =	swait.ge [sflag:s23], $0x1  }
0xa3: {  	[sflag:s23] =	ssyncset.done $0x0  }
0xa4: {  	s25 =	simm.s32 $0x1B8E;
	s24 =	sld [smem:$0x3FFE];
	[sflag:s23] =	ssyncadd.s32 $0xFFFFFFFF  }
0xa5: {  	s26 =	simm.s32 $execute0_lowered;
	[smem:$0x3FD2] =	sst s25  }
0xa6: {  	s4 =	sshll.u32 s26, $0x1;
	_ =	strace $0x8000004C;
	[dreg:$0x1] =	wrdreg $0xFFFFFFFF  }
0xa7: {  	s28 =	simm.s32 $_size_execute0_lowered;
	s2 =	sadd.s32 s2, s4;
	[dreg:$0x0] =	wrdreg $0x0  }
0xa8: {  	s4 =	sshll.u32 s28, $0x1;
	[dreg:$0x2] =	wrdreg s2  }
0xa9: {  	[dreg:$0x3] =	wrdreg s4  }
0xaa: {  	[dreg:$0x4] =	wrdreg $0xC0  }
0xab: {  	_ =	task [dreg:s6], $0x5FFFF  }
0xac: {  	[dreg:$0x1] =	wrdreg $0xFFFFFFFF  }
0xad: {  	[dreg:$0x0] =	wrdreg $0x60  }
0xae: {  	[dreg:$0x2] =	wrdreg s24  }
0xaf: {  	[dreg:$0x3] =	wrdreg $0x0  }
0xb0: {  	[dreg:$0x4] =	wrdreg $0x9  }
0xb1: {  	_ =	task.clear_ibuf [dreg:s6], $0x5FFFF;
	_ =	strace $0x9000004C  }
0xb2: {  	s29 =	simm.s32 $0x9;
	_ =	strace $0x8000004E  }
0xb3: {  	_ =	swait.ge [sflag:s29], $0x1  }
0xb4: {  	[sflag:s29] =	ssyncadd.s32 $0xFFFFFFFF  }
0xb5: {  	_ =	strace $0x9000004E  }
0xb6: {  	_ =	sfence  }
0xb7: {  	s30 =	sld [smem:$0x0];
	_ =	sdelay $0x2  }
0xb8: {  	s31 =	sshll.u32 s1, $0xD;
	s1 =	sshrl.u32 s1, $0x2  }
0xb9: {  	s3 =	sand.u32 $0x4000, s31;
	s1 =	sadd.s32 s1, s30  }
0xba: {  	s0 =	sor.u32 s3, s0;
	s1 =	sshll.u32 s1, $0x11  }
0xbb: {  	s0 =	sor.u32 s1, s0  }
0xbc: {  	s0 =	sadd.s32 $0x8F2B, s0  }
0xbd: {  	[sflag:s0] =	ssyncadd.remote.s32 $0x1  }
0xbe: {  	_ =	sfence.sel $0xFFFF  }
0xbf: {  	[dreg:$0x0] =	wrdreg $0xFFFFFFFF;
	(pc) =	sbr.abs _section_cstart, $3  }
0xc0: {  	[dreg:$0x1] =	wrdreg $0xFFFFFFFF  }
0xc1: {  	_ =	task.clear_ibuf [dreg:s6], $0x2FFFF;
	_ =	strace $0x9FFFFFFF  }
0xc2: {  	(tm) =	ssettm $0x7FFFFFFF  }
0xc3: {  	_ =	shalt  }
tec
execute0_lowered:
.L_overlay_start_1:
0x0: {  	(tag) =	ssettag $0x1  }
0x1: {  	s0 =	rddreg [dreg:$0x0]  }
0x2: {  	s1 =	rddreg [dreg:$0x1];
	s2 =	srdreg.scid;
	s4 =	simm.s32 $0x0  }
0x3: {  	s10 =	stileid.u32;
	s21 =	simm.s32 $0x18180;
	s22 =	simm.s32 $0x2  }
0x4: {  	s23 =	simm.s32 $0x14000;
	s24 =	simm.s32 $0x14080;
	s28 =	simm.s32 $0x14180  }
0x5: {  	s29 =	simm.s32 $0x1;
	s30 =	simm.s32 $0x0;
	s31 =	simm.s32 $0x0  }
0x6: {  	s2 =	sand.u32 $0x1, s2;
	[smem:$0x7FF] =	sst s4;
	s6 =	smul.u32 $0x14000, s10  }
0x7: {  	s4 =	sadd.s32 $0x2D000, s0;
	s5 =	sadd.s32 $0x18600, s0;
	s8 =	smul.u32 $0x50000, s10  }
0x8: {  	s7 =	sadd.s32 $0x22E00, s0;
	s10 =	sshll.u32 s10, $0x1;
	s3 =	smul.u32 $0x140000, s2  }
0x9: {  	_ =	strace $0x8000004D;
	s25 =	ssub.s32 $0x2, s2;
	s2 =	sor.u32 s2, s10  }
0xa: {  	s9 =	sshrl.u32 s25, $0x1;
	s8 =	sshrl.u32 s8, $0x2;
	s3 =	sadd.s32 s6, s3  }
0xb: {  	s6 =	sadd.s32 $0xE400, s0;
	s8 =	sadd.s32 s8, s1;
	s3 =	sshrl.u32 s3, $0x3  }
0xc: {  	s12 =	sadd.s32 $0x2000, s8;
	s13 =	sadd.s32 $0x4000, s8;
	s14 =	sadd.s32 $0x6000, s8  }
0xd: {  	s15 =	sadd.s32 $0x8000, s8;
	s16 =	sadd.s32 $0xA000, s8;
	s17 =	sadd.s32 $0xC000, s8  }
0xe: {  	s18 =	sadd.s32 $0xE000, s8;
	s19 =	sadd.s32 $0x10000, s8;
	s0 =	sadd.s32 s3, s0  }
0xf: {  	s20 =	sadd.s32 $0x12000, s8;
	s3 =	ssub.s32 s25, s9;
	s0 =	sadd.s32 $0x55000, s0  }
0x10: {  	s9 =	smul.u32 $0x51, s2;
	s26 =	smax.u32 s3, $0x1;
	[dreg:$0x3] =	wrdreg s0  }
0x11: {  	v0 =	vimm.f32 $0.0e+00;
	s25 =	simm.s32 $0x14100;
	[dreg:$0x4] =	wrdreg s26;
	s26 =	simm.s32 $0x80  }
.LBB2_1:
0x12: {  	s2 =	simm.s32 $0x0  }
0x13: {  	s0 =	sand.u32 $0x7E00, s2  }
0x14: {  	s2 =	sand.u32 $0x70, s2;
	s3 =	sshrl.u32 s0, $0x2  }
0x15: {  	s0 =	simm.s32 $0x40;
	s3 =	sor.u32 s2, s3;
	s2 =	simm.s32 $0x0  }
.LBB2_2:
0x16: {  	p0 =	sne.s32 s0, $0x7FC0  }
0x17: {  	[tilespmem:s3+$0x18180] =	vst v0;
	s2 =	sadd.s32 $0x10, s2;
	s3 =	smov.u32 s0;
	s0 =	sadd.s32 $0x40, s0  }
.Ltmp0:
0x18: {  	(pc) =	sbr.rel @p0 .LBB2_2-.Ltmp0, $4  }
0x19: {  	_ = 	snop  }
0x1a: {  	s3 =	sand.u32 $0x7E00, s3  }
0x1b: {  	s10 =	sand.u32 $0x70, s2;
	s3 =	sshrl.u32 s3, $0x2  }
0x1c: {  	s3 =	sor.u32 s10, s3  }
0x1d: {  	[tilespmem:s3+$0x18180] =	vst v0  }
0x1e: {  	[spmem:s8] =	stream.linear.scatter [tilespmem:s21], [sflag:$0x2], $0x2000, $0x38;
	[tilespmem:$0x1A180] =	vst v63  }
0x1f: {  	_ =	swait.ge [sflag:s22], $0x2000  }
0x20: {  	[sflag:s22] =	ssyncset.done $0x0  }
0x21: {  	[sflag:s22] =	ssyncadd.s32 $0xFFFFE000  }
0x22: {  	[spmem:s12] =	stream.linear.scatter [tilespmem:s21], [sflag:$0x2], $0x2000, $0x38;
	[tilespmem:$0x1A180] =	vst v63  }
0x23: {  	_ =	swait.ge [sflag:s22], $0x2000  }
0x24: {  	[sflag:s22] =	ssyncset.done $0x0  }
0x25: {  	[sflag:s22] =	ssyncadd.s32 $0xFFFFE000  }
0x26: {  	[spmem:s13] =	stream.linear.scatter [tilespmem:s21], [sflag:$0x2], $0x2000, $0x38;
	[tilespmem:$0x1A180] =	vst v63  }
0x27: {  	_ =	swait.ge [sflag:s22], $0x2000  }
0x28: {  	[sflag:s22] =	ssyncset.done $0x0  }
0x29: {  	[sflag:s22] =	ssyncadd.s32 $0xFFFFE000  }
0x2a: {  	[spmem:s14] =	stream.linear.scatter [tilespmem:s21], [sflag:$0x2], $0x2000, $0x38;
	[tilespmem:$0x1A180] =	vst v63  }
0x2b: {  	_ =	swait.ge [sflag:s22], $0x2000  }
0x2c: {  	[sflag:s22] =	ssyncset.done $0x0  }
0x2d: {  	[sflag:s22] =	ssyncadd.s32 $0xFFFFE000  }
0x2e: {  	[spmem:s15] =	stream.linear.scatter [tilespmem:s21], [sflag:$0x2], $0x2000, $0x38;
	[tilespmem:$0x1A180] =	vst v63  }
0x2f: {  	_ =	swait.ge [sflag:s22], $0x2000  }
0x30: {  	[sflag:s22] =	ssyncset.done $0x0  }
0x31: {  	[sflag:s22] =	ssyncadd.s32 $0xFFFFE000  }
0x32: {  	[spmem:s16] =	stream.linear.scatter [tilespmem:s21], [sflag:$0x2], $0x2000, $0x38;
	[tilespmem:$0x1A180] =	vst v63  }
0x33: {  	_ =	swait.ge [sflag:s22], $0x2000  }
0x34: {  	[sflag:s22] =	ssyncset.done $0x0  }
0x35: {  	[sflag:s22] =	ssyncadd.s32 $0xFFFFE000  }
0x36: {  	[spmem:s17] =	stream.linear.scatter [tilespmem:s21], [sflag:$0x2], $0x2000, $0x38;
	[tilespmem:$0x1A180] =	vst v63  }
0x37: {  	_ =	swait.ge [sflag:s22], $0x2000  }
0x38: {  	[sflag:s22] =	ssyncset.done $0x0  }
0x39: {  	[sflag:s22] =	ssyncadd.s32 $0xFFFFE000  }
0x3a: {  	[spmem:s18] =	stream.linear.scatter [tilespmem:s21], [sflag:$0x2], $0x2000, $0x38;
	[tilespmem:$0x1A180] =	vst v63  }
0x3b: {  	_ =	swait.ge [sflag:s22], $0x2000  }
0x3c: {  	[sflag:s22] =	ssyncset.done $0x0  }
0x3d: {  	[sflag:s22] =	ssyncadd.s32 $0xFFFFE000  }
0x3e: {  	[spmem:s19] =	stream.linear.scatter [tilespmem:s21], [sflag:$0x2], $0x2000, $0x38;
	[tilespmem:$0x1A180] =	vst v63  }
0x3f: {  	_ =	swait.ge [sflag:s22], $0x2000  }
0x40: {  	[sflag:s22] =	ssyncset.done $0x0  }
0x41: {  	[sflag:s22] =	ssyncadd.s32 $0xFFFFE000  }
0x42: {  	[spmem:s20] =	stream.linear.scatter [tilespmem:s21], [sflag:$0x2], $0x2000, $0x38;
	[tilespmem:$0x1A180] =	vst v63  }
0x43: {  	_ =	swait.ge [sflag:s22], $0x2000  }
0x44: {  	[sflag:s22] =	ssyncset.done $0x0  }
0x45: {  	[sflag:s22] =	ssyncadd.s32 $0xFFFFE000  }
0x46: {  	s0 =	simm.s32 $0x0;
	[bflag:$0x0] =	sbarrier.arrive $0xFFFF  }
.LBB2_4:
0x47: {  	s2 =	sadd.s32 s9, s0  }
0x48: {  	s2 =	sshll.u32 s2, $0x4  }
0x49: {  	s3 =	sadd.s32 s5, s2  }
0x4a: {  	[tilespmem:s23], [sflag:$0x2] =	stream.linear.gather [hbm4b:s3+s31], $0x80, $0x38;
	[tilespmem:$0x1A180] =	vst v63  }
0x4b: {  	_ =	swait.ge [sflag:s22], $0x80  }
0x4c: {  	[sflag:s22] =	ssyncset.done $0x0  }
0x4d: {  	s11 =	sadd.s32 s6, s2;
	[sflag:s22] =	ssyncadd.s32 $0xFFFFFF80  }
0x4e: {  	[tilespmem:s24], [sflag:$0x2] =	stream.linear.gather [hbm4b:s11+s31], $0x80, $0x38;
	[tilespmem:$0x1A180] =	vst v63  }
0x4f: {  	_ =	swait.ge [sflag:s22], $0x80  }
0x50: {  	[sflag:s22] =	ssyncset.done $0x0  }
0x51: {  	s2 =	sadd.s32 s7, s2;
	[sflag:s22] =	ssyncadd.s32 $0xFFFFFF80  }
0x52: {  	[tilespmem:s25], [sflag:$0x2] =	stream.linear.gather [hbm4b:s2+s31], $0x80, $0x38;
	[tilespmem:$0x1A180] =	vst v63  }
0x53: {  	_ =	swait.ge [sflag:s22], $0x80  }
0x54: {  	[sflag:s22] =	ssyncset.done $0x0  }
0x55: {  	[sflag:s22] =	ssyncadd.s32 $0xFFFFFF80  }
0x56: {  	[tilespmem:s28], [sflag:$0x1] =	stream.indirect.gather [hbm4b:s4+s26], $0x80, s23, s26, $0xb8;
	[tilespmem:$0x1A180] =	vst v63  }
0x57: {  	_ =	swait.ge [sflag:s29], $0x4000  }
0x58: {  	v1 =	vmov s31;
	[sflag:s29] =	ssyncset.done $0x0  }
0x59: {  	s2 =	simm.s32 $0x141C0;
	[sflag:s29] =	ssyncadd.s32 $0xFFFFC000  }
0x5a: {  	v5 =	vld [tilespmem:s2+$0x30]  }
0x5b: {  	v8 =	vld [tilespmem:s2+$0x10]  }
0x5c: {  	v6 =	vld [tilespmem:s2+$0xFFFFFFC0]  }
0x5d: {  	v2 =	vld.idx.msk [tilespmem:v1+s25+$0x0], $0xffff  }
0x5e: {  	v10 =	vld [tilespmem:s2+$0xFFFFFFE0]  }
0x5f: {  	v1 =	vld [tilespmem:s2+$0xFFFFFFF0]  }
0x60: {  	v3 =	vld [tilespmem:s2+$0x20]  }
0x61: {  	v4 =	vld [tilespmem:s2+$0xFFFFFFD0]  }
0x62: {  	v9 =	vmul.f32 v5, v2;
	v5 =	vld [tilespmem:s2+$0x0]  }
0x63: {  	v7 =	vmul.f32 v6, v2  }
0x64: {  	s10 =	simm.s32 $0x141C0;
	s3 =	simm.s32 $0x1;
	v6 =	vmul.f32 v10, v2;
	v8 =	vmul.f32 v8, v2  }
.LBB2_5:
0x65: {  	p0 =	sne.s32 s3, $0x7F  }
0x66: {  	v4 =	vmul.f32 v4, v2;
	v3 =	vmul.f32 v3, v2;
	[tilespmem:s2+$0x30] =	vst v9;
	s10 =	sadd.s32 $0x80, s10;
	s11 =	smov.u32 s3;
	s3 =	sadd.s32 $0x1, s3  }
0x67: {  	[tilespmem:s2+$0xFFFFFFC0] =	vst v7;
	v7 =	vmul.f32 v1, v2;
	v2 =	vmul.f32 v5, v2  }
0x68: {  	[tilespmem:s2+$0x10] =	vst v8  }
0x69: {  	v5 =	vmov s11;
	[tilespmem:s2+$0xFFFFFFE0] =	vst v6  }
0x6a: {  	v1 =	vld [tilespmem:s10+$0xFFFFFFF0];
	[tilespmem:s2+$0xFFFFFFF0] =	vst v7  }
0x6b: {  	v6 =	vld [tilespmem:s10+$0x30];
	[tilespmem:s2+$0x0] =	vst v2  }
0x6c: {  	v8 =	vld [tilespmem:s10+$0x10];
	[tilespmem:s2+$0x20] =	vst v3  }
0x6d: {  	v7 =	vld [tilespmem:s10+$0xFFFFFFC0];
	[tilespmem:s2+$0xFFFFFFD0] =	vst v4;
	s2 =	smov.u32 s10  }
0x6e: {  	v2 =	vld.idx.msk [tilespmem:v5+s25+$0x0], $0xffff  }
0x6f: {  	v10 =	vld [tilespmem:s10+$0xFFFFFFE0]  }
0x70: {  	v3 =	vld [tilespmem:s10+$0x20]  }
.Ltmp1:
0x71: {  	v4 =	vld [tilespmem:s10+$0xFFFFFFD0];
	(pc) =	sbr.rel @p0 .LBB2_5-.Ltmp1, $3  }
0x72: {  	v5 =	vld [tilespmem:s10+$0x0];
	_ =	sdelay $0x1  }
0x73: {  	v7 =	vmul.f32 v7, v2;
	v9 =	vmul.f32 v6, v2  }
0x74: {  	v8 =	vmul.f32 v8, v2;
	v6 =	vmul.f32 v10, v2  }
0x75: {  	[tilespmem:s2+$0x30] =	vst v9  }
0x76: {  	[tilespmem:s2+$0xFFFFFFC0] =	vst v7  }
0x77: {  	v1 =	vmul.f32 v1, v2;
	[tilespmem:s2+$0x10] =	vst v8  }
0x78: {  	v3 =	vmul.f32 v3, v2;
	[tilespmem:s2+$0xFFFFFFE0] =	vst v6  }
0x79: {  	v5 =	vmul.f32 v5, v2;
	[tilespmem:s2+$0xFFFFFFF0] =	vst v1  }
0x7a: {  	s0 =	sadd.s32 $0x1, s0;
	v1 =	vmul.f32 v4, v2;
	[tilespmem:s2+$0x20] =	vst v3  }
0x7b: {  	p0 =	sne.s32 s0, $0x51;
	[tilespmem:s2+$0x0] =	vst v5  }
.Ltmp2:
0x7c: {  	[tilespmem:s2+$0xFFFFFFD0] =	vst v1;
	(pc) =	sbr.rel @p0 .LBB2_4-.Ltmp2, $4  }
0x7d: {  	[spmem:s1] =	stream.indirect.scatter.add.f32 [tilespmem:s28], [sflag:$0x2], $0x80, s24, s26, $0xb8;
	[tilespmem:$0x1A180] =	vst v63  }
0x7e: {  	_ =	swait.ge [sflag:s22], $0x4000  }
0x7f: {  	[sflag:s22] =	ssyncset.done $0x0  }
0x80: {  	[sflag:s22] =	ssyncadd.s32 $0xFFFFC000  }
0x81: {  	s0 =	stileid.u32  }
0x82: {  	[bflag:$0x0] =	sbarrier.arrive $0xFFFF;
	s0 =	sshll.u32 s0, $0x6  }
0x83: {  	s2 =	sshrl.u32 s8, $0x3;
	s3 =	rddreg [dreg:$0x3];
	s0 =	sor.u32 $0x1C02, s0  }
0x84: {  	[hbm:s3], [sflag:s0] =	dma.local [spmem:s2], $0x2800  }
0x85: {  	_ =	swait.ge [sflag:s22], $0x2800  }
0x86: {  	s30 =	sadd.s32 $0x1, s30;
	s11 =	rddreg [dreg:$0x4]  }
0x87: {  	p0 =	sne.s32 s30, s11  }
.Ltmp3:
0x88: {  	_ = 	snop;
	(pc) =	sbr.rel @p0 .LBB2_1-.Ltmp3, $3  }
0x89: {  	_ =	sdelay $0x1  }
0x8a: {  	[sflag:s22] =	ssyncset.done $0x0  }
0x8b: {  	[sflag:s22] =	ssyncadd.s32 $0xFFFFD800  }
0x8c: {  	_ =	sfence.sel $0x180000  }
0x8d: {  	[bflag:$0x0] =	sbarrier.arrive $0xFFFF  }
0x8e: {  	_ =	strace $0x9000004D  }
0x8f: {  	s0 =	stileid.u32;
	[bflag:$0x2] =	sbarrier.arrive $0xFFFF  }
0x90: {  	p0 =	sne.s32 s0, $0x0;
	s0 =	rddreg [dreg:$0x2]  }
0x91: {  	s0 =	sadd.s32 @!p0 $0x100000, s0  }
0x92: {  	[sflag:s0] =	ssyncadd.tile.s32 @!p0 $0x1;
	_ =	shalt  }
.Lfunc_end2:
_tile_overlayer_lowered:
.L_overlay_start_2:
0x93: {  	(tag) =	ssettag $0x2  }
0x94: {  	s0 =	rddreg [dreg:$0x0];
	s2 =	stileid.u32  }
0x95: {  	s1 =	rddreg [dreg:$0x1];
	p0 =	sne.s32 s2, $0x0  }
0x96: {  	s3 =	rddreg [dreg:$0x2];
	[bflag:$0x3] =	sbarrier.arrive $0xFFFF;
	s2 =	simm.s32 @!p0 $0x1C02  }
0x97: {  	[timem:s3], [sflag:s2] =	dma.local @!p0 [hbm:s0], s1  }
0x98: {  	s0 =	simm.s32 @!p0 $0x2  }
0x99: {  	_ =	swait.ge @!p0 [sflag:s0], s1  }
0x9a: {  	s1 =	ssub.s32 @!p0 $0x0, s1;
	[sflag:s0] =	ssyncset.done @!p0 $0x0  }
0x9b: {  	[sflag:s0] =	ssyncadd.s32 @!p0 s1  }
0x9c: {  	[bflag:$0x3] =	sbarrier.arrive $0xFFFF  }
0x9d: {  	_ =	shalt  }

// kernel: kernel.23.cloned.1.call-start
scs
__scs_entry_jumppad:
0x0: {  	(pc) =	sbr.rel $0x88, $3  }
0x1: {  	(tag) =	ssettag $0x0;
	lr =	simm.s32 $0x1  }
0x2: {  	[smem:$0x3F8F] =	sst lr;
	_ =	strace $0xD0000000  }
0x3: {  	_ = 	snop  }
0x4: {  	_ = 	snop  }
0x5: {  	_ = 	snop  }
0x6: {  	_ = 	snop  }
0x7: {  	_ = 	snop  }
__scs_overlays_trampoline_lowered:
0x8: {  	[smem:$0x3F9E] =	sst s0  }
0x9: {  	[smem:$0x3F9F] =	sst s1  }
0xa: {  	[smem:$0x3FA0] =	sst s2  }
0xb: {  	[smem:$0x3FA1] =	sst s3  }
0xc: {  	[smem:$0x3FA2] =	sst s4  }
0xd: {  	[smem:$0x3FA3] =	sst s5  }
0xe: {  	[smem:$0x3FA4] =	sst s6  }
0xf: {  	[smem:$0x3FA5] =	sst s7  }
0x10: {  	[smem:$0x3FA6] =	sst s8  }
0x11: {  	[smem:$0x3FA7] =	sst s9;
	s0 =	simm.s32 @!p0 $0x0  }
0x12: {  	s1 =	sld [smem:$0x3F8D];
	s0 =	simm.s32 @p0 $0x1  }
0x13: {  	[smem:$0x3FA8] =	sst s0;
	s0 =	simm.s32 @!p1 $0x0  }
0x14: {  	s2 =	sld [smem:$0x3F8C];
	s0 =	simm.s32 @p1 $0x1  }
0x15: {  	[smem:$0x3FA9] =	sst s0;
	s0 =	simm.s32 @!p2 $0x0  }
0x16: {  	s3 =	sld [smem:$0x3FDB];
	s0 =	simm.s32 @p2 $0x1  }
0x17: {  	s4 =	simm.s32 $0x1BF5;
	[smem:$0x3FAB] =	sst s0  }
0x18: {  	s0 =	sld [smem:$0x3F8E];
	_ =	swait.ge [sflag:s4], $0x0  }
0x19: {  	s7 =	sld [smem:$0x3F8F]  }
0x1a: {  	s8 =	sadd.s32 $0xFFFFE003, lr  }
0x1b: {  	s9 =	sadd.s32 $0xFFFFFEF7, lr;
	s5 =	simm.s32 $0xFFFFFFFF;
	p2 =	slt.u32 s8, $0xFFFFF086  }
0x1c: {  	p1 =	slt.u32 s9, $0xF7A;
	s5 =	simm.s32 @!p2 $0x0  }
0x1d: {  	s5 =	simm.s32 @p1 $0x1;
	p0 =	seq.s32 s7, s2  }
0x1e: {  	s7 =	smul.u32 @!p0 $0xF7A, s2;
	p2 =	seq.s32 @!p0 s5, $0x0  }
0x1f: {  	s9 =	smul.u32 $0xF7A, s1;
	s8 =	simm.s32 @!p0 $0x1BF5;
	p2 =	por !p2, p0  }
0x20: {  	[sflag:s8] =	ssyncset.s32 @!p0 $0xFFFFF086;
	s6 =	sadd.s32 @!p0 s3, s7;
	s7 =	simm.s32 @!p0 $0x108  }
0x21: {  	s3 =	sadd.s32 s3, s9;
	s6 =	sadd.s32 @!p0 $0x88, s6;
	s7 =	simm.s32 @p2 $0x1082  }
0x22: {  	[simem:s7], [sflag:s8] =	dma.local @!p0 [hbm:s6], $0xF7A  }
0x23: {  	s9 =	sor.u32 $0xD0000000, s2;
	s6 =	simm.s32 $0x108;
	_ =	swait.ge @!p0 [sflag:s8], $0x0  }
0x24: {  	s3 =	sadd.s32 $0x88, s3;
	s6 =	simm.s32 @!p1 $0x1082;
	[sflag:s4] =	ssyncset.s32 $0xFFFFF086  }
0x25: {  	[simem:s6], [sflag:s4] =	dma.local [hbm:s3], $0xF7A  }
0x26: {  	[smem:$0x3F8F] =	sst s1;
	(tag) =	ssettag s2;
	_ =	strace s9  }
0x27: {  	s1 =	sld [smem:$0x3F9F]  }
0x28: {  	s2 =	sld [smem:$0x3FA0]  }
0x29: {  	s4 =	sld [smem:$0x3FA2]  }
0x2a: {  	p0 =	seq.s32 s5, $0x0;
	s5 =	sld [smem:$0x3FA3]  }
0x2b: {  	s6 =	sld [smem:$0x3FA4]  }
0x2c: {  	s7 =	sld [smem:$0x3FA5]  }
0x2d: {  	s3 =	simm.s32 $0x108;
	s8 =	sld [smem:$0x3FA6]  }
0x2e: {  	s3 =	simm.s32 @!p0 $0x1082;
	s9 =	sld [smem:$0x3FA7]  }
0x2f: {  	lr =	sadd.s32 s0, s3;
	s0 =	sld [smem:$0x3F9E]  }
0x30: {  	s3 =	sld [smem:$0x3FA1]  }
0x31: {  	[smem:$0x3FAA] =	sst s10  }
0x32: {  	s10 =	sld [smem:$0x3FA8];
	_ =	sdelay $0x3  }
0x33: {  	p0 =	seq.s32 s10, $0x1;
	s10 =	sld [smem:$0x3FAA];
	_ =	sdelay $0x3  }
0x34: {  	[smem:$0x3FAA] =	sst s10  }
0x35: {  	s10 =	sld [smem:$0x3FA9];
	_ =	sdelay $0x3  }
0x36: {  	p1 =	seq.s32 s10, $0x1;
	s10 =	sld [smem:$0x3FAA];
	_ =	sdelay $0x3  }
0x37: {  	[smem:$0x3FAA] =	sst s10  }
0x38: {  	s10 =	sld [smem:$0x3FAB]  }
0x39: {  	_ = 	snop;
	(pc) =	sbr.ind lr, $3  }
0x3a: {  	_ = 	snop  }
0x3b: {  	_ = 	snop  }
0x3c: {  	p2 =	seq.s32 s10, $0x1;
	s10 =	sld [smem:$0x3FAA]  }
0x3d: {  	_ =	shalt  }
0x3e: {  	_ =	shalt  }
0x3f: {  	_ =	shalt  }
0x40: {  	_ =	shalt  }
0x41: {  	_ =	shalt  }
0x42: {  	_ =	shalt  }
0x43: {  	_ =	shalt  }
0x44: {  	_ =	shalt  }
0x45: {  	_ =	shalt  }
0x46: {  	_ =	shalt  }
0x47: {  	_ =	shalt  }
0x48: {  	_ =	shalt  }
0x49: {  	_ =	shalt  }
0x4a: {  	_ =	shalt  }
0x4b: {  	_ =	shalt  }
0x4c: {  	_ =	shalt  }
0x4d: {  	_ =	shalt  }
0x4e: {  	_ =	shalt  }
0x4f: {  	_ =	shalt  }
0x50: {  	_ =	shalt  }
0x51: {  	_ =	shalt  }
0x52: {  	_ =	shalt  }
0x53: {  	_ =	shalt  }
0x54: {  	_ =	shalt  }
0x55: {  	_ =	shalt  }
0x56: {  	_ =	shalt  }
0x57: {  	_ =	shalt  }
0x58: {  	_ =	shalt  }
0x59: {  	_ =	shalt  }
0x5a: {  	_ =	shalt  }
0x5b: {  	_ =	shalt  }
0x5c: {  	_ =	shalt  }
0x5d: {  	_ =	shalt  }
0x5e: {  	_ =	shalt  }
0x5f: {  	_ =	shalt  }
0x60: {  	_ =	shalt  }
0x61: {  	_ =	shalt  }
0x62: {  	_ =	shalt  }
0x63: {  	_ =	shalt  }
0x64: {  	_ =	shalt  }
0x65: {  	_ =	shalt  }
0x66: {  	_ =	shalt  }
0x67: {  	_ =	shalt  }
0x68: {  	_ =	shalt  }
0x69: {  	_ =	shalt  }
0x6a: {  	_ =	shalt  }
0x6b: {  	_ =	shalt  }
0x6c: {  	_ =	shalt  }
0x6d: {  	_ =	shalt  }
0x6e: {  	_ =	shalt  }
0x6f: {  	_ =	shalt  }
0x70: {  	_ =	shalt  }
0x71: {  	_ =	shalt  }
0x72: {  	_ =	shalt  }
0x73: {  	_ =	shalt  }
0x74: {  	_ =	shalt  }
0x75: {  	_ =	shalt  }
0x76: {  	_ =	shalt  }
0x77: {  	_ =	shalt  }
0x78: {  	_ =	shalt  }
0x79: {  	_ =	shalt  }
0x7a: {  	_ =	shalt  }
0x7b: {  	_ =	shalt  }
0x7c: {  	_ =	shalt  }
0x7d: {  	_ =	shalt  }
0x7e: {  	_ =	shalt  }
0x7f: {  	_ =	shalt  }
0x80: {  	_ =	shalt  }
0x81: {  	_ =	shalt  }
0x82: {  	_ =	shalt  }
0x83: {  	_ =	shalt  }
0x84: {  	_ =	shalt  }
0x85: {  	_ =	shalt  }
0x86: {  	_ =	shalt  }
0x87: {  	_ =	shalt  }
.Lfunc_end0:
.L_simem_size_0:
called_computation.3_lowered:
.L_overlay_start_0:
0x88: {  	s2 =	sld [smem:$0x3FD9]  }
0x89: {  	s3 =	sld [smem:$0x3FFE];
	_ =	sdelay $0x1  }
0x8a: {  	s1 =	srdreg.scid  }
0x8b: {  	s0 =	sand.u32 $0x1, s1  }
0x8c: {  	s16 =	sshll.u32 s0, $0xA;
	s2 =	sadd.s32 s3, s2  }
0x8d: {  	s2 =	sadd.s32 s2, s16  }
0x8e: {  	[smem:$0x3FB6] =	sst s2  }
0x8f: {  	_ = 	snop  }
0x90: {  	(tm) =	ssettm $0x1  }
0x91: {  	s17 =	sld [smem:$0x3FFB];
	_ =	sdelay $0x3  }
0x92: {  	_ =	strace s17  }
0x93: {  	s2 =	sld [smem:$0x3FFC];
	_ =	sdelay $0x3  }
0x94: {  	_ =	strace s2  }
0x95: {  	s2 =	sld [smem:$0x3FFD];
	_ =	sdelay $0x3  }
0x96: {  	_ =	strace s2  }
0x97: {  	_ =	strace $0x8FFFFFFF  }
0x98: {  	s18 =	sld [smem:$0x3FDB];
	_ =	sdelay $0x1  }
0x99: {  	s19 =	simm.s32 $_scs_section_size  }
0x9a: {  	s4 =	simm.s32 $_size__tile_overlayer_lowered;
	s5 =	simm.s32 $_tile_overlayer_lowered  }
0x9b: {  	s22 =	simm.s32 $0x1BFF;
	s21 =	sshll.u32 s5, $0x1;
	s2 =	sadd.s32 s19, s18  }
0x9c: {  	s6 =	simm.s32 $0x0;
	s20 =	sshll.u32 s4, $0x1;
	s4 =	sadd.s32 s21, s2  }
0x9d: {  	[timem:s6], [sflag:s22] =	dma.local [hbm:s4], s20  }
0x9e: {  	_ =	swait.ge [sflag:s22], s20  }
0x9f: {  	s3 =	ssub.s32 $0x0, s20;
	[sflag:s22] =	ssyncset.done $0x0  }
0xa0: {  	[sflag:s22] =	ssyncadd.s32 s3;
	_ =	sdelay $0x1  }
0xa1: {  	s23 =	simm.s32 $0x1B8B  }
0xa2: {  	_ =	swait.ge [sflag:s23], $0x1  }
0xa3: {  	[sflag:s23] =	ssyncset.done $0x0  }
0xa4: {  	s25 =	simm.s32 $0x1B8E;
	s24 =	sld [smem:$0x3FFE];
	[sflag:s23] =	ssyncadd.s32 $0xFFFFFFFF  }
0xa5: {  	s26 =	simm.s32 $execute0_lowered;
	[smem:$0x3FD2] =	sst s25  }
0xa6: {  	s4 =	sshll.u32 s26, $0x1;
	_ =	strace $0x8000004F;
	[dreg:$0x1] =	wrdreg $0xFFFFFFFF  }
0xa7: {  	s28 =	simm.s32 $_size_execute0_lowered;
	s2 =	sadd.s32 s2, s4;
	[dreg:$0x0] =	wrdreg $0x0  }
0xa8: {  	s4 =	sshll.u32 s28, $0x1;
	[dreg:$0x2] =	wrdreg s2  }
0xa9: {  	[dreg:$0x3] =	wrdreg s4  }
0xaa: {  	[dreg:$0x4] =	wrdreg $0xC0  }
0xab: {  	_ =	task [dreg:s6], $0x5FFFF  }
0xac: {  	[dreg:$0x1] =	wrdreg $0xFFFFFFFF  }
0xad: {  	[dreg:$0x0] =	wrdreg $0x60  }
0xae: {  	[dreg:$0x2] =	wrdreg s24  }
0xaf: {  	[dreg:$0x3] =	wrdreg $0x0  }
0xb0: {  	[dreg:$0x4] =	wrdreg $0x9  }
0xb1: {  	_ =	task.clear_ibuf [dreg:s6], $0x5FFFF;
	_ =	strace $0x9000004F  }
0xb2: {  	s29 =	simm.s32 $0x9;
	_ =	strace $0x80000051  }
0xb3: {  	_ =	swait.ge [sflag:s29], $0x1  }
0xb4: {  	[sflag:s29] =	ssyncadd.s32 $0xFFFFFFFF  }
0xb5: {  	_ =	strace $0x90000051  }
0xb6: {  	_ =	sfence  }
0xb7: {  	s30 =	sld [smem:$0x0];
	_ =	sdelay $0x2  }
0xb8: {  	s31 =	sshll.u32 s1, $0xD;
	s1 =	sshrl.u32 s1, $0x2  }
0xb9: {  	s3 =	sand.u32 $0x4000, s31;
	s1 =	sadd.s32 s1, s30  }
0xba: {  	s0 =	sor.u32 s3, s0;
	s1 =	sshll.u32 s1, $0x11  }
0xbb: {  	s0 =	sor.u32 s1, s0  }
0xbc: {  	s0 =	sadd.s32 $0x8F2B, s0  }
0xbd: {  	[sflag:s0] =	ssyncadd.remote.s32 $0x1  }
0xbe: {  	_ =	sfence.sel $0xFFFF  }
0xbf: {  	[dreg:$0x0] =	wrdreg $0xFFFFFFFF;
	(pc) =	sbr.abs _section_cstart, $3  }
0xc0: {  	[dreg:$0x1] =	wrdreg $0xFFFFFFFF  }
0xc1: {  	_ =	task.clear_ibuf [dreg:s6], $0x2FFFF;
	_ =	strace $0x9FFFFFFF  }
0xc2: {  	(tm) =	ssettm $0x7FFFFFFF  }
0xc3: {  	_ =	shalt  }
tec
execute0_lowered:
.L_overlay_start_1:
0x0: {  	(tag) =	ssettag $0x1  }
0x1: {  	s0 =	rddreg [dreg:$0x0]  }
0x2: {  	s1 =	rddreg [dreg:$0x1];
	s2 =	srdreg.scid;
	s4 =	simm.s32 $0x0  }
0x3: {  	s10 =	stileid.u32;
	s21 =	simm.s32 $0x18180;
	s22 =	simm.s32 $0x2  }
0x4: {  	s23 =	simm.s32 $0x14000;
	s24 =	simm.s32 $0x14080;
	s28 =	simm.s32 $0x14180  }
0x5: {  	s29 =	simm.s32 $0x1;
	s30 =	simm.s32 $0x0;
	s31 =	simm.s32 $0x0  }
0x6: {  	s2 =	sand.u32 $0x1, s2;
	[smem:$0x7FF] =	sst s4;
	s6 =	smul.u32 $0x14000, s10  }
0x7: {  	s4 =	sadd.s32 $0x2D000, s0;
	s5 =	sadd.s32 $0x18600, s0;
	s8 =	smul.u32 $0x50000, s10  }
0x8: {  	s7 =	sadd.s32 $0x22E00, s0;
	s10 =	sshll.u32 s10, $0x1;
	s3 =	smul.u32 $0x140000, s2  }
0x9: {  	_ =	strace $0x80000050;
	s25 =	ssub.s32 $0x2, s2;
	s2 =	sor.u32 s2, s10  }
0xa: {  	s9 =	sshrl.u32 s25, $0x1;
	s8 =	sshrl.u32 s8, $0x2;
	s3 =	sadd.s32 s6, s3  }
0xb: {  	s6 =	sadd.s32 $0xE400, s0;
	s8 =	sadd.s32 s8, s1;
	s3 =	sshrl.u32 s3, $0x3  }
0xc: {  	s12 =	sadd.s32 $0x2000, s8;
	s13 =	sadd.s32 $0x4000, s8;
	s14 =	sadd.s32 $0x6000, s8  }
0xd: {  	s15 =	sadd.s32 $0x8000, s8;
	s16 =	sadd.s32 $0xA000, s8;
	s17 =	sadd.s32 $0xC000, s8  }
0xe: {  	s18 =	sadd.s32 $0xE000, s8;
	s19 =	sadd.s32 $0x10000, s8;
	s0 =	sadd.s32 s3, s0  }
0xf: {  	s20 =	sadd.s32 $0x12000, s8;
	s3 =	ssub.s32 s25, s9;
	s0 =	sadd.s32 $0x55000, s0  }
0x10: {  	s9 =	smul.u32 $0x51, s2;
	s26 =	smax.u32 s3, $0x1;
	[dreg:$0x3] =	wrdreg s0  }
0x11: {  	v0 =	vimm.f32 $0.0e+00;
	s25 =	simm.s32 $0x14100;
	[dreg:$0x4] =	wrdreg s26;
	s26 =	simm.s32 $0x80  }
.LBB2_1:
0x12: {  	s2 =	simm.s32 $0x0  }
0x13: {  	s0 =	sand.u32 $0x7E00, s2  }
0x14: {  	s2 =	sand.u32 $0x70, s2;
	s3 =	sshrl.u32 s0, $0x2  }
0x15: {  	s0 =	simm.s32 $0x40;
	s3 =	sor.u32 s2, s3;
	s2 =	simm.s32 $0x0  }
.LBB2_2:
0x16: {  	p0 =	sne.s32 s0, $0x7FC0  }
0x17: {  	[tilespmem:s3+$0x18180] =	vst v0;
	s2 =	sadd.s32 $0x10, s2;
	s3 =	smov.u32 s0;
	s0 =	sadd.s32 $0x40, s0  }
.Ltmp0:
0x18: {  	(pc) =	sbr.rel @p0 .LBB2_2-.Ltmp0, $4  }
0x19: {  	_ = 	snop  }
0x1a: {  	s3 =	sand.u32 $0x7E00, s3  }
0x1b: {  	s10 =	sand.u32 $0x70, s2;
	s3 =	sshrl.u32 s3, $0x2  }
0x1c: {  	s3 =	sor.u32 s10, s3  }
0x1d: {  	[tilespmem:s3+$0x18180] =	vst v0  }
0x1e: {  	[spmem:s8] =	stream.linear.scatter [tilespmem:s21], [sflag:$0x2], $0x2000, $0x38;
	[tilespmem:$0x1A180] =	vst v63  }
0x1f: {  	_ =	swait.ge [sflag:s22], $0x2000  }
0x20: {  	[sflag:s22] =	ssyncset.done $0x0  }
0x21: {  	[sflag:s22] =	ssyncadd.s32 $0xFFFFE000  }
0x22: {  	[spmem:s12] =	stream.linear.scatter [tilespmem:s21], [sflag:$0x2], $0x2000, $0x38;
	[tilespmem:$0x1A180] =	vst v63  }
0x23: {  	_ =	swait.ge [sflag:s22], $0x2000  }
0x24: {  	[sflag:s22] =	ssyncset.done $0x0  }
0x25: {  	[sflag:s22] =	ssyncadd.s32 $0xFFFFE000  }
0x26: {  	[spmem:s13] =	stream.linear.scatter [tilespmem:s21], [sflag:$0x2], $0x2000, $0x38;
	[tilespmem:$0x1A180] =	vst v63  }
0x27: {  	_ =	swait.ge [sflag:s22], $0x2000  }
0x28: {  	[sflag:s22] =	ssyncset.done $0x0  }
0x29: {  	[sflag:s22] =	ssyncadd.s32 $0xFFFFE000  }
0x2a: {  	[spmem:s14] =	stream.linear.scatter [tilespmem:s21], [sflag:$0x2], $0x2000, $0x38;
	[tilespmem:$0x1A180] =	vst v63  }
0x2b: {  	_ =	swait.ge [sflag:s22], $0x2000  }
0x2c: {  	[sflag:s22] =	ssyncset.done $0x0  }
0x2d: {  	[sflag:s22] =	ssyncadd.s32 $0xFFFFE000  }
0x2e: {  	[spmem:s15] =	stream.linear.scatter [tilespmem:s21], [sflag:$0x2], $0x2000, $0x38;
	[tilespmem:$0x1A180] =	vst v63  }
0x2f: {  	_ =	swait.ge [sflag:s22], $0x2000  }
0x30: {  	[sflag:s22] =	ssyncset.done $0x0  }
0x31: {  	[sflag:s22] =	ssyncadd.s32 $0xFFFFE000  }
0x32: {  	[spmem:s16] =	stream.linear.scatter [tilespmem:s21], [sflag:$0x2], $0x2000, $0x38;
	[tilespmem:$0x1A180] =	vst v63  }
0x33: {  	_ =	swait.ge [sflag:s22], $0x2000  }
0x34: {  	[sflag:s22] =	ssyncset.done $0x0  }
0x35: {  	[sflag:s22] =	ssyncadd.s32 $0xFFFFE000  }
0x36: {  	[spmem:s17] =	stream.linear.scatter [tilespmem:s21], [sflag:$0x2], $0x2000, $0x38;
	[tilespmem:$0x1A180] =	vst v63  }
0x37: {  	_ =	swait.ge [sflag:s22], $0x2000  }
0x38: {  	[sflag:s22] =	ssyncset.done $0x0  }
0x39: {  	[sflag:s22] =	ssyncadd.s32 $0xFFFFE000  }
0x3a: {  	[spmem:s18] =	stream.linear.scatter [tilespmem:s21], [sflag:$0x2], $0x2000, $0x38;
	[tilespmem:$0x1A180] =	vst v63  }
0x3b: {  	_ =	swait.ge [sflag:s22], $0x2000  }
0x3c: {  	[sflag:s22] =	ssyncset.done $0x0  }
0x3d: {  	[sflag:s22] =	ssyncadd.s32 $0xFFFFE000  }
0x3e: {  	[spmem:s19] =	stream.linear.scatter [tilespmem:s21], [sflag:$0x2], $0x2000, $0x38;
	[tilespmem:$0x1A180] =	vst v63  }
0x3f: {  	_ =	swait.ge [sflag:s22], $0x2000  }
0x40: {  	[sflag:s22] =	ssyncset.done $0x0  }
0x41: {  	[sflag:s22] =	ssyncadd.s32 $0xFFFFE000  }
0x42: {  	[spmem:s20] =	stream.linear.scatter [tilespmem:s21], [sflag:$0x2], $0x2000, $0x38;
	[tilespmem:$0x1A180] =	vst v63  }
0x43: {  	_ =	swait.ge [sflag:s22], $0x2000  }
0x44: {  	[sflag:s22] =	ssyncset.done $0x0  }
0x45: {  	[sflag:s22] =	ssyncadd.s32 $0xFFFFE000  }
0x46: {  	s0 =	simm.s32 $0x0;
	[bflag:$0x0] =	sbarrier.arrive $0xFFFF  }
.LBB2_4:
0x47: {  	s2 =	sadd.s32 s9, s0  }
0x48: {  	s2 =	sshll.u32 s2, $0x4  }
0x49: {  	s3 =	sadd.s32 s5, s2  }
0x4a: {  	[tilespmem:s23], [sflag:$0x2] =	stream.linear.gather [hbm4b:s3+s31], $0x80, $0x38;
	[tilespmem:$0x1A180] =	vst v63  }
0x4b: {  	_ =	swait.ge [sflag:s22], $0x80  }
0x4c: {  	[sflag:s22] =	ssyncset.done $0x0  }
0x4d: {  	s11 =	sadd.s32 s6, s2;
	[sflag:s22] =	ssyncadd.s32 $0xFFFFFF80  }
0x4e: {  	[tilespmem:s24], [sflag:$0x2] =	stream.linear.gather [hbm4b:s11+s31], $0x80, $0x38;
	[tilespmem:$0x1A180] =	vst v63  }
0x4f: {  	_ =	swait.ge [sflag:s22], $0x80  }
0x50: {  	[sflag:s22] =	ssyncset.done $0x0  }
0x51: {  	s2 =	sadd.s32 s7, s2;
	[sflag:s22] =	ssyncadd.s32 $0xFFFFFF80  }
0x52: {  	[tilespmem:s25], [sflag:$0x2] =	stream.linear.gather [hbm4b:s2+s31], $0x80, $0x38;
	[tilespmem:$0x1A180] =	vst v63  }
0x53: {  	_ =	swait.ge [sflag:s22], $0x80  }
0x54: {  	[sflag:s22] =	ssyncset.done $0x0  }
0x55: {  	[sflag:s22] =	ssyncadd.s32 $0xFFFFFF80  }
0x56: {  	[tilespmem:s28], [sflag:$0x1] =	stream.indirect.gather [hbm4b:s4+s26], $0x80, s23, s26, $0xb8;
	[tilespmem:$0x1A180] =	vst v63  }
0x57: {  	_ =	swait.ge [sflag:s29], $0x4000  }
0x58: {  	v1 =	vmov s31;
	[sflag:s29] =	ssyncset.done $0x0  }
0x59: {  	s2 =	simm.s32 $0x141C0;
	[sflag:s29] =	ssyncadd.s32 $0xFFFFC000  }
0x5a: {  	v5 =	vld [tilespmem:s2+$0x30]  }
0x5b: {  	v8 =	vld [tilespmem:s2+$0x10]  }
0x5c: {  	v6 =	vld [tilespmem:s2+$0xFFFFFFC0]  }
0x5d: {  	v2 =	vld.idx.msk [tilespmem:v1+s25+$0x0], $0xffff  }
0x5e: {  	v10 =	vld [tilespmem:s2+$0xFFFFFFE0]  }
0x5f: {  	v1 =	vld [tilespmem:s2+$0xFFFFFFF0]  }
0x60: {  	v3 =	vld [tilespmem:s2+$0x20]  }
0x61: {  	v4 =	vld [tilespmem:s2+$0xFFFFFFD0]  }
0x62: {  	v9 =	vmul.f32 v5, v2;
	v5 =	vld [tilespmem:s2+$0x0]  }
0x63: {  	v7 =	vmul.f32 v6, v2  }
0x64: {  	s10 =	simm.s32 $0x141C0;
	s3 =	simm.s32 $0x1;
	v6 =	vmul.f32 v10, v2;
	v8 =	vmul.f32 v8, v2  }
.LBB2_5:
0x65: {  	p0 =	sne.s32 s3, $0x7F  }
0x66: {  	v4 =	vmul.f32 v4, v2;
	v3 =	vmul.f32 v3, v2;
	[tilespmem:s2+$0x30] =	vst v9;
	s10 =	sadd.s32 $0x80, s10;
	s11 =	smov.u32 s3;
	s3 =	sadd.s32 $0x1, s3  }
0x67: {  	[tilespmem:s2+$0xFFFFFFC0] =	vst v7;
	v7 =	vmul.f32 v1, v2;
	v2 =	vmul.f32 v5, v2  }
0x68: {  	[tilespmem:s2+$0x10] =	vst v8  }
0x69: {  	v5 =	vmov s11;
	[tilespmem:s2+$0xFFFFFFE0] =	vst v6  }
0x6a: {  	v1 =	vld [tilespmem:s10+$0xFFFFFFF0];
	[tilespmem:s2+$0xFFFFFFF0] =	vst v7  }
0x6b: {  	v6 =	vld [tilespmem:s10+$0x30];
	[tilespmem:s2+$0x0] =	vst v2  }
0x6c: {  	v8 =	vld [tilespmem:s10+$0x10];
	[tilespmem:s2+$0x20] =	vst v3  }
0x6d: {  	v7 =	vld [tilespmem:s10+$0xFFFFFFC0];
	[tilespmem:s2+$0xFFFFFFD0] =	vst v4;
	s2 =	smov.u32 s10  }
0x6e: {  	v2 =	vld.idx.msk [tilespmem:v5+s25+$0x0], $0xffff  }
0x6f: {  	v10 =	vld [tilespmem:s10+$0xFFFFFFE0]  }
0x70: {  	v3 =	vld [tilespmem:s10+$0x20]  }
.Ltmp1:
0x71: {  	v4 =	vld [tilespmem:s10+$0xFFFFFFD0];
	(pc) =	sbr.rel @p0 .LBB2_5-.Ltmp1, $3  }
0x72: {  	v5 =	vld [tilespmem:s10+$0x0];
	_ =	sdelay $0x1  }
0x73: {  	v7 =	vmul.f32 v7, v2;
	v9 =	vmul.f32 v6, v2  }
0x74: {  	v8 =	vmul.f32 v8, v2;
	v6 =	vmul.f32 v10, v2  }
0x75: {  	[tilespmem:s2+$0x30] =	vst v9  }
0x76: {  	[tilespmem:s2+$0xFFFFFFC0] =	vst v7  }
0x77: {  	v1 =	vmul.f32 v1, v2;
	[tilespmem:s2+$0x10] =	vst v8  }
0x78: {  	v3 =	vmul.f32 v3, v2;
	[tilespmem:s2+$0xFFFFFFE0] =	vst v6  }
0x79: {  	v5 =	vmul.f32 v5, v2;
	[tilespmem:s2+$0xFFFFFFF0] =	vst v1  }
0x7a: {  	s0 =	sadd.s32 $0x1, s0;
	v1 =	vmul.f32 v4, v2;
	[tilespmem:s2+$0x20] =	vst v3  }
0x7b: {  	p0 =	sne.s32 s0, $0x51;
	[tilespmem:s2+$0x0] =	vst v5  }
.Ltmp2:
0x7c: {  	[tilespmem:s2+$0xFFFFFFD0] =	vst v1;
	(pc) =	sbr.rel @p0 .LBB2_4-.Ltmp2, $4  }
0x7d: {  	[spmem:s1] =	stream.indirect.scatter.add.f32 [tilespmem:s28], [sflag:$0x2], $0x80, s24, s26, $0xb8;
	[tilespmem:$0x1A180] =	vst v63  }
0x7e: {  	_ =	swait.ge [sflag:s22], $0x4000  }
0x7f: {  	[sflag:s22] =	ssyncset.done $0x0  }
0x80: {  	[sflag:s22] =	ssyncadd.s32 $0xFFFFC000  }
0x81: {  	s0 =	stileid.u32  }
0x82: {  	[bflag:$0x0] =	sbarrier.arrive $0xFFFF;
	s0 =	sshll.u32 s0, $0x6  }
0x83: {  	s2 =	sshrl.u32 s8, $0x3;
	s3 =	rddreg [dreg:$0x3];
	s0 =	sor.u32 $0x1C02, s0  }
0x84: {  	[hbm:s3], [sflag:s0] =	dma.local [spmem:s2], $0x2800  }
0x85: {  	_ =	swait.ge [sflag:s22], $0x2800  }
0x86: {  	s30 =	sadd.s32 $0x1, s30;
	s11 =	rddreg [dreg:$0x4]  }
0x87: {  	p0 =	sne.s32 s30, s11  }
.Ltmp3:
0x88: {  	_ = 	snop;
	(pc) =	sbr.rel @p0 .LBB2_1-.Ltmp3, $3  }
0x89: {  	_ =	sdelay $0x1  }
0x8a: {  	[sflag:s22] =	ssyncset.done $0x0  }
0x8b: {  	[sflag:s22] =	ssyncadd.s32 $0xFFFFD800  }
0x8c: {  	_ =	sfence.sel $0x180000  }
0x8d: {  	[bflag:$0x0] =	sbarrier.arrive $0xFFFF  }
0x8e: {  	_ =	strace $0x90000050  }
0x8f: {  	s0 =	stileid.u32;
	[bflag:$0x2] =	sbarrier.arrive $0xFFFF  }
0x90: {  	p0 =	sne.s32 s0, $0x0;
	s0 =	rddreg [dreg:$0x2]  }
0x91: {  	s0 =	sadd.s32 @!p0 $0x100000, s0  }
0x92: {  	[sflag:s0] =	ssyncadd.tile.s32 @!p0 $0x1;
	_ =	shalt  }
.Lfunc_end2:
_tile_overlayer_lowered:
.L_overlay_start_2:
0x93: {  	(tag) =	ssettag $0x2  }
0x94: {  	s0 =	rddreg [dreg:$0x0];
	s2 =	stileid.u32  }
0x95: {  	s1 =	rddreg [dreg:$0x1];
	p0 =	sne.s32 s2, $0x0  }
0x96: {  	s3 =	rddreg [dreg:$0x2];
	[bflag:$0x3] =	sbarrier.arrive $0xFFFF;
	s2 =	simm.s32 @!p0 $0x1C02  }
0x97: {  	[timem:s3], [sflag:s2] =	dma.local @!p0 [hbm:s0], s1  }
0x98: {  	s0 =	simm.s32 @!p0 $0x2  }
0x99: {  	_ =	swait.ge @!p0 [sflag:s0], s1  }
0x9a: {  	s1 =	ssub.s32 @!p0 $0x0, s1;
	[sflag:s0] =	ssyncset.done @!p0 $0x0  }
0x9b: {  	[sflag:s0] =	ssyncadd.s32 @!p0 s1  }
0x9c: {  	[bflag:$0x3] =	sbarrier.arrive $0xFFFF  }
0x9d: {  	_ =	shalt  }

// kernel: kernel.26.cloned.1.call-start
scs
__scs_entry_jumppad:
0x0: {  	(pc) =	sbr.rel $0x88, $3  }
0x1: {  	(tag) =	ssettag $0x0;
	lr =	simm.s32 $0x1  }
0x2: {  	[smem:$0x3F8F] =	sst lr;
	_ =	strace $0xD0000000  }
0x3: {  	_ = 	snop  }
0x4: {  	_ = 	snop  }
0x5: {  	_ = 	snop  }
0x6: {  	_ = 	snop  }
0x7: {  	_ = 	snop  }
__scs_overlays_trampoline_lowered:
0x8: {  	[smem:$0x3F9E] =	sst s0  }
0x9: {  	[smem:$0x3F9F] =	sst s1  }
0xa: {  	[smem:$0x3FA0] =	sst s2  }
0xb: {  	[smem:$0x3FA1] =	sst s3  }
0xc: {  	[smem:$0x3FA2] =	sst s4  }
0xd: {  	[smem:$0x3FA3] =	sst s5  }
0xe: {  	[smem:$0x3FA4] =	sst s6  }
0xf: {  	[smem:$0x3FA5] =	sst s7  }
0x10: {  	[smem:$0x3FA6] =	sst s8  }
0x11: {  	[smem:$0x3FA7] =	sst s9;
	s0 =	simm.s32 @!p0 $0x0  }
0x12: {  	s1 =	sld [smem:$0x3F8D];
	s0 =	simm.s32 @p0 $0x1  }
0x13: {  	[smem:$0x3FA8] =	sst s0;
	s0 =	simm.s32 @!p1 $0x0  }
0x14: {  	s2 =	sld [smem:$0x3F8C];
	s0 =	simm.s32 @p1 $0x1  }
0x15: {  	[smem:$0x3FA9] =	sst s0;
	s0 =	simm.s32 @!p2 $0x0  }
0x16: {  	s3 =	sld [smem:$0x3FDB];
	s0 =	simm.s32 @p2 $0x1  }
0x17: {  	s4 =	simm.s32 $0x1BF5;
	[smem:$0x3FAB] =	sst s0  }
0x18: {  	s0 =	sld [smem:$0x3F8E];
	_ =	swait.ge [sflag:s4], $0x0  }
0x19: {  	s7 =	sld [smem:$0x3F8F]  }
0x1a: {  	s8 =	sadd.s32 $0xFFFFE003, lr  }
0x1b: {  	s9 =	sadd.s32 $0xFFFFFEF7, lr;
	s5 =	simm.s32 $0xFFFFFFFF;
	p2 =	slt.u32 s8, $0xFFFFF086  }
0x1c: {  	p1 =	slt.u32 s9, $0xF7A;
	s5 =	simm.s32 @!p2 $0x0  }
0x1d: {  	s5 =	simm.s32 @p1 $0x1;
	p0 =	seq.s32 s7, s2  }
0x1e: {  	s7 =	smul.u32 @!p0 $0xF7A, s2;
	p2 =	seq.s32 @!p0 s5, $0x0  }
0x1f: {  	s9 =	smul.u32 $0xF7A, s1;
	s8 =	simm.s32 @!p0 $0x1BF5;
	p2 =	por !p2, p0  }
0x20: {  	[sflag:s8] =	ssyncset.s32 @!p0 $0xFFFFF086;
	s6 =	sadd.s32 @!p0 s3, s7;
	s7 =	simm.s32 @!p0 $0x108  }
0x21: {  	s3 =	sadd.s32 s3, s9;
	s6 =	sadd.s32 @!p0 $0x88, s6;
	s7 =	simm.s32 @p2 $0x1082  }
0x22: {  	[simem:s7], [sflag:s8] =	dma.local @!p0 [hbm:s6], $0xF7A  }
0x23: {  	s9 =	sor.u32 $0xD0000000, s2;
	s6 =	simm.s32 $0x108;
	_ =	swait.ge @!p0 [sflag:s8], $0x0  }
0x24: {  	s3 =	sadd.s32 $0x88, s3;
	s6 =	simm.s32 @!p1 $0x1082;
	[sflag:s4] =	ssyncset.s32 $0xFFFFF086  }
0x25: {  	[simem:s6], [sflag:s4] =	dma.local [hbm:s3], $0xF7A  }
0x26: {  	[smem:$0x3F8F] =	sst s1;
	(tag) =	ssettag s2;
	_ =	strace s9  }
0x27: {  	s1 =	sld [smem:$0x3F9F]  }
0x28: {  	s2 =	sld [smem:$0x3FA0]  }
0x29: {  	s4 =	sld [smem:$0x3FA2]  }
0x2a: {  	p0 =	seq.s32 s5, $0x0;
	s5 =	sld [smem:$0x3FA3]  }
0x2b: {  	s6 =	sld [smem:$0x3FA4]  }
0x2c: {  	s7 =	sld [smem:$0x3FA5]  }
0x2d: {  	s3 =	simm.s32 $0x108;
	s8 =	sld [smem:$0x3FA6]  }
0x2e: {  	s3 =	simm.s32 @!p0 $0x1082;
	s9 =	sld [smem:$0x3FA7]  }
0x2f: {  	lr =	sadd.s32 s0, s3;
	s0 =	sld [smem:$0x3F9E]  }
0x30: {  	s3 =	sld [smem:$0x3FA1]  }
0x31: {  	[smem:$0x3FAA] =	sst s10  }
0x32: {  	s10 =	sld [smem:$0x3FA8];
	_ =	sdelay $0x3  }
0x33: {  	p0 =	seq.s32 s10, $0x1;
	s10 =	sld [smem:$0x3FAA];
	_ =	sdelay $0x3  }
0x34: {  	[smem:$0x3FAA] =	sst s10  }
0x35: {  	s10 =	sld [smem:$0x3FA9];
	_ =	sdelay $0x3  }
0x36: {  	p1 =	seq.s32 s10, $0x1;
	s10 =	sld [smem:$0x3FAA];
	_ =	sdelay $0x3  }
0x37: {  	[smem:$0x3FAA] =	sst s10  }
0x38: {  	s10 =	sld [smem:$0x3FAB]  }
0x39: {  	_ = 	snop;
	(pc) =	sbr.ind lr, $3  }
0x3a: {  	_ = 	snop  }
0x3b: {  	_ = 	snop  }
0x3c: {  	p2 =	seq.s32 s10, $0x1;
	s10 =	sld [smem:$0x3FAA]  }
0x3d: {  	_ =	shalt  }
0x3e: {  	_ =	shalt  }
0x3f: {  	_ =	shalt  }
0x40: {  	_ =	shalt  }
0x41: {  	_ =	shalt  }
0x42: {  	_ =	shalt  }
0x43: {  	_ =	shalt  }
0x44: {  	_ =	shalt  }
0x45: {  	_ =	shalt  }
0x46: {  	_ =	shalt  }
0x47: {  	_ =	shalt  }
0x48: {  	_ =	shalt  }
0x49: {  	_ =	shalt  }
0x4a: {  	_ =	shalt  }
0x4b: {  	_ =	shalt  }
0x4c: {  	_ =	shalt  }
0x4d: {  	_ =	shalt  }
0x4e: {  	_ =	shalt  }
0x4f: {  	_ =	shalt  }
0x50: {  	_ =	shalt  }
0x51: {  	_ =	shalt  }
0x52: {  	_ =	shalt  }
0x53: {  	_ =	shalt  }
0x54: {  	_ =	shalt  }
0x55: {  	_ =	shalt  }
0x56: {  	_ =	shalt  }
0x57: {  	_ =	shalt  }
0x58: {  	_ =	shalt  }
0x59: {  	_ =	shalt  }
0x5a: {  	_ =	shalt  }
0x5b: {  	_ =	shalt  }
0x5c: {  	_ =	shalt  }
0x5d: {  	_ =	shalt  }
0x5e: {  	_ =	shalt  }
0x5f: {  	_ =	shalt  }
0x60: {  	_ =	shalt  }
0x61: {  	_ =	shalt  }
0x62: {  	_ =	shalt  }
0x63: {  	_ =	shalt  }
0x64: {  	_ =	shalt  }
0x65: {  	_ =	shalt  }
0x66: {  	_ =	shalt  }
0x67: {  	_ =	shalt  }
0x68: {  	_ =	shalt  }
0x69: {  	_ =	shalt  }
0x6a: {  	_ =	shalt  }
0x6b: {  	_ =	shalt  }
0x6c: {  	_ =	shalt  }
0x6d: {  	_ =	shalt  }
0x6e: {  	_ =	shalt  }
0x6f: {  	_ =	shalt  }
0x70: {  	_ =	shalt  }
0x71: {  	_ =	shalt  }
0x72: {  	_ =	shalt  }
0x73: {  	_ =	shalt  }
0x74: {  	_ =	shalt  }
0x75: {  	_ =	shalt  }
0x76: {  	_ =	shalt  }
0x77: {  	_ =	shalt  }
0x78: {  	_ =	shalt  }
0x79: {  	_ =	shalt  }
0x7a: {  	_ =	shalt  }
0x7b: {  	_ =	shalt  }
0x7c: {  	_ =	shalt  }
0x7d: {  	_ =	shalt  }
0x7e: {  	_ =	shalt  }
0x7f: {  	_ =	shalt  }
0x80: {  	_ =	shalt  }
0x81: {  	_ =	shalt  }
0x82: {  	_ =	shalt  }
0x83: {  	_ =	shalt  }
0x84: {  	_ =	shalt  }
0x85: {  	_ =	shalt  }
0x86: {  	_ =	shalt  }
0x87: {  	_ =	shalt  }
.Lfunc_end0:
.L_simem_size_0:
called_computation.4_lowered:
.L_overlay_start_0:
0x88: {  	s2 =	sld [smem:$0x3FD9]  }
0x89: {  	s3 =	sld [smem:$0x3FFE];
	_ =	sdelay $0x1  }
0x8a: {  	s1 =	srdreg.scid  }
0x8b: {  	s0 =	sand.u32 $0x1, s1  }
0x8c: {  	s16 =	sshll.u32 s0, $0xA;
	s2 =	sadd.s32 s3, s2  }
0x8d: {  	s2 =	sadd.s32 s2, s16  }
0x8e: {  	[smem:$0x3FB6] =	sst s2  }
0x8f: {  	_ = 	snop  }
0x90: {  	(tm) =	ssettm $0x1  }
0x91: {  	s17 =	sld [smem:$0x3FFB];
	_ =	sdelay $0x3  }
0x92: {  	_ =	strace s17  }
0x93: {  	s2 =	sld [smem:$0x3FFC];
	_ =	sdelay $0x3  }
0x94: {  	_ =	strace s2  }
0x95: {  	s2 =	sld [smem:$0x3FFD];
	_ =	sdelay $0x3  }
0x96: {  	_ =	strace s2  }
0x97: {  	_ =	strace $0x8FFFFFFF  }
0x98: {  	s18 =	sld [smem:$0x3FDB];
	_ =	sdelay $0x1  }
0x99: {  	s19 =	simm.s32 $_scs_section_size  }
0x9a: {  	s4 =	simm.s32 $_size__tile_overlayer_lowered;
	s5 =	simm.s32 $_tile_overlayer_lowered  }
0x9b: {  	s22 =	simm.s32 $0x1BFF;
	s21 =	sshll.u32 s5, $0x1;
	s2 =	sadd.s32 s19, s18  }
0x9c: {  	s6 =	simm.s32 $0x0;
	s20 =	sshll.u32 s4, $0x1;
	s4 =	sadd.s32 s21, s2  }
0x9d: {  	[timem:s6], [sflag:s22] =	dma.local [hbm:s4], s20  }
0x9e: {  	_ =	swait.ge [sflag:s22], s20  }
0x9f: {  	s3 =	ssub.s32 $0x0, s20;
	[sflag:s22] =	ssyncset.done $0x0  }
0xa0: {  	[sflag:s22] =	ssyncadd.s32 s3;
	_ =	sdelay $0x1  }
0xa1: {  	s23 =	simm.s32 $0x1B8B  }
0xa2: {  	_ =	swait.ge [sflag:s23], $0x1  }
0xa3: {  	[sflag:s23] =	ssyncset.done $0x0  }
0xa4: {  	s25 =	simm.s32 $0x1B8E;
	s24 =	sld [smem:$0x3FFE];
	[sflag:s23] =	ssyncadd.s32 $0xFFFFFFFF  }
0xa5: {  	s26 =	simm.s32 $execute0_lowered;
	[smem:$0x3FD2] =	sst s25  }
0xa6: {  	s4 =	sshll.u32 s26, $0x1;
	_ =	strace $0x80000052;
	[dreg:$0x1] =	wrdreg $0xFFFFFFFF  }
0xa7: {  	s28 =	simm.s32 $_size_execute0_lowered;
	s2 =	sadd.s32 s2, s4;
	[dreg:$0x0] =	wrdreg $0x0  }
0xa8: {  	s4 =	sshll.u32 s28, $0x1;
	[dreg:$0x2] =	wrdreg s2  }
0xa9: {  	[dreg:$0x3] =	wrdreg s4  }
0xaa: {  	[dreg:$0x4] =	wrdreg $0xC0  }
0xab: {  	_ =	task [dreg:s6], $0x5FFFF  }
0xac: {  	[dreg:$0x1] =	wrdreg $0xFFFFFFFF  }
0xad: {  	[dreg:$0x0] =	wrdreg $0x60  }
0xae: {  	[dreg:$0x2] =	wrdreg s24  }
0xaf: {  	[dreg:$0x3] =	wrdreg $0x0  }
0xb0: {  	[dreg:$0x4] =	wrdreg $0x9  }
0xb1: {  	_ =	task.clear_ibuf [dreg:s6], $0x5FFFF;
	_ =	strace $0x90000052  }
0xb2: {  	s29 =	simm.s32 $0x9;
	_ =	strace $0x80000054  }
0xb3: {  	_ =	swait.ge [sflag:s29], $0x1  }
0xb4: {  	[sflag:s29] =	ssyncadd.s32 $0xFFFFFFFF  }
0xb5: {  	_ =	strace $0x90000054  }
0xb6: {  	_ =	sfence  }
0xb7: {  	s30 =	sld [smem:$0x0];
	_ =	sdelay $0x2  }
0xb8: {  	s31 =	sshll.u32 s1, $0xD;
	s1 =	sshrl.u32 s1, $0x2  }
0xb9: {  	s3 =	sand.u32 $0x4000, s31;
	s1 =	sadd.s32 s1, s30  }
0xba: {  	s0 =	sor.u32 s3, s0;
	s1 =	sshll.u32 s1, $0x11  }
0xbb: {  	s0 =	sor.u32 s1, s0  }
0xbc: {  	s0 =	sadd.s32 $0x8F2B, s0  }
0xbd: {  	[sflag:s0] =	ssyncadd.remote.s32 $0x1  }
0xbe: {  	_ =	sfence.sel $0xFFFF  }
0xbf: {  	[dreg:$0x0] =	wrdreg $0xFFFFFFFF;
	(pc) =	sbr.abs _section_cstart, $3  }
0xc0: {  	[dreg:$0x1] =	wrdreg $0xFFFFFFFF  }
0xc1: {  	_ =	task.clear_ibuf [dreg:s6], $0x2FFFF;
	_ =	strace $0x9FFFFFFF  }
0xc2: {  	(tm) =	ssettm $0x7FFFFFFF  }
0xc3: {  	_ =	shalt  }
tec
execute0_lowered:
.L_overlay_start_1:
0x0: {  	(tag) =	ssettag $0x1  }
0x1: {  	s0 =	rddreg [dreg:$0x0]  }
0x2: {  	s1 =	rddreg [dreg:$0x1];
	s2 =	srdreg.scid;
	s4 =	simm.s32 $0x0  }
0x3: {  	s10 =	stileid.u32;
	s21 =	simm.s32 $0x18180;
	s22 =	simm.s32 $0x2  }
0x4: {  	s23 =	simm.s32 $0x14000;
	s24 =	simm.s32 $0x14080;
	s28 =	simm.s32 $0x14180  }
0x5: {  	s29 =	simm.s32 $0x1;
	s30 =	simm.s32 $0x0;
	s31 =	simm.s32 $0x0  }
0x6: {  	s2 =	sand.u32 $0x1, s2;
	[smem:$0x7FF] =	sst s4;
	s6 =	smul.u32 $0x14000, s10  }
0x7: {  	s4 =	sadd.s32 $0x2D000, s0;
	s5 =	sadd.s32 $0x18600, s0;
	s8 =	smul.u32 $0x50000, s10  }
0x8: {  	s7 =	sadd.s32 $0x22E00, s0;
	s10 =	sshll.u32 s10, $0x1;
	s3 =	smul.u32 $0x140000, s2  }
0x9: {  	_ =	strace $0x80000053;
	s25 =	ssub.s32 $0x2, s2;
	s2 =	sor.u32 s2, s10  }
0xa: {  	s9 =	sshrl.u32 s25, $0x1;
	s8 =	sshrl.u32 s8, $0x2;
	s3 =	sadd.s32 s6, s3  }
0xb: {  	s6 =	sadd.s32 $0xE400, s0;
	s8 =	sadd.s32 s8, s1;
	s3 =	sshrl.u32 s3, $0x3  }
0xc: {  	s12 =	sadd.s32 $0x2000, s8;
	s13 =	sadd.s32 $0x4000, s8;
	s14 =	sadd.s32 $0x6000, s8  }
0xd: {  	s15 =	sadd.s32 $0x8000, s8;
	s16 =	sadd.s32 $0xA000, s8;
	s17 =	sadd.s32 $0xC000, s8  }
0xe: {  	s18 =	sadd.s32 $0xE000, s8;
	s19 =	sadd.s32 $0x10000, s8;
	s0 =	sadd.s32 s3, s0  }
0xf: {  	s20 =	sadd.s32 $0x12000, s8;
	s3 =	ssub.s32 s25, s9;
	s0 =	sadd.s32 $0x55000, s0  }
0x10: {  	s9 =	smul.u32 $0x51, s2;
	s26 =	smax.u32 s3, $0x1;
	[dreg:$0x3] =	wrdreg s0  }
0x11: {  	v0 =	vimm.f32 $0.0e+00;
	s25 =	simm.s32 $0x14100;
	[dreg:$0x4] =	wrdreg s26;
	s26 =	simm.s32 $0x80  }
.LBB2_1:
0x12: {  	s2 =	simm.s32 $0x0  }
0x13: {  	s0 =	sand.u32 $0x7E00, s2  }
0x14: {  	s2 =	sand.u32 $0x70, s2;
	s3 =	sshrl.u32 s0, $0x2  }
0x15: {  	s0 =	simm.s32 $0x40;
	s3 =	sor.u32 s2, s3;
	s2 =	simm.s32 $0x0  }
.LBB2_2:
0x16: {  	p0 =	sne.s32 s0, $0x7FC0  }
0x17: {  	[tilespmem:s3+$0x18180] =	vst v0;
	s2 =	sadd.s32 $0x10, s2;
	s3 =	smov.u32 s0;
	s0 =	sadd.s32 $0x40, s0  }
.Ltmp0:
0x18: {  	(pc) =	sbr.rel @p0 .LBB2_2-.Ltmp0, $4  }
0x19: {  	_ = 	snop  }
0x1a: {  	s3 =	sand.u32 $0x7E00, s3  }
0x1b: {  	s10 =	sand.u32 $0x70, s2;
	s3 =	sshrl.u32 s3, $0x2  }
0x1c: {  	s3 =	sor.u32 s10, s3  }
0x1d: {  	[tilespmem:s3+$0x18180] =	vst v0  }
0x1e: {  	[spmem:s8] =	stream.linear.scatter [tilespmem:s21], [sflag:$0x2], $0x2000, $0x38;
	[tilespmem:$0x1A180] =	vst v63  }
0x1f: {  	_ =	swait.ge [sflag:s22], $0x2000  }
0x20: {  	[sflag:s22] =	ssyncset.done $0x0  }
0x21: {  	[sflag:s22] =	ssyncadd.s32 $0xFFFFE000  }
0x22: {  	[spmem:s12] =	stream.linear.scatter [tilespmem:s21], [sflag:$0x2], $0x2000, $0x38;
	[tilespmem:$0x1A180] =	vst v63  }
0x23: {  	_ =	swait.ge [sflag:s22], $0x2000  }
0x24: {  	[sflag:s22] =	ssyncset.done $0x0  }
0x25: {  	[sflag:s22] =	ssyncadd.s32 $0xFFFFE000  }
0x26: {  	[spmem:s13] =	stream.linear.scatter [tilespmem:s21], [sflag:$0x2], $0x2000, $0x38;
	[tilespmem:$0x1A180] =	vst v63  }
0x27: {  	_ =	swait.ge [sflag:s22], $0x2000  }
0x28: {  	[sflag:s22] =	ssyncset.done $0x0  }
0x29: {  	[sflag:s22] =	ssyncadd.s32 $0xFFFFE000  }
0x2a: {  	[spmem:s14] =	stream.linear.scatter [tilespmem:s21], [sflag:$0x2], $0x2000, $0x38;
	[tilespmem:$0x1A180] =	vst v63  }
0x2b: {  	_ =	swait.ge [sflag:s22], $0x2000  }
0x2c: {  	[sflag:s22] =	ssyncset.done $0x0  }
0x2d: {  	[sflag:s22] =	ssyncadd.s32 $0xFFFFE000  }
0x2e: {  	[spmem:s15] =	stream.linear.scatter [tilespmem:s21], [sflag:$0x2], $0x2000, $0x38;
	[tilespmem:$0x1A180] =	vst v63  }
0x2f: {  	_ =	swait.ge [sflag:s22], $0x2000  }
0x30: {  	[sflag:s22] =	ssyncset.done $0x0  }
0x31: {  	[sflag:s22] =	ssyncadd.s32 $0xFFFFE000  }
0x32: {  	[spmem:s16] =	stream.linear.scatter [tilespmem:s21], [sflag:$0x2], $0x2000, $0x38;
	[tilespmem:$0x1A180] =	vst v63  }
0x33: {  	_ =	swait.ge [sflag:s22], $0x2000  }
0x34: {  	[sflag:s22] =	ssyncset.done $0x0  }
0x35: {  	[sflag:s22] =	ssyncadd.s32 $0xFFFFE000  }
0x36: {  	[spmem:s17] =	stream.linear.scatter [tilespmem:s21], [sflag:$0x2], $0x2000, $0x38;
	[tilespmem:$0x1A180] =	vst v63  }
0x37: {  	_ =	swait.ge [sflag:s22], $0x2000  }
0x38: {  	[sflag:s22] =	ssyncset.done $0x0  }
0x39: {  	[sflag:s22] =	ssyncadd.s32 $0xFFFFE000  }
0x3a: {  	[spmem:s18] =	stream.linear.scatter [tilespmem:s21], [sflag:$0x2], $0x2000, $0x38;
	[tilespmem:$0x1A180] =	vst v63  }
0x3b: {  	_ =	swait.ge [sflag:s22], $0x2000  }
0x3c: {  	[sflag:s22] =	ssyncset.done $0x0  }
0x3d: {  	[sflag:s22] =	ssyncadd.s32 $0xFFFFE000  }
0x3e: {  	[spmem:s19] =	stream.linear.scatter [tilespmem:s21], [sflag:$0x2], $0x2000, $0x38;
	[tilespmem:$0x1A180] =	vst v63  }
0x3f: {  	_ =	swait.ge [sflag:s22], $0x2000  }
0x40: {  	[sflag:s22] =	ssyncset.done $0x0  }
0x41: {  	[sflag:s22] =	ssyncadd.s32 $0xFFFFE000  }
0x42: {  	[spmem:s20] =	stream.linear.scatter [tilespmem:s21], [sflag:$0x2], $0x2000, $0x38;
	[tilespmem:$0x1A180] =	vst v63  }
0x43: {  	_ =	swait.ge [sflag:s22], $0x2000  }
0x44: {  	[sflag:s22] =	ssyncset.done $0x0  }
0x45: {  	[sflag:s22] =	ssyncadd.s32 $0xFFFFE000  }
0x46: {  	s0 =	simm.s32 $0x0;
	[bflag:$0x0] =	sbarrier.arrive $0xFFFF  }
.LBB2_4:
0x47: {  	s2 =	sadd.s32 s9, s0  }
0x48: {  	s2 =	sshll.u32 s2, $0x4  }
0x49: {  	s3 =	sadd.s32 s5, s2  }
0x4a: {  	[tilespmem:s23], [sflag:$0x2] =	stream.linear.gather [hbm4b:s3+s31], $0x80, $0x38;
	[tilespmem:$0x1A180] =	vst v63  }
0x4b: {  	_ =	swait.ge [sflag:s22], $0x80  }
0x4c: {  	[sflag:s22] =	ssyncset.done $0x0  }
0x4d: {  	s11 =	sadd.s32 s6, s2;
	[sflag:s22] =	ssyncadd.s32 $0xFFFFFF80  }
0x4e: {  	[tilespmem:s24], [sflag:$0x2] =	stream.linear.gather [hbm4b:s11+s31], $0x80, $0x38;
	[tilespmem:$0x1A180] =	vst v63  }
0x4f: {  	_ =	swait.ge [sflag:s22], $0x80  }
0x50: {  	[sflag:s22] =	ssyncset.done $0x0  }
0x51: {  	s2 =	sadd.s32 s7, s2;
	[sflag:s22] =	ssyncadd.s32 $0xFFFFFF80  }
0x52: {  	[tilespmem:s25], [sflag:$0x2] =	stream.linear.gather [hbm4b:s2+s31], $0x80, $0x38;
	[tilespmem:$0x1A180] =	vst v63  }
0x53: {  	_ =	swait.ge [sflag:s22], $0x80  }
0x54: {  	[sflag:s22] =	ssyncset.done $0x0  }
0x55: {  	[sflag:s22] =	ssyncadd.s32 $0xFFFFFF80  }
0x56: {  	[tilespmem:s28], [sflag:$0x1] =	stream.indirect.gather [hbm4b:s4+s26], $0x80, s23, s26, $0xb8;
	[tilespmem:$0x1A180] =	vst v63  }
0x57: {  	_ =	swait.ge [sflag:s29], $0x4000  }
0x58: {  	v1 =	vmov s31;
	[sflag:s29] =	ssyncset.done $0x0  }
0x59: {  	s2 =	simm.s32 $0x141C0;
	[sflag:s29] =	ssyncadd.s32 $0xFFFFC000  }
0x5a: {  	v5 =	vld [tilespmem:s2+$0x30]  }
0x5b: {  	v8 =	vld [tilespmem:s2+$0x10]  }
0x5c: {  	v6 =	vld [tilespmem:s2+$0xFFFFFFC0]  }
0x5d: {  	v2 =	vld.idx.msk [tilespmem:v1+s25+$0x0], $0xffff  }
0x5e: {  	v10 =	vld [tilespmem:s2+$0xFFFFFFE0]  }
0x5f: {  	v1 =	vld [tilespmem:s2+$0xFFFFFFF0]  }
0x60: {  	v3 =	vld [tilespmem:s2+$0x20]  }
0x61: {  	v4 =	vld [tilespmem:s2+$0xFFFFFFD0]  }
0x62: {  	v9 =	vmul.f32 v5, v2;
	v5 =	vld [tilespmem:s2+$0x0]  }
0x63: {  	v7 =	vmul.f32 v6, v2  }
0x64: {  	s10 =	simm.s32 $0x141C0;
	s3 =	simm.s32 $0x1;
	v6 =	vmul.f32 v10, v2;
	v8 =	vmul.f32 v8, v2  }
.LBB2_5:
0x65: {  	p0 =	sne.s32 s3, $0x7F  }
0x66: {  	v4 =	vmul.f32 v4, v2;
	v3 =	vmul.f32 v3, v2;
	[tilespmem:s2+$0x30] =	vst v9;
	s10 =	sadd.s32 $0x80, s10;
	s11 =	smov.u32 s3;
	s3 =	sadd.s32 $0x1, s3  }
0x67: {  	[tilespmem:s2+$0xFFFFFFC0] =	vst v7;
	v7 =	vmul.f32 v1, v2;
	v2 =	vmul.f32 v5, v2  }
0x68: {  	[tilespmem:s2+$0x10] =	vst v8  }
0x69: {  	v5 =	vmov s11;
	[tilespmem:s2+$0xFFFFFFE0] =	vst v6  }
0x6a: {  	v1 =	vld [tilespmem:s10+$0xFFFFFFF0];
	[tilespmem:s2+$0xFFFFFFF0] =	vst v7  }
0x6b: {  	v6 =	vld [tilespmem:s10+$0x30];
	[tilespmem:s2+$0x0] =	vst v2  }
0x6c: {  	v8 =	vld [tilespmem:s10+$0x10];
	[tilespmem:s2+$0x20] =	vst v3  }
0x6d: {  	v7 =	vld [tilespmem:s10+$0xFFFFFFC0];
	[tilespmem:s2+$0xFFFFFFD0] =	vst v4;
	s2 =	smov.u32 s10  }
0x6e: {  	v2 =	vld.idx.msk [tilespmem:v5+s25+$0x0], $0xffff  }
0x6f: {  	v10 =	vld [tilespmem:s10+$0xFFFFFFE0]  }
0x70: {  	v3 =	vld [tilespmem:s10+$0x20]  }
.Ltmp1:
0x71: {  	v4 =	vld [tilespmem:s10+$0xFFFFFFD0];
	(pc) =	sbr.rel @p0 .LBB2_5-.Ltmp1, $3  }
0x72: {  	v5 =	vld [tilespmem:s10+$0x0];
	_ =	sdelay $0x1  }
0x73: {  	v7 =	vmul.f32 v7, v2;
	v9 =	vmul.f32 v6, v2  }
0x74: {  	v8 =	vmul.f32 v8, v2;
	v6 =	vmul.f32 v10, v2  }
0x75: {  	[tilespmem:s2+$0x30] =	vst v9  }
0x76: {  	[tilespmem:s2+$0xFFFFFFC0] =	vst v7  }
0x77: {  	v1 =	vmul.f32 v1, v2;
	[tilespmem:s2+$0x10] =	vst v8  }
0x78: {  	v3 =	vmul.f32 v3, v2;
	[tilespmem:s2+$0xFFFFFFE0] =	vst v6  }
0x79: {  	v5 =	vmul.f32 v5, v2;
	[tilespmem:s2+$0xFFFFFFF0] =	vst v1  }
0x7a: {  	s0 =	sadd.s32 $0x1, s0;
	v1 =	vmul.f32 v4, v2;
	[tilespmem:s2+$0x20] =	vst v3  }
0x7b: {  	p0 =	sne.s32 s0, $0x51;
	[tilespmem:s2+$0x0] =	vst v5  }
.Ltmp2:
0x7c: {  	[tilespmem:s2+$0xFFFFFFD0] =	vst v1;
	(pc) =	sbr.rel @p0 .LBB2_4-.Ltmp2, $4  }
0x7d: {  	[spmem:s1] =	stream.indirect.scatter.add.f32 [tilespmem:s28], [sflag:$0x2], $0x80, s24, s26, $0xb8;
	[tilespmem:$0x1A180] =	vst v63  }
0x7e: {  	_ =	swait.ge [sflag:s22], $0x4000  }
0x7f: {  	[sflag:s22] =	ssyncset.done $0x0  }
0x80: {  	[sflag:s22] =	ssyncadd.s32 $0xFFFFC000  }
0x81: {  	s0 =	stileid.u32  }
0x82: {  	[bflag:$0x0] =	sbarrier.arrive $0xFFFF;
	s0 =	sshll.u32 s0, $0x6  }
0x83: {  	s2 =	sshrl.u32 s8, $0x3;
	s3 =	rddreg [dreg:$0x3];
	s0 =	sor.u32 $0x1C02, s0  }
0x84: {  	[hbm:s3], [sflag:s0] =	dma.local [spmem:s2], $0x2800  }
0x85: {  	_ =	swait.ge [sflag:s22], $0x2800  }
0x86: {  	s30 =	sadd.s32 $0x1, s30;
	s11 =	rddreg [dreg:$0x4]  }
0x87: {  	p0 =	sne.s32 s30, s11  }
.Ltmp3:
0x88: {  	_ = 	snop;
	(pc) =	sbr.rel @p0 .LBB2_1-.Ltmp3, $3  }
0x89: {  	_ =	sdelay $0x1  }
0x8a: {  	[sflag:s22] =	ssyncset.done $0x0  }
0x8b: {  	[sflag:s22] =	ssyncadd.s32 $0xFFFFD800  }
0x8c: {  	_ =	sfence.sel $0x180000  }
0x8d: {  	[bflag:$0x0] =	sbarrier.arrive $0xFFFF  }
0x8e: {  	_ =	strace $0x90000053  }
0x8f: {  	s0 =	stileid.u32;
	[bflag:$0x2] =	sbarrier.arrive $0xFFFF  }
0x90: {  	p0 =	sne.s32 s0, $0x0;
	s0 =	rddreg [dreg:$0x2]  }
0x91: {  	s0 =	sadd.s32 @!p0 $0x100000, s0  }
0x92: {  	[sflag:s0] =	ssyncadd.tile.s32 @!p0 $0x1;
	_ =	shalt  }
.Lfunc_end2:
_tile_overlayer_lowered:
.L_overlay_start_2:
0x93: {  	(tag) =	ssettag $0x2  }
0x94: {  	s0 =	rddreg [dreg:$0x0];
	s2 =	stileid.u32  }
0x95: {  	s1 =	rddreg [dreg:$0x1];
	p0 =	sne.s32 s2, $0x0  }
0x96: {  	s3 =	rddreg [dreg:$0x2];
	[bflag:$0x3] =	sbarrier.arrive $0xFFFF;
	s2 =	simm.s32 @!p0 $0x1C02  }
0x97: {  	[timem:s3], [sflag:s2] =	dma.local @!p0 [hbm:s0], s1  }
0x98: {  	s0 =	simm.s32 @!p0 $0x2  }
0x99: {  	_ =	swait.ge @!p0 [sflag:s0], s1  }
0x9a: {  	s1 =	ssub.s32 @!p0 $0x0, s1;
	[sflag:s0] =	ssyncset.done @!p0 $0x0  }
0x9b: {  	[sflag:s0] =	ssyncadd.s32 @!p0 s1  }
0x9c: {  	[bflag:$0x3] =	sbarrier.arrive $0xFFFF  }
0x9d: {  	_ =	shalt  }

</sc_bundles>
